<compile_context>
chip_gen: v7x
topology: tpu7x:2x2x1
jax: 0.10.2.dev20260603
libtpu: 0.0.44.dev20260713+nightly
codegen_flags: <defaults>
</compile_context>

<pallas_src>
import functools

import jax
import jax.numpy as jnp
from jax import lax
from jax.experimental import pallas as pl
from jax.experimental.pallas import tpu as pltpu
from jax.experimental.pallas import tpu_sc as plsc

VOCAB = 1000000
B = 4096
L = 200
DIM = 64
LANES = 16

_info = plsc.get_sparse_core_info()
NC = _info.num_cores
NS = _info.num_subcores
NW = NC * NS
EPW = B // NW
TOK = EPW * L
C1 = 104
C2 = 96
LPAD = 208
NBUF = 8
RB = 8192

_mesh = plsc.VectorSubcoreMesh(core_axis_name="c", subcore_axis_name="s")

_DNUMS = lax.GatherDimensionNumbers(
    offset_dims=(), collapsed_slice_dims=(0,), start_index_map=(0,))


def _permute(x, idx):
    return lax.gather(x, idx[:, None], _DNUMS, (1,),
                      mode=lax.GatherScatterMode.PROMISE_IN_BOUNDS)


def _tv_body(w_ref, table_ref, out_ref):
    out_ref[...] = lax.dot_general(
        w_ref[...], table_ref[...],
        dimension_numbers=(((1,), (1,)), ((), ())),
        preferred_element_type=jnp.float32)


_tv_call = pl.pallas_call(
    _tv_body,
    grid=((VOCAB + RB - 1) // RB,),
    in_specs=[
        pl.BlockSpec((1, DIM), lambda i: (0, 0)),
        pl.BlockSpec((RB, DIM), lambda i: (i, 0)),
    ],
    out_specs=pl.BlockSpec((1, RB), lambda i: (0, i)),
    out_shape=jax.ShapeDtypeStruct((1, VOCAB), jnp.float32),
)


@functools.partial(
    pl.kernel,
    mesh=_mesh,
    compiler_params=pltpu.CompilerParams(use_tc_tiling_on_sc=False),
    out_type=jax.ShapeDtypeStruct((B,), jnp.float32),
    scratch_types=[
        pltpu.VMEM((TOK,), jnp.int32),
        pltpu.VMEM((EPW,), jnp.int32),
        pltpu.VMEM((LANES,), jnp.float32),
        pltpu.VMEM((NBUF, LPAD), jnp.float32),
        pltpu.VMEM((EPW,), jnp.float32),
        pltpu.SemaphoreType.DMA,
        pltpu.SemaphoreType.DMA,
        pltpu.SemaphoreType.DMA,
        pltpu.SemaphoreType.DMA,
        pltpu.SemaphoreType.DMA,
        pltpu.SemaphoreType.DMA,
        pltpu.SemaphoreType.DMA,
        pltpu.SemaphoreType.DMA,
    ],
)
def _gather_pool(tflat_hbm, lens_hbm, tv_hbm, b_hbm, out_hbm,
                 tidx, len_v, b_v, ring, out_v,
                 sem0, sem1, sem2, sem3, sem4, sem5, sem6, sem7):
    wid = lax.axis_index("s") * NC + lax.axis_index("c")
    base = pl.multiple_of(wid * EPW, 8)
    sems = (sem0, sem1, sem2, sem3, sem4, sem5, sem6, sem7)

    pltpu.sync_copy(tflat_hbm.at[pl.ds(base * L, TOK)], tidx)
    pltpu.sync_copy(lens_hbm.at[pl.ds(base, EPW)], len_v)
    pltpu.sync_copy(b_hbm, b_v)

    bv = b_v[...]
    lane = lax.broadcasted_iota(jnp.int32, (LANES,), 0)
    zerov = jnp.zeros((LANES,), jnp.float32)

    def issue(e, u, sem):
        off = pl.multiple_of(e * L, 8)
        pltpu.async_copy(
            tv_hbm.at[tidx.at[pl.ds(off, C1)]],
            ring.at[u, pl.ds(0, C1)], sem)
        pltpu.async_copy(
            tv_hbm.at[tidx.at[pl.ds(off + C1, C2)]],
            ring.at[u, pl.ds(C1, C2)], sem)

    def drain(u, sem):
        pltpu.make_async_copy(
            tv_hbm.at[pl.ds(0, L)], ring.at[u, pl.ds(0, L)], sem).wait()

    def process(e, u, cur):
        e16 = e % LANES
        g0 = pl.multiple_of(e - e16, LANES)
        lv = len_v[pl.ds(g0, LANES)]
        lsplat = _permute(lv, jnp.full((LANES,), e16, jnp.int32))
        s = zerov
        for k in range(LPAD // LANES):
            v = ring[u, pl.ds(k * LANES, LANES)]
            pos = lane + (k * LANES)
            s = s + jnp.where(pos < lsplat, v, zerov)
        for sh in (8, 4, 2, 1):
            s = s + _permute(s, lane ^ sh)
        cur = jnp.where(lane == e16, s, cur)

        @pl.when(e16 == LANES - 1)
        def _():
            lg = len_v[pl.ds(g0, LANES)].astype(jnp.float32)
            out_v[pl.ds(g0, LANES)] = cur / lg + bv

        return cur

    for u in range(NBUF):
        issue(u, u, sems[u])

    def body(i, cur):
        for u in range(NBUF):
            e = i * NBUF + u
            drain(u, sems[u])
            cur = process(e, u, cur)

            @pl.when(e + NBUF < EPW)
            def _():
                issue(e + NBUF, u, sems[u])
        return cur

    lax.fori_loop(0, EPW // NBUF, body, zerov)
    pltpu.sync_copy(out_v, out_hbm.at[pl.ds(base, EPW)])


def kernel(text, text_lengths, table, W, b):
    tv = _tv_call(W.astype(jnp.float32).reshape(1, DIM), table).reshape(VOCAB)
    tflat = text.astype(jnp.int32).reshape(-1)
    lens = text_lengths.astype(jnp.int32)
    b16 = jnp.broadcast_to(b.astype(jnp.float32), (LANES,))
    out = _gather_pool(tflat, lens, tv, b16)
    return out.reshape(B, 1)

# --- scband reference (transcript-rebuilt; emitter-appended) ---
"""Pipeline reference for scband-imdb-fcn-7430293422287 (READ-ONLY COPY).

The authoritative reference and input builder live on the scoring server;
editing this copy changes nothing except your own understanding.
"""

import jax, jax.numpy as jnp
import numpy as np

VOCAB = 1000000
DIM = 64
PAD_IDX = 0
B = 4096
L = 200

def setup_inputs(seed: int = 0) -> dict:
    key = jax.random.key(seed)
    k1, k2, k3, k4 = jax.random.split(key, 4)
    text = jax.random.randint(k1, (B, L), 0, VOCAB)
    # lengths in [1, L] so the per-example mean is well-defined
    text_lengths = jax.random.randint(k2, (B,), 1, L + 1)
    table = jax.random.normal(k3, (VOCAB, DIM), dtype=jnp.float32) * 0.02
    # nn.Embedding padding_idx row is zero
    table = table.at[PAD_IDX].set(0.0)
    W = jax.random.normal(k4, (DIM, 1), dtype=jnp.float32) * (1.0 / np.sqrt(DIM))
    b = jnp.zeros((1,), dtype=jnp.float32)
    return {"text": text, "text_lengths": text_lengths, "table": table, "W": W, "b": b}

def reference(text, text_lengths, table, W, b):
    # embedding lookup (dropout is identity in eval mode)
    emb = jnp.take(table, text, axis=0)  # [B, L, DIM]
    # per-example masked mean over the first text_lengths[i] tokens,
    # vectorized equivalent of the python loop in the torch module
    mask = (jnp.arange(L)[None, :] < text_lengths[:, None]).astype(emb.dtype)  # [B, L]
    pooled = (emb * mask[:, :, None]).sum(axis=1) / text_lengths[:, None].astype(emb.dtype)  # [B, DIM]
    return pooled @ W + b  # [B, 1]

if __name__ == "__main__":
    import jax
    _d = setup_inputs()
    print(jax.jit(kernel)(*tuple(_d.values())))

</pallas_src>

<mosaic_0001>
#map = affine_map<(d0, d1) -> (0)>
module attributes {stable_mosaic.version = 14 : i64} {
  func.func @_gather_pool(%arg0: i32, %arg1: i32, %arg2: memref<819200xi32, #tpu.memory_space<hbm>>, %arg3: memref<4096xi32, #tpu.memory_space<hbm>>, %arg4: memref<1000000xf32, #tpu.memory_space<hbm>>, %arg5: memref<16xf32, #tpu.memory_space<hbm>>, %arg6: memref<4096xf32, #tpu.memory_space<hbm>>, %arg7: memref<25600xi32, #tpu.memory_space<vmem>>, %arg8: memref<128xi32, #tpu.memory_space<vmem>>, %arg9: memref<16xf32, #tpu.memory_space<vmem>>, %arg10: memref<8x208xf32, #tpu.memory_space<vmem>>, %arg11: memref<128xf32, #tpu.memory_space<vmem>>, %arg12: memref<!tpu.dma_semaphore, #tpu.memory_space<semaphore_mem>>, %arg13: memref<!tpu.dma_semaphore, #tpu.memory_space<semaphore_mem>>, %arg14: memref<!tpu.dma_semaphore, #tpu.memory_space<semaphore_mem>>, %arg15: memref<!tpu.dma_semaphore, #tpu.memory_space<semaphore_mem>>, %arg16: memref<!tpu.dma_semaphore, #tpu.memory_space<semaphore_mem>>, %arg17: memref<!tpu.dma_semaphore, #tpu.memory_space<semaphore_mem>>, %arg18: memref<!tpu.dma_semaphore, #tpu.memory_space<semaphore_mem>>, %arg19: memref<!tpu.dma_semaphore, #tpu.memory_space<semaphore_mem>>) attributes {dimension_semantics = [#tpu.dimension_semantics<core_parallel>, #tpu.dimension_semantics<subcore_parallel>], iteration_bounds = array<i64: 2, 16>, scalar_prefetch = 0 : i64, scratch_operands = 13 : i64, tpu.core_type = #tpu.core_type<sc_vector_subcore>, window_params = [{transform_indices = #map}, {transform_indices = #map}, {transform_indices = #map}, {transform_indices = #map}, {transform_indices = #map}]} {
    %mul3A = arith.constant 2 : i32
    %mul3A_0 = arith.muli %arg1, %mul3A : i32
    %add3A = arith.addi %mul3A_0, %arg0 : i32
    %mul3A_1 = arith.constant 128 : i32
    %mul3A_2 = arith.muli %add3A, %mul3A_1 : i32
    %multiple_of3A = tpu.assume_multiple %mul3A_2, 8 : i32
    %mul3A_3 = arith.constant 200 : i32
    %mul3A_4 = arith.muli %multiple_of3A, %mul3A_3 : i32
    "tpu.region"() ({
      %run_scoped3A = tpu.sem_alloc : memref<!tpu.dma_semaphore, #tpu.memory_space<semaphore_mem>>
      %dma_start3A_156 = tpu.memref_slice %arg2[%mul3A_4] : memref<819200xi32, #tpu.memory_space<hbm>> -> memref<25600xi32, #tpu.memory_space<hbm>>
      %dma_start3A_157 = tpu.memref_slice %arg2[%mul3A_4] : memref<819200xi32, #tpu.memory_space<hbm>> -> memref<25600xi32, #tpu.memory_space<hbm>>
      tpu.enqueue_dma source(%dma_start3A_157 : memref<25600xi32, #tpu.memory_space<hbm>>) target(%arg7 : memref<25600xi32, #tpu.memory_space<vmem>>) target_semaphore(%run_scoped3A : memref<!tpu.dma_semaphore, #tpu.memory_space<semaphore_mem>>)
      %dma_wait3A = tpu.memref_slice %arg2[%mul3A_4] : memref<819200xi32, #tpu.memory_space<hbm>> -> memref<25600xi32, #tpu.memory_space<hbm>>
      %dma_wait3A_158 = tpu.memref_slice %arg2[%mul3A_4] : memref<819200xi32, #tpu.memory_space<hbm>> -> memref<25600xi32, #tpu.memory_space<hbm>>
      tpu.wait_dma2 semaphore(%run_scoped3A : memref<!tpu.dma_semaphore, #tpu.memory_space<semaphore_mem>>) src(%dma_wait3A_158 : memref<25600xi32, #tpu.memory_space<hbm>>) dst(%arg7 : memref<25600xi32, #tpu.memory_space<vmem>>)
      tpu.yield
    }) : () -> ()
    "tpu.region"() ({
      %run_scoped3A = tpu.sem_alloc : memref<!tpu.dma_semaphore, #tpu.memory_space<semaphore_mem>>
      %dma_start3A_156 = tpu.memref_slice %arg3[%multiple_of3A] : memref<4096xi32, #tpu.memory_space<hbm>> -> memref<128xi32, #tpu.memory_space<hbm>>
      %dma_start3A_157 = tpu.memref_slice %arg3[%multiple_of3A] : memref<4096xi32, #tpu.memory_space<hbm>> -> memref<128xi32, #tpu.memory_space<hbm>>
      tpu.enqueue_dma source(%dma_start3A_157 : memref<128xi32, #tpu.memory_space<hbm>>) target(%arg8 : memref<128xi32, #tpu.memory_space<vmem>>) target_semaphore(%run_scoped3A : memref<!tpu.dma_semaphore, #tpu.memory_space<semaphore_mem>>)
      %dma_wait3A = tpu.memref_slice %arg3[%multiple_of3A] : memref<4096xi32, #tpu.memory_space<hbm>> -> memref<128xi32, #tpu.memory_space<hbm>>
      %dma_wait3A_158 = tpu.memref_slice %arg3[%multiple_of3A] : memref<4096xi32, #tpu.memory_space<hbm>> -> memref<128xi32, #tpu.memory_space<hbm>>
      tpu.wait_dma2 semaphore(%run_scoped3A : memref<!tpu.dma_semaphore, #tpu.memory_space<semaphore_mem>>) src(%dma_wait3A_158 : memref<128xi32, #tpu.memory_space<hbm>>) dst(%arg8 : memref<128xi32, #tpu.memory_space<vmem>>)
      tpu.yield
    }) : () -> ()
    "tpu.region"() ({
      %run_scoped3A = tpu.sem_alloc : memref<!tpu.dma_semaphore, #tpu.memory_space<semaphore_mem>>
      tpu.enqueue_dma source(%arg5 : memref<16xf32, #tpu.memory_space<hbm>>) target(%arg9 : memref<16xf32, #tpu.memory_space<vmem>>) target_semaphore(%run_scoped3A : memref<!tpu.dma_semaphore, #tpu.memory_space<semaphore_mem>>)
      tpu.wait_dma2 semaphore(%run_scoped3A : memref<!tpu.dma_semaphore, #tpu.memory_space<semaphore_mem>>) src(%arg5 : memref<16xf32, #tpu.memory_space<hbm>>) dst(%arg9 : memref<16xf32, #tpu.memory_space<vmem>>)
      tpu.yield
    }) : () -> ()
    %get3A = arith.constant 0 : index
    %get3A_5 = tpu.vector_load %arg9[%get3A] {strides = array<i32>} : memref<16xf32, #tpu.memory_space<vmem>>, vector<16xf32>,
    %get3A_6 = vector.shape_cast %get3A_5 : vector<16xf32> to vector<16xf32>
    %iota3A = tpu.iota {dimensions = array<i32: 0>} : vector<16xi32>
    %broadcast_in_dim3A = arith.constant 0.000000e+00 : f32
    %broadcast_in_dim3A_7 = vector.broadcast %broadcast_in_dim3A : f32 to vector<16xf32>
    %multiple_of3A_8 = arith.constant 0 : i32
    %multiple_of3A_9 = tpu.assume_multiple %multiple_of3A_8, 8 : i32
    %dma_start3A = arith.constant 0 : i32
    %dma_start3A_10 = arith.constant 0 : i32
    %dma_start3A_11 = tpu.memref_slice %arg10[%dma_start3A, %dma_start3A_10] : memref<8x208xf32, #tpu.memory_space<vmem>> -> memref<1x104xf32, #tpu.memory_space<vmem>>
    %dma_start3A_12 = tpu.memref_squeeze %dma_start3A_11 : memref<1x104xf32, #tpu.memory_space<vmem>> -> memref<104xf32, #tpu.memory_space<vmem>>
    %dma_start3A_13 = tpu.memref_slice %arg7[%multiple_of3A_9] : memref<25600xi32, #tpu.memory_space<vmem>> -> memref<104xi32, #tpu.memory_space<vmem>>
    %dma_start3A_14 = arith.constant 0 : i32
    %dma_start3A_15 = tpu.memref_slice %arg4[%dma_start3A_14] : memref<1000000xf32, #tpu.memory_space<hbm>> -> memref<1000000xf32, #tpu.memory_space<hbm>>
    tpu.enqueue_indirect_dma source(%dma_start3A_15 : memref<1000000xf32, #tpu.memory_space<hbm>>) target(%dma_start3A_12 : memref<104xf32, #tpu.memory_space<vmem>>) offsets(%dma_start3A_13 : memref<104xi32, #tpu.memory_space<vmem>>) semaphore(%arg12 : memref<!tpu.dma_semaphore, #tpu.memory_space<semaphore_mem>>)
    %add3A_16 = arith.constant 104 : i32
    %add3A_17 = arith.addi %multiple_of3A_9, %add3A_16 : i32
    %dma_start3A_18 = arith.constant 0 : i32
    %dma_start3A_19 = arith.constant 104 : i32
    %dma_start3A_20 = tpu.memref_slice %arg10[%dma_start3A_18, %dma_start3A_19] : memref<8x208xf32, #tpu.memory_space<vmem>> -> memref<1x96xf32, #tpu.memory_space<vmem>>
    %dma_start3A_21 = tpu.memref_squeeze %dma_start3A_20 : memref<1x96xf32, #tpu.memory_space<vmem>> -> memref<96xf32, #tpu.memory_space<vmem>>
    %dma_start3A_22 = tpu.memref_slice %arg7[%add3A_17] : memref<25600xi32, #tpu.memory_space<vmem>> -> memref<96xi32, #tpu.memory_space<vmem>>
    %dma_start3A_23 = arith.constant 0 : i32
    %dma_start3A_24 = tpu.memref_slice %arg4[%dma_start3A_23] : memref<1000000xf32, #tpu.memory_space<hbm>> -> memref<1000000xf32, #tpu.memory_space<hbm>>
    tpu.enqueue_indirect_dma source(%dma_start3A_24 : memref<1000000xf32, #tpu.memory_space<hbm>>) target(%dma_start3A_21 : memref<96xf32, #tpu.memory_space<vmem>>) offsets(%dma_start3A_22 : memref<96xi32, #tpu.memory_space<vmem>>) semaphore(%arg12 : memref<!tpu.dma_semaphore, #tpu.memory_space<semaphore_mem>>)
    %multiple_of3A_25 = arith.constant 200 : i32
    %multiple_of3A_26 = tpu.assume_multiple %multiple_of3A_25, 8 : i32
    %dma_start3A_27 = arith.constant 1 : i32
    %dma_start3A_28 = arith.constant 0 : i32
    %dma_start3A_29 = tpu.memref_slice %arg10[%dma_start3A_27, %dma_start3A_28] : memref<8x208xf32, #tpu.memory_space<vmem>> -> memref<1x104xf32, #tpu.memory_space<vmem>>
    %dma_start3A_30 = tpu.memref_squeeze %dma_start3A_29 : memref<1x104xf32, #tpu.memory_space<vmem>> -> memref<104xf32, #tpu.memory_space<vmem>>
    %dma_start3A_31 = tpu.memref_slice %arg7[%multiple_of3A_26] : memref<25600xi32, #tpu.memory_space<vmem>> -> memref<104xi32, #tpu.memory_space<vmem>>
    %dma_start3A_32 = arith.constant 0 : i32
    %dma_start3A_33 = tpu.memref_slice %arg4[%dma_start3A_32] : memref<1000000xf32, #tpu.memory_space<hbm>> -> memref<1000000xf32, #tpu.memory_space<hbm>>
    tpu.enqueue_indirect_dma source(%dma_start3A_33 : memref<1000000xf32, #tpu.memory_space<hbm>>) target(%dma_start3A_30 : memref<104xf32, #tpu.memory_space<vmem>>) offsets(%dma_start3A_31 : memref<104xi32, #tpu.memory_space<vmem>>) semaphore(%arg13 : memref<!tpu.dma_semaphore, #tpu.memory_space<semaphore_mem>>)
    %add3A_34 = arith.constant 104 : i32
    %add3A_35 = arith.addi %multiple_of3A_26, %add3A_34 : i32
    %dma_start3A_36 = arith.constant 1 : i32
    %dma_start3A_37 = arith.constant 104 : i32
    %dma_start3A_38 = tpu.memref_slice %arg10[%dma_start3A_36, %dma_start3A_37] : memref<8x208xf32, #tpu.memory_space<vmem>> -> memref<1x96xf32, #tpu.memory_space<vmem>>
    %dma_start3A_39 = tpu.memref_squeeze %dma_start3A_38 : memref<1x96xf32, #tpu.memory_space<vmem>> -> memref<96xf32, #tpu.memory_space<vmem>>
    %dma_start3A_40 = tpu.memref_slice %arg7[%add3A_35] : memref<25600xi32, #tpu.memory_space<vmem>> -> memref<96xi32, #tpu.memory_space<vmem>>
    %dma_start3A_41 = arith.constant 0 : i32
    %dma_start3A_42 = tpu.memref_slice %arg4[%dma_start3A_41] : memref<1000000xf32, #tpu.memory_space<hbm>> -> memref<1000000xf32, #tpu.memory_space<hbm>>
    tpu.enqueue_indirect_dma source(%dma_start3A_42 : memref<1000000xf32, #tpu.memory_space<hbm>>) target(%dma_start3A_39 : memref<96xf32, #tpu.memory_space<vmem>>) offsets(%dma_start3A_40 : memref<96xi32, #tpu.memory_space<vmem>>) semaphore(%arg13 : memref<!tpu.dma_semaphore, #tpu.memory_space<semaphore_mem>>)
    %multiple_of3A_43 = arith.constant 400 : i32
    %multiple_of3A_44 = tpu.assume_multiple %multiple_of3A_43, 8 : i32
    %dma_start3A_45 = arith.constant 2 : i32
    %dma_start3A_46 = arith.constant 0 : i32
    %dma_start3A_47 = tpu.memref_slice %arg10[%dma_start3A_45, %dma_start3A_46] : memref<8x208xf32, #tpu.memory_space<vmem>> -> memref<1x104xf32, #tpu.memory_space<vmem>>
    %dma_start3A_48 = tpu.memref_squeeze %dma_start3A_47 : memref<1x104xf32, #tpu.memory_space<vmem>> -> memref<104xf32, #tpu.memory_space<vmem>>
    %dma_start3A_49 = tpu.memref_slice %arg7[%multiple_of3A_44] : memref<25600xi32, #tpu.memory_space<vmem>> -> memref<104xi32, #tpu.memory_space<vmem>>
    %dma_start3A_50 = arith.constant 0 : i32
    %dma_start3A_51 = tpu.memref_slice %arg4[%dma_start3A_50] : memref<1000000xf32, #tpu.memory_space<hbm>> -> memref<1000000xf32, #tpu.memory_space<hbm>>
    tpu.enqueue_indirect_dma source(%dma_start3A_51 : memref<1000000xf32, #tpu.memory_space<hbm>>) target(%dma_start3A_48 : memref<104xf32, #tpu.memory_space<vmem>>) offsets(%dma_start3A_49 : memref<104xi32, #tpu.memory_space<vmem>>) semaphore(%arg14 : memref<!tpu.dma_semaphore, #tpu.memory_space<semaphore_mem>>)
    %add3A_52 = arith.constant 104 : i32
    %add3A_53 = arith.addi %multiple_of3A_44, %add3A_52 : i32
    %dma_start3A_54 = arith.constant 2 : i32
    %dma_start3A_55 = arith.constant 104 : i32
    %dma_start3A_56 = tpu.memref_slice %arg10[%dma_start3A_54, %dma_start3A_55] : memref<8x208xf32, #tpu.memory_space<vmem>> -> memref<1x96xf32, #tpu.memory_space<vmem>>
    %dma_start3A_57 = tpu.memref_squeeze %dma_start3A_56 : memref<1x96xf32, #tpu.memory_space<vmem>> -> memref<96xf32, #tpu.memory_space<vmem>>
    %dma_start3A_58 = tpu.memref_slice %arg7[%add3A_53] : memref<25600xi32, #tpu.memory_space<vmem>> -> memref<96xi32, #tpu.memory_space<vmem>>
    %dma_start3A_59 = arith.constant 0 : i32
    %dma_start3A_60 = tpu.memref_slice %arg4[%dma_start3A_59] : memref<1000000xf32, #tpu.memory_space<hbm>> -> memref<1000000xf32, #tpu.memory_space<hbm>>
    tpu.enqueue_indirect_dma source(%dma_start3A_60 : memref<1000000xf32, #tpu.memory_space<hbm>>) target(%dma_start3A_57 : memref<96xf32, #tpu.memory_space<vmem>>) offsets(%dma_start3A_58 : memref<96xi32, #tpu.memory_space<vmem>>) semaphore(%arg14 : memref<!tpu.dma_semaphore, #tpu.memory_space<semaphore_mem>>)
    %multiple_of3A_61 = arith.constant 600 : i32
    %multiple_of3A_62 = tpu.assume_multiple %multiple_of3A_61, 8 : i32
    %dma_start3A_63 = arith.constant 3 : i32
    %dma_start3A_64 = arith.constant 0 : i32
    %dma_start3A_65 = tpu.memref_slice %arg10[%dma_start3A_63, %dma_start3A_64] : memref<8x208xf32, #tpu.memory_space<vmem>> -> memref<1x104xf32, #tpu.memory_space<vmem>>
    %dma_start3A_66 = tpu.memref_squeeze %dma_start3A_65 : memref<1x104xf32, #tpu.memory_space<vmem>> -> memref<104xf32, #tpu.memory_space<vmem>>
    %dma_start3A_67 = tpu.memref_slice %arg7[%multiple_of3A_62] : memref<25600xi32, #tpu.memory_space<vmem>> -> memref<104xi32, #tpu.memory_space<vmem>>
    %dma_start3A_68 = arith.constant 0 : i32
    %dma_start3A_69 = tpu.memref_slice %arg4[%dma_start3A_68] : memref<1000000xf32, #tpu.memory_space<hbm>> -> memref<1000000xf32, #tpu.memory_space<hbm>>
    tpu.enqueue_indirect_dma source(%dma_start3A_69 : memref<1000000xf32, #tpu.memory_space<hbm>>) target(%dma_start3A_66 : memref<104xf32, #tpu.memory_space<vmem>>) offsets(%dma_start3A_67 : memref<104xi32, #tpu.memory_space<vmem>>) semaphore(%arg15 : memref<!tpu.dma_semaphore, #tpu.memory_space<semaphore_mem>>)
    %add3A_70 = arith.constant 104 : i32
    %add3A_71 = arith.addi %multiple_of3A_62, %add3A_70 : i32
    %dma_start3A_72 = arith.constant 3 : i32
    %dma_start3A_73 = arith.constant 104 : i32
    %dma_start3A_74 = tpu.memref_slice %arg10[%dma_start3A_72, %dma_start3A_73] : memref<8x208xf32, #tpu.memory_space<vmem>> -> memref<1x96xf32, #tpu.memory_space<vmem>>
    %dma_start3A_75 = tpu.memref_squeeze %dma_start3A_74 : memref<1x96xf32, #tpu.memory_space<vmem>> -> memref<96xf32, #tpu.memory_space<vmem>>
    %dma_start3A_76 = tpu.memref_slice %arg7[%add3A_71] : memref<25600xi32, #tpu.memory_space<vmem>> -> memref<96xi32, #tpu.memory_space<vmem>>
    %dma_start3A_77 = arith.constant 0 : i32
    %dma_start3A_78 = tpu.memref_slice %arg4[%dma_start3A_77] : memref<1000000xf32, #tpu.memory_space<hbm>> -> memref<1000000xf32, #tpu.memory_space<hbm>>
    tpu.enqueue_indirect_dma source(%dma_start3A_78 : memref<1000000xf32, #tpu.memory_space<hbm>>) target(%dma_start3A_75 : memref<96xf32, #tpu.memory_space<vmem>>) offsets(%dma_start3A_76 : memref<96xi32, #tpu.memory_space<vmem>>) semaphore(%arg15 : memref<!tpu.dma_semaphore, #tpu.memory_space<semaphore_mem>>)
    %multiple_of3A_79 = arith.constant 800 : i32
    %multiple_of3A_80 = tpu.assume_multiple %multiple_of3A_79, 8 : i32
    %dma_start3A_81 = arith.constant 4 : i32
    %dma_start3A_82 = arith.constant 0 : i32
    %dma_start3A_83 = tpu.memref_slice %arg10[%dma_start3A_81, %dma_start3A_82] : memref<8x208xf32, #tpu.memory_space<vmem>> -> memref<1x104xf32, #tpu.memory_space<vmem>>
    %dma_start3A_84 = tpu.memref_squeeze %dma_start3A_83 : memref<1x104xf32, #tpu.memory_space<vmem>> -> memref<104xf32, #tpu.memory_space<vmem>>
    %dma_start3A_85 = tpu.memref_slice %arg7[%multiple_of3A_80] : memref<25600xi32, #tpu.memory_space<vmem>> -> memref<104xi32, #tpu.memory_space<vmem>>
    %dma_start3A_86 = arith.constant 0 : i32
    %dma_start3A_87 = tpu.memref_slice %arg4[%dma_start3A_86] : memref<1000000xf32, #tpu.memory_space<hbm>> -> memref<1000000xf32, #tpu.memory_space<hbm>>
    tpu.enqueue_indirect_dma source(%dma_start3A_87 : memref<1000000xf32, #tpu.memory_space<hbm>>) target(%dma_start3A_84 : memref<104xf32, #tpu.memory_space<vmem>>) offsets(%dma_start3A_85 : memref<104xi32, #tpu.memory_space<vmem>>) semaphore(%arg16 : memref<!tpu.dma_semaphore, #tpu.memory_space<semaphore_mem>>)
    %add3A_88 = arith.constant 104 : i32
    %add3A_89 = arith.addi %multiple_of3A_80, %add3A_88 : i32
    %dma_start3A_90 = arith.constant 4 : i32
    %dma_start3A_91 = arith.constant 104 : i32
    %dma_start3A_92 = tpu.memref_slice %arg10[%dma_start3A_90, %dma_start3A_91] : memref<8x208xf32, #tpu.memory_space<vmem>> -> memref<1x96xf32, #tpu.memory_space<vmem>>
    %dma_start3A_93 = tpu.memref_squeeze %dma_start3A_92 : memref<1x96xf32, #tpu.memory_space<vmem>> -> memref<96xf32, #tpu.memory_space<vmem>>
    %dma_start3A_94 = tpu.memref_slice %arg7[%add3A_89] : memref<25600xi32, #tpu.memory_space<vmem>> -> memref<96xi32, #tpu.memory_space<vmem>>
    %dma_start3A_95 = arith.constant 0 : i32
    %dma_start3A_96 = tpu.memref_slice %arg4[%dma_start3A_95] : memref<1000000xf32, #tpu.memory_space<hbm>> -> memref<1000000xf32, #tpu.memory_space<hbm>>
    tpu.enqueue_indirect_dma source(%dma_start3A_96 : memref<1000000xf32, #tpu.memory_space<hbm>>) target(%dma_start3A_93 : memref<96xf32, #tpu.memory_space<vmem>>) offsets(%dma_start3A_94 : memref<96xi32, #tpu.memory_space<vmem>>) semaphore(%arg16 : memref<!tpu.dma_semaphore, #tpu.memory_space<semaphore_mem>>)
    %multiple_of3A_97 = arith.constant 1000 : i32
    %multiple_of3A_98 = tpu.assume_multiple %multiple_of3A_97, 8 : i32
    %dma_start3A_99 = arith.constant 5 : i32
    %dma_start3A_100 = arith.constant 0 : i32
    %dma_start3A_101 = tpu.memref_slice %arg10[%dma_start3A_99, %dma_start3A_100] : memref<8x208xf32, #tpu.memory_space<vmem>> -> memref<1x104xf32, #tpu.memory_space<vmem>>
    %dma_start3A_102 = tpu.memref_squeeze %dma_start3A_101 : memref<1x104xf32, #tpu.memory_space<vmem>> -> memref<104xf32, #tpu.memory_space<vmem>>
    %dma_start3A_103 = tpu.memref_slice %arg7[%multiple_of3A_98] : memref<25600xi32, #tpu.memory_space<vmem>> -> memref<104xi32, #tpu.memory_space<vmem>>
    %dma_start3A_104 = arith.constant 0 : i32
    %dma_start3A_105 = tpu.memref_slice %arg4[%dma_start3A_104] : memref<1000000xf32, #tpu.memory_space<hbm>> -> memref<1000000xf32, #tpu.memory_space<hbm>>
    tpu.enqueue_indirect_dma source(%dma_start3A_105 : memref<1000000xf32, #tpu.memory_space<hbm>>) target(%dma_start3A_102 : memref<104xf32, #tpu.memory_space<vmem>>) offsets(%dma_start3A_103 : memref<104xi32, #tpu.memory_space<vmem>>) semaphore(%arg17 : memref<!tpu.dma_semaphore, #tpu.memory_space<semaphore_mem>>)
    %add3A_106 = arith.constant 104 : i32
    %add3A_107 = arith.addi %multiple_of3A_98, %add3A_106 : i32
    %dma_start3A_108 = arith.constant 5 : i32
    %dma_start3A_109 = arith.constant 104 : i32
    %dma_start3A_110 = tpu.memref_slice %arg10[%dma_start3A_108, %dma_start3A_109] : memref<8x208xf32, #tpu.memory_space<vmem>> -> memref<1x96xf32, #tpu.memory_space<vmem>>
    %dma_start3A_111 = tpu.memref_squeeze %dma_start3A_110 : memref<1x96xf32, #tpu.memory_space<vmem>> -> memref<96xf32, #tpu.memory_space<vmem>>
    %dma_start3A_112 = tpu.memref_slice %arg7[%add3A_107] : memref<25600xi32, #tpu.memory_space<vmem>> -> memref<96xi32, #tpu.memory_space<vmem>>
    %dma_start3A_113 = arith.constant 0 : i32
    %dma_start3A_114 = tpu.memref_slice %arg4[%dma_start3A_113] : memref<1000000xf32, #tpu.memory_space<hbm>> -> memref<1000000xf32, #tpu.memory_space<hbm>>
    tpu.enqueue_indirect_dma source(%dma_start3A_114 : memref<1000000xf32, #tpu.memory_space<hbm>>) target(%dma_start3A_111 : memref<96xf32, #tpu.memory_space<vmem>>) offsets(%dma_start3A_112 : memref<96xi32, #tpu.memory_space<vmem>>) semaphore(%arg17 : memref<!tpu.dma_semaphore, #tpu.memory_space<semaphore_mem>>)
    %multiple_of3A_115 = arith.constant 1200 : i32
    %multiple_of3A_116 = tpu.assume_multiple %multiple_of3A_115, 8 : i32
    %dma_start3A_117 = arith.constant 6 : i32
    %dma_start3A_118 = arith.constant 0 : i32
    %dma_start3A_119 = tpu.memref_slice %arg10[%dma_start3A_117, %dma_start3A_118] : memref<8x208xf32, #tpu.memory_space<vmem>> -> memref<1x104xf32, #tpu.memory_space<vmem>>
    %dma_start3A_120 = tpu.memref_squeeze %dma_start3A_119 : memref<1x104xf32, #tpu.memory_space<vmem>> -> memref<104xf32, #tpu.memory_space<vmem>>
    %dma_start3A_121 = tpu.memref_slice %arg7[%multiple_of3A_116] : memref<25600xi32, #tpu.memory_space<vmem>> -> memref<104xi32, #tpu.memory_space<vmem>>
    %dma_start3A_122 = arith.constant 0 : i32
    %dma_start3A_123 = tpu.memref_slice %arg4[%dma_start3A_122] : memref<1000000xf32, #tpu.memory_space<hbm>> -> memref<1000000xf32, #tpu.memory_space<hbm>>
    tpu.enqueue_indirect_dma source(%dma_start3A_123 : memref<1000000xf32, #tpu.memory_space<hbm>>) target(%dma_start3A_120 : memref<104xf32, #tpu.memory_space<vmem>>) offsets(%dma_start3A_121 : memref<104xi32, #tpu.memory_space<vmem>>) semaphore(%arg18 : memref<!tpu.dma_semaphore, #tpu.memory_space<semaphore_mem>>)
    %add3A_124 = arith.constant 104 : i32
    %add3A_125 = arith.addi %multiple_of3A_116, %add3A_124 : i32
    %dma_start3A_126 = arith.constant 6 : i32
    %dma_start3A_127 = arith.constant 104 : i32
    %dma_start3A_128 = tpu.memref_slice %arg10[%dma_start3A_126, %dma_start3A_127] : memref<8x208xf32, #tpu.memory_space<vmem>> -> memref<1x96xf32, #tpu.memory_space<vmem>>
    %dma_start3A_129 = tpu.memref_squeeze %dma_start3A_128 : memref<1x96xf32, #tpu.memory_space<vmem>> -> memref<96xf32, #tpu.memory_space<vmem>>
    %dma_start3A_130 = tpu.memref_slice %arg7[%add3A_125] : memref<25600xi32, #tpu.memory_space<vmem>> -> memref<96xi32, #tpu.memory_space<vmem>>
    %dma_start3A_131 = arith.constant 0 : i32
    %dma_start3A_132 = tpu.memref_slice %arg4[%dma_start3A_131] : memref<1000000xf32, #tpu.memory_space<hbm>> -> memref<1000000xf32, #tpu.memory_space<hbm>>
    tpu.enqueue_indirect_dma source(%dma_start3A_132 : memref<1000000xf32, #tpu.memory_space<hbm>>) target(%dma_start3A_129 : memref<96xf32, #tpu.memory_space<vmem>>) offsets(%dma_start3A_130 : memref<96xi32, #tpu.memory_space<vmem>>) semaphore(%arg18 : memref<!tpu.dma_semaphore, #tpu.memory_space<semaphore_mem>>)
    %multiple_of3A_133 = arith.constant 1400 : i32
    %multiple_of3A_134 = tpu.assume_multiple %multiple_of3A_133, 8 : i32
    %dma_start3A_135 = arith.constant 7 : i32
    %dma_start3A_136 = arith.constant 0 : i32
    %dma_start3A_137 = tpu.memref_slice %arg10[%dma_start3A_135, %dma_start3A_136] : memref<8x208xf32, #tpu.memory_space<vmem>> -> memref<1x104xf32, #tpu.memory_space<vmem>>
    %dma_start3A_138 = tpu.memref_squeeze %dma_start3A_137 : memref<1x104xf32, #tpu.memory_space<vmem>> -> memref<104xf32, #tpu.memory_space<vmem>>
    %dma_start3A_139 = tpu.memref_slice %arg7[%multiple_of3A_134] : memref<25600xi32, #tpu.memory_space<vmem>> -> memref<104xi32, #tpu.memory_space<vmem>>
    %dma_start3A_140 = arith.constant 0 : i32
    %dma_start3A_141 = tpu.memref_slice %arg4[%dma_start3A_140] : memref<1000000xf32, #tpu.memory_space<hbm>> -> memref<1000000xf32, #tpu.memory_space<hbm>>
    tpu.enqueue_indirect_dma source(%dma_start3A_141 : memref<1000000xf32, #tpu.memory_space<hbm>>) target(%dma_start3A_138 : memref<104xf32, #tpu.memory_space<vmem>>) offsets(%dma_start3A_139 : memref<104xi32, #tpu.memory_space<vmem>>) semaphore(%arg19 : memref<!tpu.dma_semaphore, #tpu.memory_space<semaphore_mem>>)
    %add3A_142 = arith.constant 104 : i32
    %add3A_143 = arith.addi %multiple_of3A_134, %add3A_142 : i32
    %dma_start3A_144 = arith.constant 7 : i32
    %dma_start3A_145 = arith.constant 104 : i32
    %dma_start3A_146 = tpu.memref_slice %arg10[%dma_start3A_144, %dma_start3A_145] : memref<8x208xf32, #tpu.memory_space<vmem>> -> memref<1x96xf32, #tpu.memory_space<vmem>>
    %dma_start3A_147 = tpu.memref_squeeze %dma_start3A_146 : memref<1x96xf32, #tpu.memory_space<vmem>> -> memref<96xf32, #tpu.memory_space<vmem>>
    %dma_start3A_148 = tpu.memref_slice %arg7[%add3A_143] : memref<25600xi32, #tpu.memory_space<vmem>> -> memref<96xi32, #tpu.memory_space<vmem>>
    %dma_start3A_149 = arith.constant 0 : i32
    %dma_start3A_150 = tpu.memref_slice %arg4[%dma_start3A_149] : memref<1000000xf32, #tpu.memory_space<hbm>> -> memref<1000000xf32, #tpu.memory_space<hbm>>
    tpu.enqueue_indirect_dma source(%dma_start3A_150 : memref<1000000xf32, #tpu.memory_space<hbm>>) target(%dma_start3A_147 : memref<96xf32, #tpu.memory_space<vmem>>) offsets(%dma_start3A_148 : memref<96xi32, #tpu.memory_space<vmem>>) semaphore(%arg19 : memref<!tpu.dma_semaphore, #tpu.memory_space<semaphore_mem>>)
    %scan3A = arith.constant 0 : i32
    %scan3A_151 = arith.constant 16 : i32
    %scan3A_152 = arith.addi %scan3A, %scan3A_151 : i32
    %scan3A_153 = arith.constant 1 : i32
    %scan3A_154 = scf.for %scan3A_156 = %scan3A to %scan3A_152 step %scan3A_153 iter_args(%scan3A_157 = %broadcast_in_dim3A_7) -> (vector<16xf32>)  : i32 {
      %mul3A_158 = arith.constant 8 : i32
      %mul3A_159 = arith.muli %scan3A_156, %mul3A_158 : i32
      %add3A_160 = arith.constant 0 : i32
      %add3A_161 = arith.addi %mul3A_159, %add3A_160 : i32
      %dma_wait3A = arith.constant 0 : i32
      %dma_wait3A_162 = arith.constant 0 : i32
      %dma_wait3A_163 = tpu.memref_slice %arg10[%dma_wait3A, %dma_wait3A_162] : memref<8x208xf32, #tpu.memory_space<vmem>> -> memref<1x200xf32, #tpu.memory_space<vmem>>
      %dma_wait3A_164 = tpu.memref_squeeze %dma_wait3A_163 : memref<1x200xf32, #tpu.memory_space<vmem>> -> memref<200xf32, #tpu.memory_space<vmem>>
      %dma_wait3A_165 = arith.constant 0 : i32
      %dma_wait3A_166 = tpu.memref_slice %arg4[%dma_wait3A_165] : memref<1000000xf32, #tpu.memory_space<hbm>> -> memref<200xf32, #tpu.memory_space<hbm>>
      %dma_wait3A_167 = arith.constant 0 : i32
      %dma_wait3A_168 = tpu.memref_slice %arg10[%dma_wait3A, %dma_wait3A_167] : memref<8x208xf32, #tpu.memory_space<vmem>> -> memref<1x200xf32, #tpu.memory_space<vmem>>
      %dma_wait3A_169 = tpu.memref_squeeze %dma_wait3A_168 : memref<1x200xf32, #tpu.memory_space<vmem>> -> memref<200xf32, #tpu.memory_space<vmem>>
      %dma_wait3A_170 = arith.constant 0 : i32
      %dma_wait3A_171 = tpu.memref_slice %arg4[%dma_wait3A_170] : memref<1000000xf32, #tpu.memory_space<hbm>> -> memref<200xf32, #tpu.memory_space<hbm>>
      tpu.wait_dma2 semaphore(%arg12 : memref<!tpu.dma_semaphore, #tpu.memory_space<semaphore_mem>>) src(%dma_wait3A_171 : memref<200xf32, #tpu.memory_space<hbm>>) dst(%dma_wait3A_169 : memref<200xf32, #tpu.memory_space<vmem>>)
      %jit3A = arith.constant 16 : i32
      %eq3A = arith.constant 0 : i32
      %eq3A_172 = arith.cmpi eq, %jit3A, %eq3A : i32
      %jit3A_173 = arith.constant 1 : i32
      %select_n3A = arith.select %eq3A_172, %jit3A_173, %jit3A : i32
      %rem3A = arith.remsi %add3A_161, %select_n3A : i32
      %ne3A = arith.constant 0 : i32
      %ne3A_174 = arith.cmpi ne, %rem3A, %ne3A : i32
      %lt3A = arith.constant 0 : i32
      %lt3A_175 = arith.cmpi slt, %rem3A, %lt3A : i32
      %lt3A_176 = arith.constant 0 : i32
      %lt3A_177 = arith.cmpi slt, %select_n3A, %lt3A_176 : i32
      %ne3A_178 = arith.xori %lt3A_175, %lt3A_177 : i1
      %and3A = arith.andi %ne3A_178, %ne3A_174 : i1
      %add3A_179 = arith.addi %rem3A, %select_n3A : i32
      %select_n3A_180 = arith.select %and3A, %add3A_179, %rem3A : i32
      %sub3A = arith.subi %add3A_161, %select_n3A_180 : i32
      %multiple_of3A_181 = tpu.assume_multiple %sub3A, 16 : i32
      %get3A_182 = arith.index_cast %multiple_of3A_181 : i32 to index
      %get3A_183 = tpu.vector_load %arg8[%get3A_182] {strides = array<i32>} : memref<128xi32, #tpu.memory_space<vmem>>, vector<16xi32>,
      %get3A_184 = vector.shape_cast %get3A_183 : vector<16xi32> to vector<16xi32>
      %broadcast_in_dim3A_185 = vector.broadcast %select_n3A_180 : i32 to vector<16xi32>
      %broadcast_in_dim3A_186 = vector.shape_cast %broadcast_in_dim3A_185 : vector<16xi32> to vector<16x1xi32>
      %gather3A = vector.shape_cast %broadcast_in_dim3A_186 : vector<16x1xi32> to vector<16xi32>
      %gather3A_187 = tpu.dynamic_gather %get3A_184[%gather3A] in [0] : vector<16xi32>, vector<16xi32> -> vector<16xi32>
      %get3A_188 = arith.constant 0 : i32
      %get3A_189 = arith.index_cast %get3A_188 : i32 to index
      %get3A_190 = arith.constant 0 : index
      %get3A_191 = tpu.vector_load %arg10[%get3A_189, %get3A_190] {strides = array<i32>} : memref<8x208xf32, #tpu.memory_space<vmem>>, vector<1x16xf32>,
      %get3A_192 = vector.shape_cast %get3A_191 : vector<1x16xf32> to vector<16xf32>
      %add3A_193 = arith.constant 0 : i32
      %add3A_194 = vector.broadcast %add3A_193 : i32 to vector<16xi32>
      %add3A_195 = arith.addi %iota3A, %add3A_194 : vector<16xi32>
      %lt3A_196 = arith.cmpi slt, %add3A_195, %gather3A_187 : vector<16xi32>
      %select_n3A_197 = arith.select %lt3A_196, %get3A_192, %broadcast_in_dim3A_7 : vector<16xi1>, vector<16xf32>
      %add3A_198 = arith.addf %broadcast_in_dim3A_7, %select_n3A_197 : vector<16xf32>
      %get3A_199 = arith.constant 0 : i32
      %get3A_200 = arith.index_cast %get3A_199 : i32 to index
      %get3A_201 = arith.constant 16 : index
      %get3A_202 = tpu.vector_load %arg10[%get3A_200, %get3A_201] {strides = array<i32>} : memref<8x208xf32, #tpu.memory_space<vmem>>, vector<1x16xf32>,
      %get3A_203 = vector.shape_cast %get3A_202 : vector<1x16xf32> to vector<16xf32>
      %add3A_204 = arith.constant 16 : i32
      %add3A_205 = vector.broadcast %add3A_204 : i32 to vector<16xi32>
      %add3A_206 = arith.addi %iota3A, %add3A_205 : vector<16xi32>
      %lt3A_207 = arith.cmpi slt, %add3A_206, %gather3A_187 : vector<16xi32>
      %select_n3A_208 = arith.select %lt3A_207, %get3A_203, %broadcast_in_dim3A_7 : vector<16xi1>, vector<16xf32>
      %add3A_209 = arith.addf %add3A_198, %select_n3A_208 : vector<16xf32>
      %get3A_210 = arith.constant 0 : i32
      %get3A_211 = arith.index_cast %get3A_210 : i32 to index
      %get3A_212 = arith.constant 32 : index
      %get3A_213 = tpu.vector_load %arg10[%get3A_211, %get3A_212] {strides = array<i32>} : memref<8x208xf32, #tpu.memory_space<vmem>>, vector<1x16xf32>,
      %get3A_214 = vector.shape_cast %get3A_213 : vector<1x16xf32> to vector<16xf32>
      %add3A_215 = arith.constant 32 : i32
      %add3A_216 = vector.broadcast %add3A_215 : i32 to vector<16xi32>
      %add3A_217 = arith.addi %iota3A, %add3A_216 : vector<16xi32>
      %lt3A_218 = arith.cmpi slt, %add3A_217, %gather3A_187 : vector<16xi32>
      %select_n3A_219 = arith.select %lt3A_218, %get3A_214, %broadcast_in_dim3A_7 : vector<16xi1>, vector<16xf32>
      %add3A_220 = arith.addf %add3A_209, %select_n3A_219 : vector<16xf32>
      %get3A_221 = arith.constant 0 : i32
      %get3A_222 = arith.index_cast %get3A_221 : i32 to index
      %get3A_223 = arith.constant 48 : index
      %get3A_224 = tpu.vector_load %arg10[%get3A_222, %get3A_223] {strides = array<i32>} : memref<8x208xf32, #tpu.memory_space<vmem>>, vector<1x16xf32>,
      %get3A_225 = vector.shape_cast %get3A_224 : vector<1x16xf32> to vector<16xf32>
      %add3A_226 = arith.constant 48 : i32
      %add3A_227 = vector.broadcast %add3A_226 : i32 to vector<16xi32>
      %add3A_228 = arith.addi %iota3A, %add3A_227 : vector<16xi32>
      %lt3A_229 = arith.cmpi slt, %add3A_228, %gather3A_187 : vector<16xi32>
      %select_n3A_230 = arith.select %lt3A_229, %get3A_225, %broadcast_in_dim3A_7 : vector<16xi1>, vector<16xf32>
      %add3A_231 = arith.addf %add3A_220, %select_n3A_230 : vector<16xf32>
      %get3A_232 = arith.constant 0 : i32
      %get3A_233 = arith.index_cast %get3A_232 : i32 to index
      %get3A_234 = arith.constant 64 : index
      %get3A_235 = tpu.vector_load %arg10[%get3A_233, %get3A_234] {strides = array<i32>} : memref<8x208xf32, #tpu.memory_space<vmem>>, vector<1x16xf32>,
      %get3A_236 = vector.shape_cast %get3A_235 : vector<1x16xf32> to vector<16xf32>
      %add3A_237 = arith.constant 64 : i32
      %add3A_238 = vector.broadcast %add3A_237 : i32 to vector<16xi32>
      %add3A_239 = arith.addi %iota3A, %add3A_238 : vector<16xi32>
      %lt3A_240 = arith.cmpi slt, %add3A_239, %gather3A_187 : vector<16xi32>
      %select_n3A_241 = arith.select %lt3A_240, %get3A_236, %broadcast_in_dim3A_7 : vector<16xi1>, vector<16xf32>
      %add3A_242 = arith.addf %add3A_231, %select_n3A_241 : vector<16xf32>
      %get3A_243 = arith.constant 0 : i32
      %get3A_244 = arith.index_cast %get3A_243 : i32 to index
      %get3A_245 = arith.constant 80 : index
      %get3A_246 = tpu.vector_load %arg10[%get3A_244, %get3A_245] {strides = array<i32>} : memref<8x208xf32, #tpu.memory_space<vmem>>, vector<1x16xf32>,
      %get3A_247 = vector.shape_cast %get3A_246 : vector<1x16xf32> to vector<16xf32>
      %add3A_248 = arith.constant 80 : i32
      %add3A_249 = vector.broadcast %add3A_248 : i32 to vector<16xi32>
      %add3A_250 = arith.addi %iota3A, %add3A_249 : vector<16xi32>
      %lt3A_251 = arith.cmpi slt, %add3A_250, %gather3A_187 : vector<16xi32>
      %select_n3A_252 = arith.select %lt3A_251, %get3A_247, %broadcast_in_dim3A_7 : vector<16xi1>, vector<16xf32>
      %add3A_253 = arith.addf %add3A_242, %select_n3A_252 : vector<16xf32>
      %get3A_254 = arith.constant 0 : i32
      %get3A_255 = arith.index_cast %get3A_254 : i32 to index
      %get3A_256 = arith.constant 96 : index
      %get3A_257 = tpu.vector_load %arg10[%get3A_255, %get3A_256] {strides = array<i32>} : memref<8x208xf32, #tpu.memory_space<vmem>>, vector<1x16xf32>,
      %get3A_258 = vector.shape_cast %get3A_257 : vector<1x16xf32> to vector<16xf32>
      %add3A_259 = arith.constant 96 : i32
      %add3A_260 = vector.broadcast %add3A_259 : i32 to vector<16xi32>
      %add3A_261 = arith.addi %iota3A, %add3A_260 : vector<16xi32>
      %lt3A_262 = arith.cmpi slt, %add3A_261, %gather3A_187 : vector<16xi32>
      %select_n3A_263 = arith.select %lt3A_262, %get3A_258, %broadcast_in_dim3A_7 : vector<16xi1>, vector<16xf32>
      %add3A_264 = arith.addf %add3A_253, %select_n3A_263 : vector<16xf32>
      %get3A_265 = arith.constant 0 : i32
      %get3A_266 = arith.index_cast %get3A_265 : i32 to index
      %get3A_267 = arith.constant 112 : index
      %get3A_268 = tpu.vector_load %arg10[%get3A_266, %get3A_267] {strides = array<i32>} : memref<8x208xf32, #tpu.memory_space<vmem>>, vector<1x16xf32>,
      %get3A_269 = vector.shape_cast %get3A_268 : vector<1x16xf32> to vector<16xf32>
      %add3A_270 = arith.constant 112 : i32
      %add3A_271 = vector.broadcast %add3A_270 : i32 to vector<16xi32>
      %add3A_272 = arith.addi %iota3A, %add3A_271 : vector<16xi32>
      %lt3A_273 = arith.cmpi slt, %add3A_272, %gather3A_187 : vector<16xi32>
      %select_n3A_274 = arith.select %lt3A_273, %get3A_269, %broadcast_in_dim3A_7 : vector<16xi1>, vector<16xf32>
      %add3A_275 = arith.addf %add3A_264, %select_n3A_274 : vector<16xf32>
      %get3A_276 = arith.constant 0 : i32
      %get3A_277 = arith.index_cast %get3A_276 : i32 to index
      %get3A_278 = arith.constant 128 : index
      %get3A_279 = tpu.vector_load %arg10[%get3A_277, %get3A_278] {strides = array<i32>} : memref<8x208xf32, #tpu.memory_space<vmem>>, vector<1x16xf32>,
      %get3A_280 = vector.shape_cast %get3A_279 : vector<1x16xf32> to vector<16xf32>
      %add3A_281 = arith.constant 128 : i32
      %add3A_282 = vector.broadcast %add3A_281 : i32 to vector<16xi32>
      %add3A_283 = arith.addi %iota3A, %add3A_282 : vector<16xi32>
      %lt3A_284 = arith.cmpi slt, %add3A_283, %gather3A_187 : vector<16xi32>
      %select_n3A_285 = arith.select %lt3A_284, %get3A_280, %broadcast_in_dim3A_7 : vector<16xi1>, vector<16xf32>
      %add3A_286 = arith.addf %add3A_275, %select_n3A_285 : vector<16xf32>
      %get3A_287 = arith.constant 0 : i32
      %get3A_288 = arith.index_cast %get3A_287 : i32 to index
      %get3A_289 = arith.constant 144 : index
      %get3A_290 = tpu.vector_load %arg10[%get3A_288, %get3A_289] {strides = array<i32>} : memref<8x208xf32, #tpu.memory_space<vmem>>, vector<1x16xf32>,
      %get3A_291 = vector.shape_cast %get3A_290 : vector<1x16xf32> to vector<16xf32>
      %add3A_292 = arith.constant 144 : i32
      %add3A_293 = vector.broadcast %add3A_292 : i32 to vector<16xi32>
      %add3A_294 = arith.addi %iota3A, %add3A_293 : vector<16xi32>
      %lt3A_295 = arith.cmpi slt, %add3A_294, %gather3A_187 : vector<16xi32>
      %select_n3A_296 = arith.select %lt3A_295, %get3A_291, %broadcast_in_dim3A_7 : vector<16xi1>, vector<16xf32>
      %add3A_297 = arith.addf %add3A_286, %select_n3A_296 : vector<16xf32>
      %get3A_298 = arith.constant 0 : i32
      %get3A_299 = arith.index_cast %get3A_298 : i32 to index
      %get3A_300 = arith.constant 160 : index
      %get3A_301 = tpu.vector_load %arg10[%get3A_299, %get3A_300] {strides = array<i32>} : memref<8x208xf32, #tpu.memory_space<vmem>>, vector<1x16xf32>,
      %get3A_302 = vector.shape_cast %get3A_301 : vector<1x16xf32> to vector<16xf32>
      %add3A_303 = arith.constant 160 : i32
      %add3A_304 = vector.broadcast %add3A_303 : i32 to vector<16xi32>
      %add3A_305 = arith.addi %iota3A, %add3A_304 : vector<16xi32>
      %lt3A_306 = arith.cmpi slt, %add3A_305, %gather3A_187 : vector<16xi32>
      %select_n3A_307 = arith.select %lt3A_306, %get3A_302, %broadcast_in_dim3A_7 : vector<16xi1>, vector<16xf32>
      %add3A_308 = arith.addf %add3A_297, %select_n3A_307 : vector<16xf32>
      %get3A_309 = arith.constant 0 : i32
      %get3A_310 = arith.index_cast %get3A_309 : i32 to index
      %get3A_311 = arith.constant 176 : index
      %get3A_312 = tpu.vector_load %arg10[%get3A_310, %get3A_311] {strides = array<i32>} : memref<8x208xf32, #tpu.memory_space<vmem>>, vector<1x16xf32>,
      %get3A_313 = vector.shape_cast %get3A_312 : vector<1x16xf32> to vector<16xf32>
      %add3A_314 = arith.constant 176 : i32
      %add3A_315 = vector.broadcast %add3A_314 : i32 to vector<16xi32>
      %add3A_316 = arith.addi %iota3A, %add3A_315 : vector<16xi32>
      %lt3A_317 = arith.cmpi slt, %add3A_316, %gather3A_187 : vector<16xi32>
      %select_n3A_318 = arith.select %lt3A_317, %get3A_313, %broadcast_in_dim3A_7 : vector<16xi1>, vector<16xf32>
      %add3A_319 = arith.addf %add3A_308, %select_n3A_318 : vector<16xf32>
      %get3A_320 = arith.constant 0 : i32
      %get3A_321 = arith.index_cast %get3A_320 : i32 to index
      %get3A_322 = arith.constant 192 : index
      %get3A_323 = tpu.vector_load %arg10[%get3A_321, %get3A_322] {strides = array<i32>} : memref<8x208xf32, #tpu.memory_space<vmem>>, vector<1x16xf32>,
      %get3A_324 = vector.shape_cast %get3A_323 : vector<1x16xf32> to vector<16xf32>
      %add3A_325 = arith.constant 192 : i32
      %add3A_326 = vector.broadcast %add3A_325 : i32 to vector<16xi32>
      %add3A_327 = arith.addi %iota3A, %add3A_326 : vector<16xi32>
      %lt3A_328 = arith.cmpi slt, %add3A_327, %gather3A_187 : vector<16xi32>
      %select_n3A_329 = arith.select %lt3A_328, %get3A_324, %broadcast_in_dim3A_7 : vector<16xi1>, vector<16xf32>
      %add3A_330 = arith.addf %add3A_319, %select_n3A_329 : vector<16xf32>
      %xor3A = arith.constant 8 : i32
      %xor3A_331 = vector.broadcast %xor3A : i32 to vector<16xi32>
      %xor3A_332 = arith.xori %iota3A, %xor3A_331 : vector<16xi32>
      %broadcast_in_dim3A_333 = vector.shape_cast %xor3A_332 : vector<16xi32> to vector<16x1xi32>
      %gather3A_334 = vector.shape_cast %broadcast_in_dim3A_333 : vector<16x1xi32> to vector<16xi32>
      %gather3A_335 = tpu.dynamic_gather %add3A_330[%gather3A_334] in [0] : vector<16xf32>, vector<16xi32> -> vector<16xf32>
      %add3A_336 = arith.addf %add3A_330, %gather3A_335 : vector<16xf32>
      %xor3A_337 = arith.constant 4 : i32
      %xor3A_338 = vector.broadcast %xor3A_337 : i32 to vector<16xi32>
      %xor3A_339 = arith.xori %iota3A, %xor3A_338 : vector<16xi32>
      %broadcast_in_dim3A_340 = vector.shape_cast %xor3A_339 : vector<16xi32> to vector<16x1xi32>
      %gather3A_341 = vector.shape_cast %broadcast_in_dim3A_340 : vector<16x1xi32> to vector<16xi32>
      %gather3A_342 = tpu.dynamic_gather %add3A_336[%gather3A_341] in [0] : vector<16xf32>, vector<16xi32> -> vector<16xf32>
      %add3A_343 = arith.addf %add3A_336, %gather3A_342 : vector<16xf32>
      %xor3A_344 = arith.constant 2 : i32
      %xor3A_345 = vector.broadcast %xor3A_344 : i32 to vector<16xi32>
      %xor3A_346 = arith.xori %iota3A, %xor3A_345 : vector<16xi32>
      %broadcast_in_dim3A_347 = vector.shape_cast %xor3A_346 : vector<16xi32> to vector<16x1xi32>
      %gather3A_348 = vector.shape_cast %broadcast_in_dim3A_347 : vector<16x1xi32> to vector<16xi32>
      %gather3A_349 = tpu.dynamic_gather %add3A_343[%gather3A_348] in [0] : vector<16xf32>, vector<16xi32> -> vector<16xf32>
      %add3A_350 = arith.addf %add3A_343, %gather3A_349 : vector<16xf32>
      %xor3A_351 = arith.constant 1 : i32
      %xor3A_352 = vector.broadcast %xor3A_351 : i32 to vector<16xi32>
      %xor3A_353 = arith.xori %iota3A, %xor3A_352 : vector<16xi32>
      %broadcast_in_dim3A_354 = vector.shape_cast %xor3A_353 : vector<16xi32> to vector<16x1xi32>
      %gather3A_355 = vector.shape_cast %broadcast_in_dim3A_354 : vector<16x1xi32> to vector<16xi32>
      %gather3A_356 = tpu.dynamic_gather %add3A_350[%gather3A_355] in [0] : vector<16xf32>, vector<16xi32> -> vector<16xf32>
      %add3A_357 = arith.addf %add3A_350, %gather3A_356 : vector<16xf32>
      %eq3A_358 = vector.broadcast %select_n3A_180 : i32 to vector<16xi32>
      %eq3A_359 = arith.cmpi eq, %iota3A, %eq3A_358 : vector<16xi32>
      %select_n3A_360 = arith.select %eq3A_359, %add3A_357, %scan3A_157 : vector<16xi1>, vector<16xf32>
      %eq3A_361 = arith.constant 15 : i32
      %eq3A_362 = arith.cmpi eq, %select_n3A_180, %eq3A_361 : i32
      %convert_element_type3A = arith.extui %eq3A_362 : i1 to i32
      %cond3A = arith.constant 0 : i32
      %cond3A_363 = arith.cmpi ne, %convert_element_type3A, %cond3A : i32
      scf.if %cond3A_363 {
        %get3A_1953 = arith.index_cast %multiple_of3A_181 : i32 to index
        %get3A_1954 = tpu.vector_load %arg8[%get3A_1953] {strides = array<i32>} : memref<128xi32, #tpu.memory_space<vmem>>, vector<16xi32>,
        %get3A_1955 = vector.shape_cast %get3A_1954 : vector<16xi32> to vector<16xi32>
        %convert_element_type3A_1956 = arith.sitofp %get3A_1955 : vector<16xi32> to vector<16xf32>
        %div3A = arith.divf %select_n3A_360, %convert_element_type3A_1956 : vector<16xf32>
        %add3A_1957 = arith.addf %div3A, %get3A_6 : vector<16xf32>
        %swap3A = arith.index_cast %multiple_of3A_181 : i32 to index
        %swap3A_1958 = tpu.vector_load %arg11[%swap3A] {strides = array<i32>} : memref<128xf32, #tpu.memory_space<vmem>>, vector<16xf32>,
        %swap3A_1959 = vector.shape_cast %swap3A_1958 : vector<16xf32> to vector<16xf32>
        %swap3A_1960 = vector.shape_cast %add3A_1957 : vector<16xf32> to vector<16xf32>
        tpu.vector_store %arg11[%swap3A], %swap3A_1960 {strides = array<i32>} : memref<128xf32, #tpu.memory_space<vmem>>, vector<16xf32>,
      } else {
      }
      %add3A_364 = arith.constant 8 : i32
      %add3A_365 = arith.addi %add3A_161, %add3A_364 : i32
      %lt3A_366 = arith.constant 128 : i32
      %lt3A_367 = arith.cmpi slt, %add3A_365, %lt3A_366 : i32
      %convert_element_type3A_368 = arith.extui %lt3A_367 : i1 to i32
      %cond3A_369 = arith.constant 0 : i32
      %cond3A_370 = arith.cmpi ne, %convert_element_type3A_368, %cond3A_369 : i32
      scf.if %cond3A_370 {
        %add3A_1953 = arith.constant 8 : i32
        %add3A_1954 = arith.addi %add3A_161, %add3A_1953 : i32
        %mul3A_1955 = arith.constant 200 : i32
        %mul3A_1956 = arith.muli %add3A_1954, %mul3A_1955 : i32
        %multiple_of3A_1957 = tpu.assume_multiple %mul3A_1956, 8 : i32
        %dma_start3A_1958 = arith.constant 0 : i32
        %dma_start3A_1959 = arith.constant 0 : i32
        %dma_start3A_1960 = tpu.memref_slice %arg10[%dma_start3A_1958, %dma_start3A_1959] : memref<8x208xf32, #tpu.memory_space<vmem>> -> memref<1x104xf32, #tpu.memory_space<vmem>>
        %dma_start3A_1961 = tpu.memref_squeeze %dma_start3A_1960 : memref<1x104xf32, #tpu.memory_space<vmem>> -> memref<104xf32, #tpu.memory_space<vmem>>
        %dma_start3A_1962 = tpu.memref_slice %arg7[%multiple_of3A_1957] : memref<25600xi32, #tpu.memory_space<vmem>> -> memref<104xi32, #tpu.memory_space<vmem>>
        %dma_start3A_1963 = arith.constant 0 : i32
        %dma_start3A_1964 = tpu.memref_slice %arg4[%dma_start3A_1963] : memref<1000000xf32, #tpu.memory_space<hbm>> -> memref<1000000xf32, #tpu.memory_space<hbm>>
        tpu.enqueue_indirect_dma source(%dma_start3A_1964 : memref<1000000xf32, #tpu.memory_space<hbm>>) target(%dma_start3A_1961 : memref<104xf32, #tpu.memory_space<vmem>>) offsets(%dma_start3A_1962 : memref<104xi32, #tpu.memory_space<vmem>>) semaphore(%arg12 : memref<!tpu.dma_semaphore, #tpu.memory_space<semaphore_mem>>)
        %add3A_1965 = arith.constant 104 : i32
        %add3A_1966 = arith.addi %multiple_of3A_1957, %add3A_1965 : i32
        %dma_start3A_1967 = arith.constant 0 : i32
        %dma_start3A_1968 = arith.constant 104 : i32
        %dma_start3A_1969 = tpu.memref_slice %arg10[%dma_start3A_1967, %dma_start3A_1968] : memref<8x208xf32, #tpu.memory_space<vmem>> -> memref<1x96xf32, #tpu.memory_space<vmem>>
        %dma_start3A_1970 = tpu.memref_squeeze %dma_start3A_1969 : memref<1x96xf32, #tpu.memory_space<vmem>> -> memref<96xf32, #tpu.memory_space<vmem>>
        %dma_start3A_1971 = tpu.memref_slice %arg7[%add3A_1966] : memref<25600xi32, #tpu.memory_space<vmem>> -> memref<96xi32, #tpu.memory_space<vmem>>
        %dma_start3A_1972 = arith.constant 0 : i32
        %dma_start3A_1973 = tpu.memref_slice %arg4[%dma_start3A_1972] : memref<1000000xf32, #tpu.memory_space<hbm>> -> memref<1000000xf32, #tpu.memory_space<hbm>>
        tpu.enqueue_indirect_dma source(%dma_start3A_1973 : memref<1000000xf32, #tpu.memory_space<hbm>>) target(%dma_start3A_1970 : memref<96xf32, #tpu.memory_space<vmem>>) offsets(%dma_start3A_1971 : memref<96xi32, #tpu.memory_space<vmem>>) semaphore(%arg12 : memref<!tpu.dma_semaphore, #tpu.memory_space<semaphore_mem>>)
      } else {
      }
      %mul3A_371 = arith.constant 8 : i32
      %mul3A_372 = arith.muli %scan3A_156, %mul3A_371 : i32
      %add3A_373 = arith.constant 1 : i32
      %add3A_374 = arith.addi %mul3A_372, %add3A_373 : i32
      %dma_wait3A_375 = arith.constant 1 : i32
      %dma_wait3A_376 = arith.constant 0 : i32
      %dma_wait3A_377 = tpu.memref_slice %arg10[%dma_wait3A_375, %dma_wait3A_376] : memref<8x208xf32, #tpu.memory_space<vmem>> -> memref<1x200xf32, #tpu.memory_space<vmem>>
      %dma_wait3A_378 = tpu.memref_squeeze %dma_wait3A_377 : memref<1x200xf32, #tpu.memory_space<vmem>> -> memref<200xf32, #tpu.memory_space<vmem>>
      %dma_wait3A_379 = arith.constant 0 : i32
      %dma_wait3A_380 = tpu.memref_slice %arg4[%dma_wait3A_379] : memref<1000000xf32, #tpu.memory_space<hbm>> -> memref<200xf32, #tpu.memory_space<hbm>>
      %dma_wait3A_381 = arith.constant 0 : i32
      %dma_wait3A_382 = tpu.memref_slice %arg10[%dma_wait3A_375, %dma_wait3A_381] : memref<8x208xf32, #tpu.memory_space<vmem>> -> memref<1x200xf32, #tpu.memory_space<vmem>>
      %dma_wait3A_383 = tpu.memref_squeeze %dma_wait3A_382 : memref<1x200xf32, #tpu.memory_space<vmem>> -> memref<200xf32, #tpu.memory_space<vmem>>
      %dma_wait3A_384 = arith.constant 0 : i32
      %dma_wait3A_385 = tpu.memref_slice %arg4[%dma_wait3A_384] : memref<1000000xf32, #tpu.memory_space<hbm>> -> memref<200xf32, #tpu.memory_space<hbm>>
      tpu.wait_dma2 semaphore(%arg13 : memref<!tpu.dma_semaphore, #tpu.memory_space<semaphore_mem>>) src(%dma_wait3A_385 : memref<200xf32, #tpu.memory_space<hbm>>) dst(%dma_wait3A_383 : memref<200xf32, #tpu.memory_space<vmem>>)
      %jit3A_386 = arith.constant 16 : i32
      %eq3A_387 = arith.constant 0 : i32
      %eq3A_388 = arith.cmpi eq, %jit3A_386, %eq3A_387 : i32
      %jit3A_389 = arith.constant 1 : i32
      %select_n3A_390 = arith.select %eq3A_388, %jit3A_389, %jit3A_386 : i32
      %rem3A_391 = arith.remsi %add3A_374, %select_n3A_390 : i32
      %ne3A_392 = arith.constant 0 : i32
      %ne3A_393 = arith.cmpi ne, %rem3A_391, %ne3A_392 : i32
      %lt3A_394 = arith.constant 0 : i32
      %lt3A_395 = arith.cmpi slt, %rem3A_391, %lt3A_394 : i32
      %lt3A_396 = arith.constant 0 : i32
      %lt3A_397 = arith.cmpi slt, %select_n3A_390, %lt3A_396 : i32
      %ne3A_398 = arith.xori %lt3A_395, %lt3A_397 : i1
      %and3A_399 = arith.andi %ne3A_398, %ne3A_393 : i1
      %add3A_400 = arith.addi %rem3A_391, %select_n3A_390 : i32
      %select_n3A_401 = arith.select %and3A_399, %add3A_400, %rem3A_391 : i32
      %sub3A_402 = arith.subi %add3A_374, %select_n3A_401 : i32
      %multiple_of3A_403 = tpu.assume_multiple %sub3A_402, 16 : i32
      %get3A_404 = arith.index_cast %multiple_of3A_403 : i32 to index
      %get3A_405 = tpu.vector_load %arg8[%get3A_404] {strides = array<i32>} : memref<128xi32, #tpu.memory_space<vmem>>, vector<16xi32>,
      %get3A_406 = vector.shape_cast %get3A_405 : vector<16xi32> to vector<16xi32>
      %broadcast_in_dim3A_407 = vector.broadcast %select_n3A_401 : i32 to vector<16xi32>
      %broadcast_in_dim3A_408 = vector.shape_cast %broadcast_in_dim3A_407 : vector<16xi32> to vector<16x1xi32>
      %gather3A_409 = vector.shape_cast %broadcast_in_dim3A_408 : vector<16x1xi32> to vector<16xi32>
      %gather3A_410 = tpu.dynamic_gather %get3A_406[%gather3A_409] in [0] : vector<16xi32>, vector<16xi32> -> vector<16xi32>
      %get3A_411 = arith.constant 1 : i32
      %get3A_412 = arith.index_cast %get3A_411 : i32 to index
      %get3A_413 = arith.constant 0 : index
      %get3A_414 = tpu.vector_load %arg10[%get3A_412, %get3A_413] {strides = array<i32>} : memref<8x208xf32, #tpu.memory_space<vmem>>, vector<1x16xf32>,
      %get3A_415 = vector.shape_cast %get3A_414 : vector<1x16xf32> to vector<16xf32>
      %add3A_416 = arith.constant 0 : i32
      %add3A_417 = vector.broadcast %add3A_416 : i32 to vector<16xi32>
      %add3A_418 = arith.addi %iota3A, %add3A_417 : vector<16xi32>
      %lt3A_419 = arith.cmpi slt, %add3A_418, %gather3A_410 : vector<16xi32>
      %select_n3A_420 = arith.select %lt3A_419, %get3A_415, %broadcast_in_dim3A_7 : vector<16xi1>, vector<16xf32>
      %add3A_421 = arith.addf %broadcast_in_dim3A_7, %select_n3A_420 : vector<16xf32>
      %get3A_422 = arith.constant 1 : i32
      %get3A_423 = arith.index_cast %get3A_422 : i32 to index
      %get3A_424 = arith.constant 16 : index
      %get3A_425 = tpu.vector_load %arg10[%get3A_423, %get3A_424] {strides = array<i32>} : memref<8x208xf32, #tpu.memory_space<vmem>>, vector<1x16xf32>,
      %get3A_426 = vector.shape_cast %get3A_425 : vector<1x16xf32> to vector<16xf32>
      %add3A_427 = arith.constant 16 : i32
      %add3A_428 = vector.broadcast %add3A_427 : i32 to vector<16xi32>
      %add3A_429 = arith.addi %iota3A, %add3A_428 : vector<16xi32>
      %lt3A_430 = arith.cmpi slt, %add3A_429, %gather3A_410 : vector<16xi32>
      %select_n3A_431 = arith.select %lt3A_430, %get3A_426, %broadcast_in_dim3A_7 : vector<16xi1>, vector<16xf32>
      %add3A_432 = arith.addf %add3A_421, %select_n3A_431 : vector<16xf32>
      %get3A_433 = arith.constant 1 : i32
      %get3A_434 = arith.index_cast %get3A_433 : i32 to index
      %get3A_435 = arith.constant 32 : index
      %get3A_436 = tpu.vector_load %arg10[%get3A_434, %get3A_435] {strides = array<i32>} : memref<8x208xf32, #tpu.memory_space<vmem>>, vector<1x16xf32>,
      %get3A_437 = vector.shape_cast %get3A_436 : vector<1x16xf32> to vector<16xf32>
      %add3A_438 = arith.constant 32 : i32
      %add3A_439 = vector.broadcast %add3A_438 : i32 to vector<16xi32>
      %add3A_440 = arith.addi %iota3A, %add3A_439 : vector<16xi32>
      %lt3A_441 = arith.cmpi slt, %add3A_440, %gather3A_410 : vector<16xi32>
      %select_n3A_442 = arith.select %lt3A_441, %get3A_437, %broadcast_in_dim3A_7 : vector<16xi1>, vector<16xf32>
      %add3A_443 = arith.addf %add3A_432, %select_n3A_442 : vector<16xf32>
      %get3A_444 = arith.constant 1 : i32
      %get3A_445 = arith.index_cast %get3A_444 : i32 to index
      %get3A_446 = arith.constant 48 : index
      %get3A_447 = tpu.vector_load %arg10[%get3A_445, %get3A_446] {strides = array<i32>} : memref<8x208xf32, #tpu.memory_space<vmem>>, vector<1x16xf32>,
      %get3A_448 = vector.shape_cast %get3A_447 : vector<1x16xf32> to vector<16xf32>
      %add3A_449 = arith.constant 48 : i32
      %add3A_450 = vector.broadcast %add3A_449 : i32 to vector<16xi32>
      %add3A_451 = arith.addi %iota3A, %add3A_450 : vector<16xi32>
      %lt3A_452 = arith.cmpi slt, %add3A_451, %gather3A_410 : vector<16xi32>
      %select_n3A_453 = arith.select %lt3A_452, %get3A_448, %broadcast_in_dim3A_7 : vector<16xi1>, vector<16xf32>
      %add3A_454 = arith.addf %add3A_443, %select_n3A_453 : vector<16xf32>
      %get3A_455 = arith.constant 1 : i32
      %get3A_456 = arith.index_cast %get3A_455 : i32 to index
      %get3A_457 = arith.constant 64 : index
      %get3A_458 = tpu.vector_load %arg10[%get3A_456, %get3A_457] {strides = array<i32>} : memref<8x208xf32, #tpu.memory_space<vmem>>, vector<1x16xf32>,
      %get3A_459 = vector.shape_cast %get3A_458 : vector<1x16xf32> to vector<16xf32>
      %add3A_460 = arith.constant 64 : i32
      %add3A_461 = vector.broadcast %add3A_460 : i32 to vector<16xi32>
      %add3A_462 = arith.addi %iota3A, %add3A_461 : vector<16xi32>
      %lt3A_463 = arith.cmpi slt, %add3A_462, %gather3A_410 : vector<16xi32>
      %select_n3A_464 = arith.select %lt3A_463, %get3A_459, %broadcast_in_dim3A_7 : vector<16xi1>, vector<16xf32>
      %add3A_465 = arith.addf %add3A_454, %select_n3A_464 : vector<16xf32>
      %get3A_466 = arith.constant 1 : i32
      %get3A_467 = arith.index_cast %get3A_466 : i32 to index
      %get3A_468 = arith.constant 80 : index
      %get3A_469 = tpu.vector_load %arg10[%get3A_467, %get3A_468] {strides = array<i32>} : memref<8x208xf32, #tpu.memory_space<vmem>>, vector<1x16xf32>,
      %get3A_470 = vector.shape_cast %get3A_469 : vector<1x16xf32> to vector<16xf32>
      %add3A_471 = arith.constant 80 : i32
      %add3A_472 = vector.broadcast %add3A_471 : i32 to vector<16xi32>
      %add3A_473 = arith.addi %iota3A, %add3A_472 : vector<16xi32>
      %lt3A_474 = arith.cmpi slt, %add3A_473, %gather3A_410 : vector<16xi32>
      %select_n3A_475 = arith.select %lt3A_474, %get3A_470, %broadcast_in_dim3A_7 : vector<16xi1>, vector<16xf32>
      %add3A_476 = arith.addf %add3A_465, %select_n3A_475 : vector<16xf32>
      %get3A_477 = arith.constant 1 : i32
      %get3A_478 = arith.index_cast %get3A_477 : i32 to index
      %get3A_479 = arith.constant 96 : index
      %get3A_480 = tpu.vector_load %arg10[%get3A_478, %get3A_479] {strides = array<i32>} : memref<8x208xf32, #tpu.memory_space<vmem>>, vector<1x16xf32>,
      %get3A_481 = vector.shape_cast %get3A_480 : vector<1x16xf32> to vector<16xf32>
      %add3A_482 = arith.constant 96 : i32
      %add3A_483 = vector.broadcast %add3A_482 : i32 to vector<16xi32>
      %add3A_484 = arith.addi %iota3A, %add3A_483 : vector<16xi32>
      %lt3A_485 = arith.cmpi slt, %add3A_484, %gather3A_410 : vector<16xi32>
      %select_n3A_486 = arith.select %lt3A_485, %get3A_481, %broadcast_in_dim3A_7 : vector<16xi1>, vector<16xf32>
      %add3A_487 = arith.addf %add3A_476, %select_n3A_486 : vector<16xf32>
      %get3A_488 = arith.constant 1 : i32
      %get3A_489 = arith.index_cast %get3A_488 : i32 to index
      %get3A_490 = arith.constant 112 : index
      %get3A_491 = tpu.vector_load %arg10[%get3A_489, %get3A_490] {strides = array<i32>} : memref<8x208xf32, #tpu.memory_space<vmem>>, vector<1x16xf32>,
      %get3A_492 = vector.shape_cast %get3A_491 : vector<1x16xf32> to vector<16xf32>
      %add3A_493 = arith.constant 112 : i32
      %add3A_494 = vector.broadcast %add3A_493 : i32 to vector<16xi32>
      %add3A_495 = arith.addi %iota3A, %add3A_494 : vector<16xi32>
      %lt3A_496 = arith.cmpi slt, %add3A_495, %gather3A_410 : vector<16xi32>
      %select_n3A_497 = arith.select %lt3A_496, %get3A_492, %broadcast_in_dim3A_7 : vector<16xi1>, vector<16xf32>
      %add3A_498 = arith.addf %add3A_487, %select_n3A_497 : vector<16xf32>
      %get3A_499 = arith.constant 1 : i32
      %get3A_500 = arith.index_cast %get3A_499 : i32 to index
      %get3A_501 = arith.constant 128 : index
      %get3A_502 = tpu.vector_load %arg10[%get3A_500, %get3A_501] {strides = array<i32>} : memref<8x208xf32, #tpu.memory_space<vmem>>, vector<1x16xf32>,
      %get3A_503 = vector.shape_cast %get3A_502 : vector<1x16xf32> to vector<16xf32>
      %add3A_504 = arith.constant 128 : i32
      %add3A_505 = vector.broadcast %add3A_504 : i32 to vector<16xi32>
      %add3A_506 = arith.addi %iota3A, %add3A_505 : vector<16xi32>
      %lt3A_507 = arith.cmpi slt, %add3A_506, %gather3A_410 : vector<16xi32>
      %select_n3A_508 = arith.select %lt3A_507, %get3A_503, %broadcast_in_dim3A_7 : vector<16xi1>, vector<16xf32>
      %add3A_509 = arith.addf %add3A_498, %select_n3A_508 : vector<16xf32>
      %get3A_510 = arith.constant 1 : i32
      %get3A_511 = arith.index_cast %get3A_510 : i32 to index
      %get3A_512 = arith.constant 144 : index
      %get3A_513 = tpu.vector_load %arg10[%get3A_511, %get3A_512] {strides = array<i32>} : memref<8x208xf32, #tpu.memory_space<vmem>>, vector<1x16xf32>,
      %get3A_514 = vector.shape_cast %get3A_513 : vector<1x16xf32> to vector<16xf32>
      %add3A_515 = arith.constant 144 : i32
      %add3A_516 = vector.broadcast %add3A_515 : i32 to vector<16xi32>
      %add3A_517 = arith.addi %iota3A, %add3A_516 : vector<16xi32>
      %lt3A_518 = arith.cmpi slt, %add3A_517, %gather3A_410 : vector<16xi32>
      %select_n3A_519 = arith.select %lt3A_518, %get3A_514, %broadcast_in_dim3A_7 : vector<16xi1>, vector<16xf32>
      %add3A_520 = arith.addf %add3A_509, %select_n3A_519 : vector<16xf32>
      %get3A_521 = arith.constant 1 : i32
      %get3A_522 = arith.index_cast %get3A_521 : i32 to index
      %get3A_523 = arith.constant 160 : index
      %get3A_524 = tpu.vector_load %arg10[%get3A_522, %get3A_523] {strides = array<i32>} : memref<8x208xf32, #tpu.memory_space<vmem>>, vector<1x16xf32>,
      %get3A_525 = vector.shape_cast %get3A_524 : vector<1x16xf32> to vector<16xf32>
      %add3A_526 = arith.constant 160 : i32
      %add3A_527 = vector.broadcast %add3A_526 : i32 to vector<16xi32>
      %add3A_528 = arith.addi %iota3A, %add3A_527 : vector<16xi32>
      %lt3A_529 = arith.cmpi slt, %add3A_528, %gather3A_410 : vector<16xi32>
      %select_n3A_530 = arith.select %lt3A_529, %get3A_525, %broadcast_in_dim3A_7 : vector<16xi1>, vector<16xf32>
      %add3A_531 = arith.addf %add3A_520, %select_n3A_530 : vector<16xf32>
      %get3A_532 = arith.constant 1 : i32
      %get3A_533 = arith.index_cast %get3A_532 : i32 to index
      %get3A_534 = arith.constant 176 : index
      %get3A_535 = tpu.vector_load %arg10[%get3A_533, %get3A_534] {strides = array<i32>} : memref<8x208xf32, #tpu.memory_space<vmem>>, vector<1x16xf32>,
      %get3A_536 = vector.shape_cast %get3A_535 : vector<1x16xf32> to vector<16xf32>
      %add3A_537 = arith.constant 176 : i32
      %add3A_538 = vector.broadcast %add3A_537 : i32 to vector<16xi32>
      %add3A_539 = arith.addi %iota3A, %add3A_538 : vector<16xi32>
      %lt3A_540 = arith.cmpi slt, %add3A_539, %gather3A_410 : vector<16xi32>
      %select_n3A_541 = arith.select %lt3A_540, %get3A_536, %broadcast_in_dim3A_7 : vector<16xi1>, vector<16xf32>
      %add3A_542 = arith.addf %add3A_531, %select_n3A_541 : vector<16xf32>
      %get3A_543 = arith.constant 1 : i32
      %get3A_544 = arith.index_cast %get3A_543 : i32 to index
      %get3A_545 = arith.constant 192 : index
      %get3A_546 = tpu.vector_load %arg10[%get3A_544, %get3A_545] {strides = array<i32>} : memref<8x208xf32, #tpu.memory_space<vmem>>, vector<1x16xf32>,
      %get3A_547 = vector.shape_cast %get3A_546 : vector<1x16xf32> to vector<16xf32>
      %add3A_548 = arith.constant 192 : i32
      %add3A_549 = vector.broadcast %add3A_548 : i32 to vector<16xi32>
      %add3A_550 = arith.addi %iota3A, %add3A_549 : vector<16xi32>
      %lt3A_551 = arith.cmpi slt, %add3A_550, %gather3A_410 : vector<16xi32>
      %select_n3A_552 = arith.select %lt3A_551, %get3A_547, %broadcast_in_dim3A_7 : vector<16xi1>, vector<16xf32>
      %add3A_553 = arith.addf %add3A_542, %select_n3A_552 : vector<16xf32>
      %xor3A_554 = arith.constant 8 : i32
      %xor3A_555 = vector.broadcast %xor3A_554 : i32 to vector<16xi32>
      %xor3A_556 = arith.xori %iota3A, %xor3A_555 : vector<16xi32>
      %broadcast_in_dim3A_557 = vector.shape_cast %xor3A_556 : vector<16xi32> to vector<16x1xi32>
      %gather3A_558 = vector.shape_cast %broadcast_in_dim3A_557 : vector<16x1xi32> to vector<16xi32>
      %gather3A_559 = tpu.dynamic_gather %add3A_553[%gather3A_558] in [0] : vector<16xf32>, vector<16xi32> -> vector<16xf32>
      %add3A_560 = arith.addf %add3A_553, %gather3A_559 : vector<16xf32>
      %xor3A_561 = arith.constant 4 : i32
      %xor3A_562 = vector.broadcast %xor3A_561 : i32 to vector<16xi32>
      %xor3A_563 = arith.xori %iota3A, %xor3A_562 : vector<16xi32>
      %broadcast_in_dim3A_564 = vector.shape_cast %xor3A_563 : vector<16xi32> to vector<16x1xi32>
      %gather3A_565 = vector.shape_cast %broadcast_in_dim3A_564 : vector<16x1xi32> to vector<16xi32>
      %gather3A_566 = tpu.dynamic_gather %add3A_560[%gather3A_565] in [0] : vector<16xf32>, vector<16xi32> -> vector<16xf32>
      %add3A_567 = arith.addf %add3A_560, %gather3A_566 : vector<16xf32>
      %xor3A_568 = arith.constant 2 : i32
      %xor3A_569 = vector.broadcast %xor3A_568 : i32 to vector<16xi32>
      %xor3A_570 = arith.xori %iota3A, %xor3A_569 : vector<16xi32>
      %broadcast_in_dim3A_571 = vector.shape_cast %xor3A_570 : vector<16xi32> to vector<16x1xi32>
      %gather3A_572 = vector.shape_cast %broadcast_in_dim3A_571 : vector<16x1xi32> to vector<16xi32>
      %gather3A_573 = tpu.dynamic_gather %add3A_567[%gather3A_572] in [0] : vector<16xf32>, vector<16xi32> -> vector<16xf32>
      %add3A_574 = arith.addf %add3A_567, %gather3A_573 : vector<16xf32>
      %xor3A_575 = arith.constant 1 : i32
      %xor3A_576 = vector.broadcast %xor3A_575 : i32 to vector<16xi32>
      %xor3A_577 = arith.xori %iota3A, %xor3A_576 : vector<16xi32>
      %broadcast_in_dim3A_578 = vector.shape_cast %xor3A_577 : vector<16xi32> to vector<16x1xi32>
      %gather3A_579 = vector.shape_cast %broadcast_in_dim3A_578 : vector<16x1xi32> to vector<16xi32>
      %gather3A_580 = tpu.dynamic_gather %add3A_574[%gather3A_579] in [0] : vector<16xf32>, vector<16xi32> -> vector<16xf32>
      %add3A_581 = arith.addf %add3A_574, %gather3A_580 : vector<16xf32>
      %eq3A_582 = vector.broadcast %select_n3A_401 : i32 to vector<16xi32>
      %eq3A_583 = arith.cmpi eq, %iota3A, %eq3A_582 : vector<16xi32>
      %select_n3A_584 = arith.select %eq3A_583, %add3A_581, %select_n3A_360 : vector<16xi1>, vector<16xf32>
      %eq3A_585 = arith.constant 15 : i32
      %eq3A_586 = arith.cmpi eq, %select_n3A_401, %eq3A_585 : i32
      %convert_element_type3A_587 = arith.extui %eq3A_586 : i1 to i32
      %cond3A_588 = arith.constant 0 : i32
      %cond3A_589 = arith.cmpi ne, %convert_element_type3A_587, %cond3A_588 : i32
      scf.if %cond3A_589 {
        %get3A_1953 = arith.index_cast %multiple_of3A_403 : i32 to index
        %get3A_1954 = tpu.vector_load %arg8[%get3A_1953] {strides = array<i32>} : memref<128xi32, #tpu.memory_space<vmem>>, vector<16xi32>,
        %get3A_1955 = vector.shape_cast %get3A_1954 : vector<16xi32> to vector<16xi32>
        %convert_element_type3A_1956 = arith.sitofp %get3A_1955 : vector<16xi32> to vector<16xf32>
        %div3A = arith.divf %select_n3A_584, %convert_element_type3A_1956 : vector<16xf32>
        %add3A_1957 = arith.addf %div3A, %get3A_6 : vector<16xf32>
        %swap3A = arith.index_cast %multiple_of3A_403 : i32 to index
        %swap3A_1958 = tpu.vector_load %arg11[%swap3A] {strides = array<i32>} : memref<128xf32, #tpu.memory_space<vmem>>, vector<16xf32>,
        %swap3A_1959 = vector.shape_cast %swap3A_1958 : vector<16xf32> to vector<16xf32>
        %swap3A_1960 = vector.shape_cast %add3A_1957 : vector<16xf32> to vector<16xf32>
        tpu.vector_store %arg11[%swap3A], %swap3A_1960 {strides = array<i32>} : memref<128xf32, #tpu.memory_space<vmem>>, vector<16xf32>,
      } else {
      }
      %add3A_590 = arith.constant 8 : i32
      %add3A_591 = arith.addi %add3A_374, %add3A_590 : i32
      %lt3A_592 = arith.constant 128 : i32
      %lt3A_593 = arith.cmpi slt, %add3A_591, %lt3A_592 : i32
      %convert_element_type3A_594 = arith.extui %lt3A_593 : i1 to i32
      %cond3A_595 = arith.constant 0 : i32
      %cond3A_596 = arith.cmpi ne, %convert_element_type3A_594, %cond3A_595 : i32
      scf.if %cond3A_596 {
        %add3A_1953 = arith.constant 8 : i32
        %add3A_1954 = arith.addi %add3A_374, %add3A_1953 : i32
        %mul3A_1955 = arith.constant 200 : i32
        %mul3A_1956 = arith.muli %add3A_1954, %mul3A_1955 : i32
        %multiple_of3A_1957 = tpu.assume_multiple %mul3A_1956, 8 : i32
        %dma_start3A_1958 = arith.constant 1 : i32
        %dma_start3A_1959 = arith.constant 0 : i32
        %dma_start3A_1960 = tpu.memref_slice %arg10[%dma_start3A_1958, %dma_start3A_1959] : memref<8x208xf32, #tpu.memory_space<vmem>> -> memref<1x104xf32, #tpu.memory_space<vmem>>
        %dma_start3A_1961 = tpu.memref_squeeze %dma_start3A_1960 : memref<1x104xf32, #tpu.memory_space<vmem>> -> memref<104xf32, #tpu.memory_space<vmem>>
        %dma_start3A_1962 = tpu.memref_slice %arg7[%multiple_of3A_1957] : memref<25600xi32, #tpu.memory_space<vmem>> -> memref<104xi32, #tpu.memory_space<vmem>>
        %dma_start3A_1963 = arith.constant 0 : i32
        %dma_start3A_1964 = tpu.memref_slice %arg4[%dma_start3A_1963] : memref<1000000xf32, #tpu.memory_space<hbm>> -> memref<1000000xf32, #tpu.memory_space<hbm>>
        tpu.enqueue_indirect_dma source(%dma_start3A_1964 : memref<1000000xf32, #tpu.memory_space<hbm>>) target(%dma_start3A_1961 : memref<104xf32, #tpu.memory_space<vmem>>) offsets(%dma_start3A_1962 : memref<104xi32, #tpu.memory_space<vmem>>) semaphore(%arg13 : memref<!tpu.dma_semaphore, #tpu.memory_space<semaphore_mem>>)
        %add3A_1965 = arith.constant 104 : i32
        %add3A_1966 = arith.addi %multiple_of3A_1957, %add3A_1965 : i32
        %dma_start3A_1967 = arith.constant 1 : i32
        %dma_start3A_1968 = arith.constant 104 : i32
        %dma_start3A_1969 = tpu.memref_slice %arg10[%dma_start3A_1967, %dma_start3A_1968] : memref<8x208xf32, #tpu.memory_space<vmem>> -> memref<1x96xf32, #tpu.memory_space<vmem>>
        %dma_start3A_1970 = tpu.memref_squeeze %dma_start3A_1969 : memref<1x96xf32, #tpu.memory_space<vmem>> -> memref<96xf32, #tpu.memory_space<vmem>>
        %dma_start3A_1971 = tpu.memref_slice %arg7[%add3A_1966] : memref<25600xi32, #tpu.memory_space<vmem>> -> memref<96xi32, #tpu.memory_space<vmem>>
        %dma_start3A_1972 = arith.constant 0 : i32
        %dma_start3A_1973 = tpu.memref_slice %arg4[%dma_start3A_1972] : memref<1000000xf32, #tpu.memory_space<hbm>> -> memref<1000000xf32, #tpu.memory_space<hbm>>
        tpu.enqueue_indirect_dma source(%dma_start3A_1973 : memref<1000000xf32, #tpu.memory_space<hbm>>) target(%dma_start3A_1970 : memref<96xf32, #tpu.memory_space<vmem>>) offsets(%dma_start3A_1971 : memref<96xi32, #tpu.memory_space<vmem>>) semaphore(%arg13 : memref<!tpu.dma_semaphore, #tpu.memory_space<semaphore_mem>>)
      } else {
      }
      %mul3A_597 = arith.constant 8 : i32
      %mul3A_598 = arith.muli %scan3A_156, %mul3A_597 : i32
      %add3A_599 = arith.constant 2 : i32
      %add3A_600 = arith.addi %mul3A_598, %add3A_599 : i32
      %dma_wait3A_601 = arith.constant 2 : i32
      %dma_wait3A_602 = arith.constant 0 : i32
      %dma_wait3A_603 = tpu.memref_slice %arg10[%dma_wait3A_601, %dma_wait3A_602] : memref<8x208xf32, #tpu.memory_space<vmem>> -> memref<1x200xf32, #tpu.memory_space<vmem>>
      %dma_wait3A_604 = tpu.memref_squeeze %dma_wait3A_603 : memref<1x200xf32, #tpu.memory_space<vmem>> -> memref<200xf32, #tpu.memory_space<vmem>>
      %dma_wait3A_605 = arith.constant 0 : i32
      %dma_wait3A_606 = tpu.memref_slice %arg4[%dma_wait3A_605] : memref<1000000xf32, #tpu.memory_space<hbm>> -> memref<200xf32, #tpu.memory_space<hbm>>
      %dma_wait3A_607 = arith.constant 0 : i32
      %dma_wait3A_608 = tpu.memref_slice %arg10[%dma_wait3A_601, %dma_wait3A_607] : memref<8x208xf32, #tpu.memory_space<vmem>> -> memref<1x200xf32, #tpu.memory_space<vmem>>
      %dma_wait3A_609 = tpu.memref_squeeze %dma_wait3A_608 : memref<1x200xf32, #tpu.memory_space<vmem>> -> memref<200xf32, #tpu.memory_space<vmem>>
      %dma_wait3A_610 = arith.constant 0 : i32
      %dma_wait3A_611 = tpu.memref_slice %arg4[%dma_wait3A_610] : memref<1000000xf32, #tpu.memory_space<hbm>> -> memref<200xf32, #tpu.memory_space<hbm>>
      tpu.wait_dma2 semaphore(%arg14 : memref<!tpu.dma_semaphore, #tpu.memory_space<semaphore_mem>>) src(%dma_wait3A_611 : memref<200xf32, #tpu.memory_space<hbm>>) dst(%dma_wait3A_609 : memref<200xf32, #tpu.memory_space<vmem>>)
      %jit3A_612 = arith.constant 16 : i32
      %eq3A_613 = arith.constant 0 : i32
      %eq3A_614 = arith.cmpi eq, %jit3A_612, %eq3A_613 : i32
      %jit3A_615 = arith.constant 1 : i32
      %select_n3A_616 = arith.select %eq3A_614, %jit3A_615, %jit3A_612 : i32
      %rem3A_617 = arith.remsi %add3A_600, %select_n3A_616 : i32
      %ne3A_618 = arith.constant 0 : i32
      %ne3A_619 = arith.cmpi ne, %rem3A_617, %ne3A_618 : i32
      %lt3A_620 = arith.constant 0 : i32
      %lt3A_621 = arith.cmpi slt, %rem3A_617, %lt3A_620 : i32
      %lt3A_622 = arith.constant 0 : i32
      %lt3A_623 = arith.cmpi slt, %select_n3A_616, %lt3A_622 : i32
      %ne3A_624 = arith.xori %lt3A_621, %lt3A_623 : i1
      %and3A_625 = arith.andi %ne3A_624, %ne3A_619 : i1
      %add3A_626 = arith.addi %rem3A_617, %select_n3A_616 : i32
      %select_n3A_627 = arith.select %and3A_625, %add3A_626, %rem3A_617 : i32
      %sub3A_628 = arith.subi %add3A_600, %select_n3A_627 : i32
      %multiple_of3A_629 = tpu.assume_multiple %sub3A_628, 16 : i32
      %get3A_630 = arith.index_cast %multiple_of3A_629 : i32 to index
      %get3A_631 = tpu.vector_load %arg8[%get3A_630] {strides = array<i32>} : memref<128xi32, #tpu.memory_space<vmem>>, vector<16xi32>,
      %get3A_632 = vector.shape_cast %get3A_631 : vector<16xi32> to vector<16xi32>
      %broadcast_in_dim3A_633 = vector.broadcast %select_n3A_627 : i32 to vector<16xi32>
      %broadcast_in_dim3A_634 = vector.shape_cast %broadcast_in_dim3A_633 : vector<16xi32> to vector<16x1xi32>
      %gather3A_635 = vector.shape_cast %broadcast_in_dim3A_634 : vector<16x1xi32> to vector<16xi32>
      %gather3A_636 = tpu.dynamic_gather %get3A_632[%gather3A_635] in [0] : vector<16xi32>, vector<16xi32> -> vector<16xi32>
      %get3A_637 = arith.constant 2 : i32
      %get3A_638 = arith.index_cast %get3A_637 : i32 to index
      %get3A_639 = arith.constant 0 : index
      %get3A_640 = tpu.vector_load %arg10[%get3A_638, %get3A_639] {strides = array<i32>} : memref<8x208xf32, #tpu.memory_space<vmem>>, vector<1x16xf32>,
      %get3A_641 = vector.shape_cast %get3A_640 : vector<1x16xf32> to vector<16xf32>
      %add3A_642 = arith.constant 0 : i32
      %add3A_643 = vector.broadcast %add3A_642 : i32 to vector<16xi32>
      %add3A_644 = arith.addi %iota3A, %add3A_643 : vector<16xi32>
      %lt3A_645 = arith.cmpi slt, %add3A_644, %gather3A_636 : vector<16xi32>
      %select_n3A_646 = arith.select %lt3A_645, %get3A_641, %broadcast_in_dim3A_7 : vector<16xi1>, vector<16xf32>
      %add3A_647 = arith.addf %broadcast_in_dim3A_7, %select_n3A_646 : vector<16xf32>
      %get3A_648 = arith.constant 2 : i32
      %get3A_649 = arith.index_cast %get3A_648 : i32 to index
      %get3A_650 = arith.constant 16 : index
      %get3A_651 = tpu.vector_load %arg10[%get3A_649, %get3A_650] {strides = array<i32>} : memref<8x208xf32, #tpu.memory_space<vmem>>, vector<1x16xf32>,
      %get3A_652 = vector.shape_cast %get3A_651 : vector<1x16xf32> to vector<16xf32>
      %add3A_653 = arith.constant 16 : i32
      %add3A_654 = vector.broadcast %add3A_653 : i32 to vector<16xi32>
      %add3A_655 = arith.addi %iota3A, %add3A_654 : vector<16xi32>
      %lt3A_656 = arith.cmpi slt, %add3A_655, %gather3A_636 : vector<16xi32>
      %select_n3A_657 = arith.select %lt3A_656, %get3A_652, %broadcast_in_dim3A_7 : vector<16xi1>, vector<16xf32>
      %add3A_658 = arith.addf %add3A_647, %select_n3A_657 : vector<16xf32>
      %get3A_659 = arith.constant 2 : i32
      %get3A_660 = arith.index_cast %get3A_659 : i32 to index
      %get3A_661 = arith.constant 32 : index
      %get3A_662 = tpu.vector_load %arg10[%get3A_660, %get3A_661] {strides = array<i32>} : memref<8x208xf32, #tpu.memory_space<vmem>>, vector<1x16xf32>,
      %get3A_663 = vector.shape_cast %get3A_662 : vector<1x16xf32> to vector<16xf32>
      %add3A_664 = arith.constant 32 : i32
      %add3A_665 = vector.broadcast %add3A_664 : i32 to vector<16xi32>
      %add3A_666 = arith.addi %iota3A, %add3A_665 : vector<16xi32>
      %lt3A_667 = arith.cmpi slt, %add3A_666, %gather3A_636 : vector<16xi32>
      %select_n3A_668 = arith.select %lt3A_667, %get3A_663, %broadcast_in_dim3A_7 : vector<16xi1>, vector<16xf32>
      %add3A_669 = arith.addf %add3A_658, %select_n3A_668 : vector<16xf32>
      %get3A_670 = arith.constant 2 : i32
      %get3A_671 = arith.index_cast %get3A_670 : i32 to index
      %get3A_672 = arith.constant 48 : index
      %get3A_673 = tpu.vector_load %arg10[%get3A_671, %get3A_672] {strides = array<i32>} : memref<8x208xf32, #tpu.memory_space<vmem>>, vector<1x16xf32>,
      %get3A_674 = vector.shape_cast %get3A_673 : vector<1x16xf32> to vector<16xf32>
      %add3A_675 = arith.constant 48 : i32
      %add3A_676 = vector.broadcast %add3A_675 : i32 to vector<16xi32>
      %add3A_677 = arith.addi %iota3A, %add3A_676 : vector<16xi32>
      %lt3A_678 = arith.cmpi slt, %add3A_677, %gather3A_636 : vector<16xi32>
      %select_n3A_679 = arith.select %lt3A_678, %get3A_674, %broadcast_in_dim3A_7 : vector<16xi1>, vector<16xf32>
      %add3A_680 = arith.addf %add3A_669, %select_n3A_679 : vector<16xf32>
      %get3A_681 = arith.constant 2 : i32
      %get3A_682 = arith.index_cast %get3A_681 : i32 to index
      %get3A_683 = arith.constant 64 : index
      %get3A_684 = tpu.vector_load %arg10[%get3A_682, %get3A_683] {strides = array<i32>} : memref<8x208xf32, #tpu.memory_space<vmem>>, vector<1x16xf32>,
      %get3A_685 = vector.shape_cast %get3A_684 : vector<1x16xf32> to vector<16xf32>
      %add3A_686 = arith.constant 64 : i32
      %add3A_687 = vector.broadcast %add3A_686 : i32 to vector<16xi32>
      %add3A_688 = arith.addi %iota3A, %add3A_687 : vector<16xi32>
      %lt3A_689 = arith.cmpi slt, %add3A_688, %gather3A_636 : vector<16xi32>
      %select_n3A_690 = arith.select %lt3A_689, %get3A_685, %broadcast_in_dim3A_7 : vector<16xi1>, vector<16xf32>
      %add3A_691 = arith.addf %add3A_680, %select_n3A_690 : vector<16xf32>
      %get3A_692 = arith.constant 2 : i32
      %get3A_693 = arith.index_cast %get3A_692 : i32 to index
      %get3A_694 = arith.constant 80 : index
      %get3A_695 = tpu.vector_load %arg10[%get3A_693, %get3A_694] {strides = array<i32>} : memref<8x208xf32, #tpu.memory_space<vmem>>, vector<1x16xf32>,
      %get3A_696 = vector.shape_cast %get3A_695 : vector<1x16xf32> to vector<16xf32>
      %add3A_697 = arith.constant 80 : i32
      %add3A_698 = vector.broadcast %add3A_697 : i32 to vector<16xi32>
      %add3A_699 = arith.addi %iota3A, %add3A_698 : vector<16xi32>
      %lt3A_700 = arith.cmpi slt, %add3A_699, %gather3A_636 : vector<16xi32>
      %select_n3A_701 = arith.select %lt3A_700, %get3A_696, %broadcast_in_dim3A_7 : vector<16xi1>, vector<16xf32>
      %add3A_702 = arith.addf %add3A_691, %select_n3A_701 : vector<16xf32>
      %get3A_703 = arith.constant 2 : i32
      %get3A_704 = arith.index_cast %get3A_703 : i32 to index
      %get3A_705 = arith.constant 96 : index
      %get3A_706 = tpu.vector_load %arg10[%get3A_704, %get3A_705] {strides = array<i32>} : memref<8x208xf32, #tpu.memory_space<vmem>>, vector<1x16xf32>,
      %get3A_707 = vector.shape_cast %get3A_706 : vector<1x16xf32> to vector<16xf32>
      %add3A_708 = arith.constant 96 : i32
      %add3A_709 = vector.broadcast %add3A_708 : i32 to vector<16xi32>
      %add3A_710 = arith.addi %iota3A, %add3A_709 : vector<16xi32>
      %lt3A_711 = arith.cmpi slt, %add3A_710, %gather3A_636 : vector<16xi32>
      %select_n3A_712 = arith.select %lt3A_711, %get3A_707, %broadcast_in_dim3A_7 : vector<16xi1>, vector<16xf32>
      %add3A_713 = arith.addf %add3A_702, %select_n3A_712 : vector<16xf32>
      %get3A_714 = arith.constant 2 : i32
      %get3A_715 = arith.index_cast %get3A_714 : i32 to index
      %get3A_716 = arith.constant 112 : index
      %get3A_717 = tpu.vector_load %arg10[%get3A_715, %get3A_716] {strides = array<i32>} : memref<8x208xf32, #tpu.memory_space<vmem>>, vector<1x16xf32>,
      %get3A_718 = vector.shape_cast %get3A_717 : vector<1x16xf32> to vector<16xf32>
      %add3A_719 = arith.constant 112 : i32
      %add3A_720 = vector.broadcast %add3A_719 : i32 to vector<16xi32>
      %add3A_721 = arith.addi %iota3A, %add3A_720 : vector<16xi32>
      %lt3A_722 = arith.cmpi slt, %add3A_721, %gather3A_636 : vector<16xi32>
      %select_n3A_723 = arith.select %lt3A_722, %get3A_718, %broadcast_in_dim3A_7 : vector<16xi1>, vector<16xf32>
      %add3A_724 = arith.addf %add3A_713, %select_n3A_723 : vector<16xf32>
      %get3A_725 = arith.constant 2 : i32
      %get3A_726 = arith.index_cast %get3A_725 : i32 to index
      %get3A_727 = arith.constant 128 : index
      %get3A_728 = tpu.vector_load %arg10[%get3A_726, %get3A_727] {strides = array<i32>} : memref<8x208xf32, #tpu.memory_space<vmem>>, vector<1x16xf32>,
      %get3A_729 = vector.shape_cast %get3A_728 : vector<1x16xf32> to vector<16xf32>
      %add3A_730 = arith.constant 128 : i32
      %add3A_731 = vector.broadcast %add3A_730 : i32 to vector<16xi32>
      %add3A_732 = arith.addi %iota3A, %add3A_731 : vector<16xi32>
      %lt3A_733 = arith.cmpi slt, %add3A_732, %gather3A_636 : vector<16xi32>
      %select_n3A_734 = arith.select %lt3A_733, %get3A_729, %broadcast_in_dim3A_7 : vector<16xi1>, vector<16xf32>
      %add3A_735 = arith.addf %add3A_724, %select_n3A_734 : vector<16xf32>
      %get3A_736 = arith.constant 2 : i32
      %get3A_737 = arith.index_cast %get3A_736 : i32 to index
      %get3A_738 = arith.constant 144 : index
      %get3A_739 = tpu.vector_load %arg10[%get3A_737, %get3A_738] {strides = array<i32>} : memref<8x208xf32, #tpu.memory_space<vmem>>, vector<1x16xf32>,
      %get3A_740 = vector.shape_cast %get3A_739 : vector<1x16xf32> to vector<16xf32>
      %add3A_741 = arith.constant 144 : i32
      %add3A_742 = vector.broadcast %add3A_741 : i32 to vector<16xi32>
      %add3A_743 = arith.addi %iota3A, %add3A_742 : vector<16xi32>
      %lt3A_744 = arith.cmpi slt, %add3A_743, %gather3A_636 : vector<16xi32>
      %select_n3A_745 = arith.select %lt3A_744, %get3A_740, %broadcast_in_dim3A_7 : vector<16xi1>, vector<16xf32>
      %add3A_746 = arith.addf %add3A_735, %select_n3A_745 : vector<16xf32>
      %get3A_747 = arith.constant 2 : i32
      %get3A_748 = arith.index_cast %get3A_747 : i32 to index
      %get3A_749 = arith.constant 160 : index
      %get3A_750 = tpu.vector_load %arg10[%get3A_748, %get3A_749] {strides = array<i32>} : memref<8x208xf32, #tpu.memory_space<vmem>>, vector<1x16xf32>,
      %get3A_751 = vector.shape_cast %get3A_750 : vector<1x16xf32> to vector<16xf32>
      %add3A_752 = arith.constant 160 : i32
      %add3A_753 = vector.broadcast %add3A_752 : i32 to vector<16xi32>
      %add3A_754 = arith.addi %iota3A, %add3A_753 : vector<16xi32>
      %lt3A_755 = arith.cmpi slt, %add3A_754, %gather3A_636 : vector<16xi32>
      %select_n3A_756 = arith.select %lt3A_755, %get3A_751, %broadcast_in_dim3A_7 : vector<16xi1>, vector<16xf32>
      %add3A_757 = arith.addf %add3A_746, %select_n3A_756 : vector<16xf32>
      %get3A_758 = arith.constant 2 : i32
      %get3A_759 = arith.index_cast %get3A_758 : i32 to index
      %get3A_760 = arith.constant 176 : index
      %get3A_761 = tpu.vector_load %arg10[%get3A_759, %get3A_760] {strides = array<i32>} : memref<8x208xf32, #tpu.memory_space<vmem>>, vector<1x16xf32>,
      %get3A_762 = vector.shape_cast %get3A_761 : vector<1x16xf32> to vector<16xf32>
      %add3A_763 = arith.constant 176 : i32
      %add3A_764 = vector.broadcast %add3A_763 : i32 to vector<16xi32>
      %add3A_765 = arith.addi %iota3A, %add3A_764 : vector<16xi32>
      %lt3A_766 = arith.cmpi slt, %add3A_765, %gather3A_636 : vector<16xi32>
      %select_n3A_767 = arith.select %lt3A_766, %get3A_762, %broadcast_in_dim3A_7 : vector<16xi1>, vector<16xf32>
      %add3A_768 = arith.addf %add3A_757, %select_n3A_767 : vector<16xf32>
      %get3A_769 = arith.constant 2 : i32
      %get3A_770 = arith.index_cast %get3A_769 : i32 to index
      %get3A_771 = arith.constant 192 : index
      %get3A_772 = tpu.vector_load %arg10[%get3A_770, %get3A_771] {strides = array<i32>} : memref<8x208xf32, #tpu.memory_space<vmem>>, vector<1x16xf32>,
      %get3A_773 = vector.shape_cast %get3A_772 : vector<1x16xf32> to vector<16xf32>
      %add3A_774 = arith.constant 192 : i32
      %add3A_775 = vector.broadcast %add3A_774 : i32 to vector<16xi32>
      %add3A_776 = arith.addi %iota3A, %add3A_775 : vector<16xi32>
      %lt3A_777 = arith.cmpi slt, %add3A_776, %gather3A_636 : vector<16xi32>
      %select_n3A_778 = arith.select %lt3A_777, %get3A_773, %broadcast_in_dim3A_7 : vector<16xi1>, vector<16xf32>
      %add3A_779 = arith.addf %add3A_768, %select_n3A_778 : vector<16xf32>
      %xor3A_780 = arith.constant 8 : i32
      %xor3A_781 = vector.broadcast %xor3A_780 : i32 to vector<16xi32>
      %xor3A_782 = arith.xori %iota3A, %xor3A_781 : vector<16xi32>
      %broadcast_in_dim3A_783 = vector.shape_cast %xor3A_782 : vector<16xi32> to vector<16x1xi32>
      %gather3A_784 = vector.shape_cast %broadcast_in_dim3A_783 : vector<16x1xi32> to vector<16xi32>
      %gather3A_785 = tpu.dynamic_gather %add3A_779[%gather3A_784] in [0] : vector<16xf32>, vector<16xi32> -> vector<16xf32>
      %add3A_786 = arith.addf %add3A_779, %gather3A_785 : vector<16xf32>
      %xor3A_787 = arith.constant 4 : i32
      %xor3A_788 = vector.broadcast %xor3A_787 : i32 to vector<16xi32>
      %xor3A_789 = arith.xori %iota3A, %xor3A_788 : vector<16xi32>
      %broadcast_in_dim3A_790 = vector.shape_cast %xor3A_789 : vector<16xi32> to vector<16x1xi32>
      %gather3A_791 = vector.shape_cast %broadcast_in_dim3A_790 : vector<16x1xi32> to vector<16xi32>
      %gather3A_792 = tpu.dynamic_gather %add3A_786[%gather3A_791] in [0] : vector<16xf32>, vector<16xi32> -> vector<16xf32>
      %add3A_793 = arith.addf %add3A_786, %gather3A_792 : vector<16xf32>
      %xor3A_794 = arith.constant 2 : i32
      %xor3A_795 = vector.broadcast %xor3A_794 : i32 to vector<16xi32>
      %xor3A_796 = arith.xori %iota3A, %xor3A_795 : vector<16xi32>
      %broadcast_in_dim3A_797 = vector.shape_cast %xor3A_796 : vector<16xi32> to vector<16x1xi32>
      %gather3A_798 = vector.shape_cast %broadcast_in_dim3A_797 : vector<16x1xi32> to vector<16xi32>
      %gather3A_799 = tpu.dynamic_gather %add3A_793[%gather3A_798] in [0] : vector<16xf32>, vector<16xi32> -> vector<16xf32>
      %add3A_800 = arith.addf %add3A_793, %gather3A_799 : vector<16xf32>
      %xor3A_801 = arith.constant 1 : i32
      %xor3A_802 = vector.broadcast %xor3A_801 : i32 to vector<16xi32>
      %xor3A_803 = arith.xori %iota3A, %xor3A_802 : vector<16xi32>
      %broadcast_in_dim3A_804 = vector.shape_cast %xor3A_803 : vector<16xi32> to vector<16x1xi32>
      %gather3A_805 = vector.shape_cast %broadcast_in_dim3A_804 : vector<16x1xi32> to vector<16xi32>
      %gather3A_806 = tpu.dynamic_gather %add3A_800[%gather3A_805] in [0] : vector<16xf32>, vector<16xi32> -> vector<16xf32>
      %add3A_807 = arith.addf %add3A_800, %gather3A_806 : vector<16xf32>
      %eq3A_808 = vector.broadcast %select_n3A_627 : i32 to vector<16xi32>
      %eq3A_809 = arith.cmpi eq, %iota3A, %eq3A_808 : vector<16xi32>
      %select_n3A_810 = arith.select %eq3A_809, %add3A_807, %select_n3A_584 : vector<16xi1>, vector<16xf32>
      %eq3A_811 = arith.constant 15 : i32
      %eq3A_812 = arith.cmpi eq, %select_n3A_627, %eq3A_811 : i32
      %convert_element_type3A_813 = arith.extui %eq3A_812 : i1 to i32
      %cond3A_814 = arith.constant 0 : i32
      %cond3A_815 = arith.cmpi ne, %convert_element_type3A_813, %cond3A_814 : i32
      scf.if %cond3A_815 {
        %get3A_1953 = arith.index_cast %multiple_of3A_629 : i32 to index
        %get3A_1954 = tpu.vector_load %arg8[%get3A_1953] {strides = array<i32>} : memref<128xi32, #tpu.memory_space<vmem>>, vector<16xi32>,
        %get3A_1955 = vector.shape_cast %get3A_1954 : vector<16xi32> to vector<16xi32>
        %convert_element_type3A_1956 = arith.sitofp %get3A_1955 : vector<16xi32> to vector<16xf32>
        %div3A = arith.divf %select_n3A_810, %convert_element_type3A_1956 : vector<16xf32>
        %add3A_1957 = arith.addf %div3A, %get3A_6 : vector<16xf32>
        %swap3A = arith.index_cast %multiple_of3A_629 : i32 to index
        %swap3A_1958 = tpu.vector_load %arg11[%swap3A] {strides = array<i32>} : memref<128xf32, #tpu.memory_space<vmem>>, vector<16xf32>,
        %swap3A_1959 = vector.shape_cast %swap3A_1958 : vector<16xf32> to vector<16xf32>
        %swap3A_1960 = vector.shape_cast %add3A_1957 : vector<16xf32> to vector<16xf32>
        tpu.vector_store %arg11[%swap3A], %swap3A_1960 {strides = array<i32>} : memref<128xf32, #tpu.memory_space<vmem>>, vector<16xf32>,
      } else {
      }
      %add3A_816 = arith.constant 8 : i32
      %add3A_817 = arith.addi %add3A_600, %add3A_816 : i32
      %lt3A_818 = arith.constant 128 : i32
      %lt3A_819 = arith.cmpi slt, %add3A_817, %lt3A_818 : i32
      %convert_element_type3A_820 = arith.extui %lt3A_819 : i1 to i32
      %cond3A_821 = arith.constant 0 : i32
      %cond3A_822 = arith.cmpi ne, %convert_element_type3A_820, %cond3A_821 : i32
      scf.if %cond3A_822 {
        %add3A_1953 = arith.constant 8 : i32
        %add3A_1954 = arith.addi %add3A_600, %add3A_1953 : i32
        %mul3A_1955 = arith.constant 200 : i32
        %mul3A_1956 = arith.muli %add3A_1954, %mul3A_1955 : i32
        %multiple_of3A_1957 = tpu.assume_multiple %mul3A_1956, 8 : i32
        %dma_start3A_1958 = arith.constant 2 : i32
        %dma_start3A_1959 = arith.constant 0 : i32
        %dma_start3A_1960 = tpu.memref_slice %arg10[%dma_start3A_1958, %dma_start3A_1959] : memref<8x208xf32, #tpu.memory_space<vmem>> -> memref<1x104xf32, #tpu.memory_space<vmem>>
        %dma_start3A_1961 = tpu.memref_squeeze %dma_start3A_1960 : memref<1x104xf32, #tpu.memory_space<vmem>> -> memref<104xf32, #tpu.memory_space<vmem>>
        %dma_start3A_1962 = tpu.memref_slice %arg7[%multiple_of3A_1957] : memref<25600xi32, #tpu.memory_space<vmem>> -> memref<104xi32, #tpu.memory_space<vmem>>
        %dma_start3A_1963 = arith.constant 0 : i32
        %dma_start3A_1964 = tpu.memref_slice %arg4[%dma_start3A_1963] : memref<1000000xf32, #tpu.memory_space<hbm>> -> memref<1000000xf32, #tpu.memory_space<hbm>>
        tpu.enqueue_indirect_dma source(%dma_start3A_1964 : memref<1000000xf32, #tpu.memory_space<hbm>>) target(%dma_start3A_1961 : memref<104xf32, #tpu.memory_space<vmem>>) offsets(%dma_start3A_1962 : memref<104xi32, #tpu.memory_space<vmem>>) semaphore(%arg14 : memref<!tpu.dma_semaphore, #tpu.memory_space<semaphore_mem>>)
        %add3A_1965 = arith.constant 104 : i32
        %add3A_1966 = arith.addi %multiple_of3A_1957, %add3A_1965 : i32
        %dma_start3A_1967 = arith.constant 2 : i32
        %dma_start3A_1968 = arith.constant 104 : i32
        %dma_start3A_1969 = tpu.memref_slice %arg10[%dma_start3A_1967, %dma_start3A_1968] : memref<8x208xf32, #tpu.memory_space<vmem>> -> memref<1x96xf32, #tpu.memory_space<vmem>>
        %dma_start3A_1970 = tpu.memref_squeeze %dma_start3A_1969 : memref<1x96xf32, #tpu.memory_space<vmem>> -> memref<96xf32, #tpu.memory_space<vmem>>
        %dma_start3A_1971 = tpu.memref_slice %arg7[%add3A_1966] : memref<25600xi32, #tpu.memory_space<vmem>> -> memref<96xi32, #tpu.memory_space<vmem>>
        %dma_start3A_1972 = arith.constant 0 : i32
        %dma_start3A_1973 = tpu.memref_slice %arg4[%dma_start3A_1972] : memref<1000000xf32, #tpu.memory_space<hbm>> -> memref<1000000xf32, #tpu.memory_space<hbm>>
        tpu.enqueue_indirect_dma source(%dma_start3A_1973 : memref<1000000xf32, #tpu.memory_space<hbm>>) target(%dma_start3A_1970 : memref<96xf32, #tpu.memory_space<vmem>>) offsets(%dma_start3A_1971 : memref<96xi32, #tpu.memory_space<vmem>>) semaphore(%arg14 : memref<!tpu.dma_semaphore, #tpu.memory_space<semaphore_mem>>)
      } else {
      }
      %mul3A_823 = arith.constant 8 : i32
      %mul3A_824 = arith.muli %scan3A_156, %mul3A_823 : i32
      %add3A_825 = arith.constant 3 : i32
      %add3A_826 = arith.addi %mul3A_824, %add3A_825 : i32
      %dma_wait3A_827 = arith.constant 3 : i32
      %dma_wait3A_828 = arith.constant 0 : i32
      %dma_wait3A_829 = tpu.memref_slice %arg10[%dma_wait3A_827, %dma_wait3A_828] : memref<8x208xf32, #tpu.memory_space<vmem>> -> memref<1x200xf32, #tpu.memory_space<vmem>>
      %dma_wait3A_830 = tpu.memref_squeeze %dma_wait3A_829 : memref<1x200xf32, #tpu.memory_space<vmem>> -> memref<200xf32, #tpu.memory_space<vmem>>
      %dma_wait3A_831 = arith.constant 0 : i32
      %dma_wait3A_832 = tpu.memref_slice %arg4[%dma_wait3A_831] : memref<1000000xf32, #tpu.memory_space<hbm>> -> memref<200xf32, #tpu.memory_space<hbm>>
      %dma_wait3A_833 = arith.constant 0 : i32
      %dma_wait3A_834 = tpu.memref_slice %arg10[%dma_wait3A_827, %dma_wait3A_833] : memref<8x208xf32, #tpu.memory_space<vmem>> -> memref<1x200xf32, #tpu.memory_space<vmem>>
      %dma_wait3A_835 = tpu.memref_squeeze %dma_wait3A_834 : memref<1x200xf32, #tpu.memory_space<vmem>> -> memref<200xf32, #tpu.memory_space<vmem>>
      %dma_wait3A_836 = arith.constant 0 : i32
      %dma_wait3A_837 = tpu.memref_slice %arg4[%dma_wait3A_836] : memref<1000000xf32, #tpu.memory_space<hbm>> -> memref<200xf32, #tpu.memory_space<hbm>>
      tpu.wait_dma2 semaphore(%arg15 : memref<!tpu.dma_semaphore, #tpu.memory_space<semaphore_mem>>) src(%dma_wait3A_837 : memref<200xf32, #tpu.memory_space<hbm>>) dst(%dma_wait3A_835 : memref<200xf32, #tpu.memory_space<vmem>>)
      %jit3A_838 = arith.constant 16 : i32
      %eq3A_839 = arith.constant 0 : i32
      %eq3A_840 = arith.cmpi eq, %jit3A_838, %eq3A_839 : i32
      %jit3A_841 = arith.constant 1 : i32
      %select_n3A_842 = arith.select %eq3A_840, %jit3A_841, %jit3A_838 : i32
      %rem3A_843 = arith.remsi %add3A_826, %select_n3A_842 : i32
      %ne3A_844 = arith.constant 0 : i32
      %ne3A_845 = arith.cmpi ne, %rem3A_843, %ne3A_844 : i32
      %lt3A_846 = arith.constant 0 : i32
      %lt3A_847 = arith.cmpi slt, %rem3A_843, %lt3A_846 : i32
      %lt3A_848 = arith.constant 0 : i32
      %lt3A_849 = arith.cmpi slt, %select_n3A_842, %lt3A_848 : i32
      %ne3A_850 = arith.xori %lt3A_847, %lt3A_849 : i1
      %and3A_851 = arith.andi %ne3A_850, %ne3A_845 : i1
      %add3A_852 = arith.addi %rem3A_843, %select_n3A_842 : i32
      %select_n3A_853 = arith.select %and3A_851, %add3A_852, %rem3A_843 : i32
      %sub3A_854 = arith.subi %add3A_826, %select_n3A_853 : i32
      %multiple_of3A_855 = tpu.assume_multiple %sub3A_854, 16 : i32
      %get3A_856 = arith.index_cast %multiple_of3A_855 : i32 to index
      %get3A_857 = tpu.vector_load %arg8[%get3A_856] {strides = array<i32>} : memref<128xi32, #tpu.memory_space<vmem>>, vector<16xi32>,
      %get3A_858 = vector.shape_cast %get3A_857 : vector<16xi32> to vector<16xi32>
      %broadcast_in_dim3A_859 = vector.broadcast %select_n3A_853 : i32 to vector<16xi32>
      %broadcast_in_dim3A_860 = vector.shape_cast %broadcast_in_dim3A_859 : vector<16xi32> to vector<16x1xi32>
      %gather3A_861 = vector.shape_cast %broadcast_in_dim3A_860 : vector<16x1xi32> to vector<16xi32>
      %gather3A_862 = tpu.dynamic_gather %get3A_858[%gather3A_861] in [0] : vector<16xi32>, vector<16xi32> -> vector<16xi32>
      %get3A_863 = arith.constant 3 : i32
      %get3A_864 = arith.index_cast %get3A_863 : i32 to index
      %get3A_865 = arith.constant 0 : index
      %get3A_866 = tpu.vector_load %arg10[%get3A_864, %get3A_865] {strides = array<i32>} : memref<8x208xf32, #tpu.memory_space<vmem>>, vector<1x16xf32>,
      %get3A_867 = vector.shape_cast %get3A_866 : vector<1x16xf32> to vector<16xf32>
      %add3A_868 = arith.constant 0 : i32
      %add3A_869 = vector.broadcast %add3A_868 : i32 to vector<16xi32>
      %add3A_870 = arith.addi %iota3A, %add3A_869 : vector<16xi32>
      %lt3A_871 = arith.cmpi slt, %add3A_870, %gather3A_862 : vector<16xi32>
      %select_n3A_872 = arith.select %lt3A_871, %get3A_867, %broadcast_in_dim3A_7 : vector<16xi1>, vector<16xf32>
      %add3A_873 = arith.addf %broadcast_in_dim3A_7, %select_n3A_872 : vector<16xf32>
      %get3A_874 = arith.constant 3 : i32
      %get3A_875 = arith.index_cast %get3A_874 : i32 to index
      %get3A_876 = arith.constant 16 : index
      %get3A_877 = tpu.vector_load %arg10[%get3A_875, %get3A_876] {strides = array<i32>} : memref<8x208xf32, #tpu.memory_space<vmem>>, vector<1x16xf32>,
      %get3A_878 = vector.shape_cast %get3A_877 : vector<1x16xf32> to vector<16xf32>
      %add3A_879 = arith.constant 16 : i32
      %add3A_880 = vector.broadcast %add3A_879 : i32 to vector<16xi32>
      %add3A_881 = arith.addi %iota3A, %add3A_880 : vector<16xi32>
      %lt3A_882 = arith.cmpi slt, %add3A_881, %gather3A_862 : vector<16xi32>
      %select_n3A_883 = arith.select %lt3A_882, %get3A_878, %broadcast_in_dim3A_7 : vector<16xi1>, vector<16xf32>
      %add3A_884 = arith.addf %add3A_873, %select_n3A_883 : vector<16xf32>
      %get3A_885 = arith.constant 3 : i32
      %get3A_886 = arith.index_cast %get3A_885 : i32 to index
      %get3A_887 = arith.constant 32 : index
      %get3A_888 = tpu.vector_load %arg10[%get3A_886, %get3A_887] {strides = array<i32>} : memref<8x208xf32, #tpu.memory_space<vmem>>, vector<1x16xf32>,
      %get3A_889 = vector.shape_cast %get3A_888 : vector<1x16xf32> to vector<16xf32>
      %add3A_890 = arith.constant 32 : i32
      %add3A_891 = vector.broadcast %add3A_890 : i32 to vector<16xi32>
      %add3A_892 = arith.addi %iota3A, %add3A_891 : vector<16xi32>
      %lt3A_893 = arith.cmpi slt, %add3A_892, %gather3A_862 : vector<16xi32>
      %select_n3A_894 = arith.select %lt3A_893, %get3A_889, %broadcast_in_dim3A_7 : vector<16xi1>, vector<16xf32>
      %add3A_895 = arith.addf %add3A_884, %select_n3A_894 : vector<16xf32>
      %get3A_896 = arith.constant 3 : i32
      %get3A_897 = arith.index_cast %get3A_896 : i32 to index
      %get3A_898 = arith.constant 48 : index
      %get3A_899 = tpu.vector_load %arg10[%get3A_897, %get3A_898] {strides = array<i32>} : memref<8x208xf32, #tpu.memory_space<vmem>>, vector<1x16xf32>,
      %get3A_900 = vector.shape_cast %get3A_899 : vector<1x16xf32> to vector<16xf32>
      %add3A_901 = arith.constant 48 : i32
      %add3A_902 = vector.broadcast %add3A_901 : i32 to vector<16xi32>
      %add3A_903 = arith.addi %iota3A, %add3A_902 : vector<16xi32>
      %lt3A_904 = arith.cmpi slt, %add3A_903, %gather3A_862 : vector<16xi32>
      %select_n3A_905 = arith.select %lt3A_904, %get3A_900, %broadcast_in_dim3A_7 : vector<16xi1>, vector<16xf32>
      %add3A_906 = arith.addf %add3A_895, %select_n3A_905 : vector<16xf32>
      %get3A_907 = arith.constant 3 : i32
      %get3A_908 = arith.index_cast %get3A_907 : i32 to index
      %get3A_909 = arith.constant 64 : index
      %get3A_910 = tpu.vector_load %arg10[%get3A_908, %get3A_909] {strides = array<i32>} : memref<8x208xf32, #tpu.memory_space<vmem>>, vector<1x16xf32>,
      %get3A_911 = vector.shape_cast %get3A_910 : vector<1x16xf32> to vector<16xf32>
      %add3A_912 = arith.constant 64 : i32
      %add3A_913 = vector.broadcast %add3A_912 : i32 to vector<16xi32>
      %add3A_914 = arith.addi %iota3A, %add3A_913 : vector<16xi32>
      %lt3A_915 = arith.cmpi slt, %add3A_914, %gather3A_862 : vector<16xi32>
      %select_n3A_916 = arith.select %lt3A_915, %get3A_911, %broadcast_in_dim3A_7 : vector<16xi1>, vector<16xf32>
      %add3A_917 = arith.addf %add3A_906, %select_n3A_916 : vector<16xf32>
      %get3A_918 = arith.constant 3 : i32
      %get3A_919 = arith.index_cast %get3A_918 : i32 to index
      %get3A_920 = arith.constant 80 : index
      %get3A_921 = tpu.vector_load %arg10[%get3A_919, %get3A_920] {strides = array<i32>} : memref<8x208xf32, #tpu.memory_space<vmem>>, vector<1x16xf32>,
      %get3A_922 = vector.shape_cast %get3A_921 : vector<1x16xf32> to vector<16xf32>
      %add3A_923 = arith.constant 80 : i32
      %add3A_924 = vector.broadcast %add3A_923 : i32 to vector<16xi32>
      %add3A_925 = arith.addi %iota3A, %add3A_924 : vector<16xi32>
      %lt3A_926 = arith.cmpi slt, %add3A_925, %gather3A_862 : vector<16xi32>
      %select_n3A_927 = arith.select %lt3A_926, %get3A_922, %broadcast_in_dim3A_7 : vector<16xi1>, vector<16xf32>
      %add3A_928 = arith.addf %add3A_917, %select_n3A_927 : vector<16xf32>
      %get3A_929 = arith.constant 3 : i32
      %get3A_930 = arith.index_cast %get3A_929 : i32 to index
      %get3A_931 = arith.constant 96 : index
      %get3A_932 = tpu.vector_load %arg10[%get3A_930, %get3A_931] {strides = array<i32>} : memref<8x208xf32, #tpu.memory_space<vmem>>, vector<1x16xf32>,
      %get3A_933 = vector.shape_cast %get3A_932 : vector<1x16xf32> to vector<16xf32>
      %add3A_934 = arith.constant 96 : i32
      %add3A_935 = vector.broadcast %add3A_934 : i32 to vector<16xi32>
      %add3A_936 = arith.addi %iota3A, %add3A_935 : vector<16xi32>
      %lt3A_937 = arith.cmpi slt, %add3A_936, %gather3A_862 : vector<16xi32>
      %select_n3A_938 = arith.select %lt3A_937, %get3A_933, %broadcast_in_dim3A_7 : vector<16xi1>, vector<16xf32>
      %add3A_939 = arith.addf %add3A_928, %select_n3A_938 : vector<16xf32>
      %get3A_940 = arith.constant 3 : i32
      %get3A_941 = arith.index_cast %get3A_940 : i32 to index
      %get3A_942 = arith.constant 112 : index
      %get3A_943 = tpu.vector_load %arg10[%get3A_941, %get3A_942] {strides = array<i32>} : memref<8x208xf32, #tpu.memory_space<vmem>>, vector<1x16xf32>,
      %get3A_944 = vector.shape_cast %get3A_943 : vector<1x16xf32> to vector<16xf32>
      %add3A_945 = arith.constant 112 : i32
      %add3A_946 = vector.broadcast %add3A_945 : i32 to vector<16xi32>
      %add3A_947 = arith.addi %iota3A, %add3A_946 : vector<16xi32>
      %lt3A_948 = arith.cmpi slt, %add3A_947, %gather3A_862 : vector<16xi32>
      %select_n3A_949 = arith.select %lt3A_948, %get3A_944, %broadcast_in_dim3A_7 : vector<16xi1>, vector<16xf32>
      %add3A_950 = arith.addf %add3A_939, %select_n3A_949 : vector<16xf32>
      %get3A_951 = arith.constant 3 : i32
      %get3A_952 = arith.index_cast %get3A_951 : i32 to index
      %get3A_953 = arith.constant 128 : index
      %get3A_954 = tpu.vector_load %arg10[%get3A_952, %get3A_953] {strides = array<i32>} : memref<8x208xf32, #tpu.memory_space<vmem>>, vector<1x16xf32>,
      %get3A_955 = vector.shape_cast %get3A_954 : vector<1x16xf32> to vector<16xf32>
      %add3A_956 = arith.constant 128 : i32
      %add3A_957 = vector.broadcast %add3A_956 : i32 to vector<16xi32>
      %add3A_958 = arith.addi %iota3A, %add3A_957 : vector<16xi32>
      %lt3A_959 = arith.cmpi slt, %add3A_958, %gather3A_862 : vector<16xi32>
      %select_n3A_960 = arith.select %lt3A_959, %get3A_955, %broadcast_in_dim3A_7 : vector<16xi1>, vector<16xf32>
      %add3A_961 = arith.addf %add3A_950, %select_n3A_960 : vector<16xf32>
      %get3A_962 = arith.constant 3 : i32
      %get3A_963 = arith.index_cast %get3A_962 : i32 to index
      %get3A_964 = arith.constant 144 : index
      %get3A_965 = tpu.vector_load %arg10[%get3A_963, %get3A_964] {strides = array<i32>} : memref<8x208xf32, #tpu.memory_space<vmem>>, vector<1x16xf32>,
      %get3A_966 = vector.shape_cast %get3A_965 : vector<1x16xf32> to vector<16xf32>
      %add3A_967 = arith.constant 144 : i32
      %add3A_968 = vector.broadcast %add3A_967 : i32 to vector<16xi32>
      %add3A_969 = arith.addi %iota3A, %add3A_968 : vector<16xi32>
      %lt3A_970 = arith.cmpi slt, %add3A_969, %gather3A_862 : vector<16xi32>
      %select_n3A_971 = arith.select %lt3A_970, %get3A_966, %broadcast_in_dim3A_7 : vector<16xi1>, vector<16xf32>
      %add3A_972 = arith.addf %add3A_961, %select_n3A_971 : vector<16xf32>
      %get3A_973 = arith.constant 3 : i32
      %get3A_974 = arith.index_cast %get3A_973 : i32 to index
      %get3A_975 = arith.constant 160 : index
      %get3A_976 = tpu.vector_load %arg10[%get3A_974, %get3A_975] {strides = array<i32>} : memref<8x208xf32, #tpu.memory_space<vmem>>, vector<1x16xf32>,
      %get3A_977 = vector.shape_cast %get3A_976 : vector<1x16xf32> to vector<16xf32>
      %add3A_978 = arith.constant 160 : i32
      %add3A_979 = vector.broadcast %add3A_978 : i32 to vector<16xi32>
      %add3A_980 = arith.addi %iota3A, %add3A_979 : vector<16xi32>
      %lt3A_981 = arith.cmpi slt, %add3A_980, %gather3A_862 : vector<16xi32>
      %select_n3A_982 = arith.select %lt3A_981, %get3A_977, %broadcast_in_dim3A_7 : vector<16xi1>, vector<16xf32>
      %add3A_983 = arith.addf %add3A_972, %select_n3A_982 : vector<16xf32>
      %get3A_984 = arith.constant 3 : i32
      %get3A_985 = arith.index_cast %get3A_984 : i32 to index
      %get3A_986 = arith.constant 176 : index
      %get3A_987 = tpu.vector_load %arg10[%get3A_985, %get3A_986] {strides = array<i32>} : memref<8x208xf32, #tpu.memory_space<vmem>>, vector<1x16xf32>,
      %get3A_988 = vector.shape_cast %get3A_987 : vector<1x16xf32> to vector<16xf32>
      %add3A_989 = arith.constant 176 : i32
      %add3A_990 = vector.broadcast %add3A_989 : i32 to vector<16xi32>
      %add3A_991 = arith.addi %iota3A, %add3A_990 : vector<16xi32>
      %lt3A_992 = arith.cmpi slt, %add3A_991, %gather3A_862 : vector<16xi32>
      %select_n3A_993 = arith.select %lt3A_992, %get3A_988, %broadcast_in_dim3A_7 : vector<16xi1>, vector<16xf32>
      %add3A_994 = arith.addf %add3A_983, %select_n3A_993 : vector<16xf32>
      %get3A_995 = arith.constant 3 : i32
      %get3A_996 = arith.index_cast %get3A_995 : i32 to index
      %get3A_997 = arith.constant 192 : index
      %get3A_998 = tpu.vector_load %arg10[%get3A_996, %get3A_997] {strides = array<i32>} : memref<8x208xf32, #tpu.memory_space<vmem>>, vector<1x16xf32>,
      %get3A_999 = vector.shape_cast %get3A_998 : vector<1x16xf32> to vector<16xf32>
      %add3A_1000 = arith.constant 192 : i32
      %add3A_1001 = vector.broadcast %add3A_1000 : i32 to vector<16xi32>
      %add3A_1002 = arith.addi %iota3A, %add3A_1001 : vector<16xi32>
      %lt3A_1003 = arith.cmpi slt, %add3A_1002, %gather3A_862 : vector<16xi32>
      %select_n3A_1004 = arith.select %lt3A_1003, %get3A_999, %broadcast_in_dim3A_7 : vector<16xi1>, vector<16xf32>
      %add3A_1005 = arith.addf %add3A_994, %select_n3A_1004 : vector<16xf32>
      %xor3A_1006 = arith.constant 8 : i32
      %xor3A_1007 = vector.broadcast %xor3A_1006 : i32 to vector<16xi32>
      %xor3A_1008 = arith.xori %iota3A, %xor3A_1007 : vector<16xi32>
      %broadcast_in_dim3A_1009 = vector.shape_cast %xor3A_1008 : vector<16xi32> to vector<16x1xi32>
      %gather3A_1010 = vector.shape_cast %broadcast_in_dim3A_1009 : vector<16x1xi32> to vector<16xi32>
      %gather3A_1011 = tpu.dynamic_gather %add3A_1005[%gather3A_1010] in [0] : vector<16xf32>, vector<16xi32> -> vector<16xf32>
      %add3A_1012 = arith.addf %add3A_1005, %gather3A_1011 : vector<16xf32>
      %xor3A_1013 = arith.constant 4 : i32
      %xor3A_1014 = vector.broadcast %xor3A_1013 : i32 to vector<16xi32>
      %xor3A_1015 = arith.xori %iota3A, %xor3A_1014 : vector<16xi32>
      %broadcast_in_dim3A_1016 = vector.shape_cast %xor3A_1015 : vector<16xi32> to vector<16x1xi32>
      %gather3A_1017 = vector.shape_cast %broadcast_in_dim3A_1016 : vector<16x1xi32> to vector<16xi32>
      %gather3A_1018 = tpu.dynamic_gather %add3A_1012[%gather3A_1017] in [0] : vector<16xf32>, vector<16xi32> -> vector<16xf32>
      %add3A_1019 = arith.addf %add3A_1012, %gather3A_1018 : vector<16xf32>
      %xor3A_1020 = arith.constant 2 : i32
      %xor3A_1021 = vector.broadcast %xor3A_1020 : i32 to vector<16xi32>
      %xor3A_1022 = arith.xori %iota3A, %xor3A_1021 : vector<16xi32>
      %broadcast_in_dim3A_1023 = vector.shape_cast %xor3A_1022 : vector<16xi32> to vector<16x1xi32>
      %gather3A_1024 = vector.shape_cast %broadcast_in_dim3A_1023 : vector<16x1xi32> to vector<16xi32>
      %gather3A_1025 = tpu.dynamic_gather %add3A_1019[%gather3A_1024] in [0] : vector<16xf32>, vector<16xi32> -> vector<16xf32>
      %add3A_1026 = arith.addf %add3A_1019, %gather3A_1025 : vector<16xf32>
      %xor3A_1027 = arith.constant 1 : i32
      %xor3A_1028 = vector.broadcast %xor3A_1027 : i32 to vector<16xi32>
      %xor3A_1029 = arith.xori %iota3A, %xor3A_1028 : vector<16xi32>
      %broadcast_in_dim3A_1030 = vector.shape_cast %xor3A_1029 : vector<16xi32> to vector<16x1xi32>
      %gather3A_1031 = vector.shape_cast %broadcast_in_dim3A_1030 : vector<16x1xi32> to vector<16xi32>
      %gather3A_1032 = tpu.dynamic_gather %add3A_1026[%gather3A_1031] in [0] : vector<16xf32>, vector<16xi32> -> vector<16xf32>
      %add3A_1033 = arith.addf %add3A_1026, %gather3A_1032 : vector<16xf32>
      %eq3A_1034 = vector.broadcast %select_n3A_853 : i32 to vector<16xi32>
      %eq3A_1035 = arith.cmpi eq, %iota3A, %eq3A_1034 : vector<16xi32>
      %select_n3A_1036 = arith.select %eq3A_1035, %add3A_1033, %select_n3A_810 : vector<16xi1>, vector<16xf32>
      %eq3A_1037 = arith.constant 15 : i32
      %eq3A_1038 = arith.cmpi eq, %select_n3A_853, %eq3A_1037 : i32
      %convert_element_type3A_1039 = arith.extui %eq3A_1038 : i1 to i32
      %cond3A_1040 = arith.constant 0 : i32
      %cond3A_1041 = arith.cmpi ne, %convert_element_type3A_1039, %cond3A_1040 : i32
      scf.if %cond3A_1041 {
        %get3A_1953 = arith.index_cast %multiple_of3A_855 : i32 to index
        %get3A_1954 = tpu.vector_load %arg8[%get3A_1953] {strides = array<i32>} : memref<128xi32, #tpu.memory_space<vmem>>, vector<16xi32>,
        %get3A_1955 = vector.shape_cast %get3A_1954 : vector<16xi32> to vector<16xi32>
        %convert_element_type3A_1956 = arith.sitofp %get3A_1955 : vector<16xi32> to vector<16xf32>
        %div3A = arith.divf %select_n3A_1036, %convert_element_type3A_1956 : vector<16xf32>
        %add3A_1957 = arith.addf %div3A, %get3A_6 : vector<16xf32>
        %swap3A = arith.index_cast %multiple_of3A_855 : i32 to index
        %swap3A_1958 = tpu.vector_load %arg11[%swap3A] {strides = array<i32>} : memref<128xf32, #tpu.memory_space<vmem>>, vector<16xf32>,
        %swap3A_1959 = vector.shape_cast %swap3A_1958 : vector<16xf32> to vector<16xf32>
        %swap3A_1960 = vector.shape_cast %add3A_1957 : vector<16xf32> to vector<16xf32>
        tpu.vector_store %arg11[%swap3A], %swap3A_1960 {strides = array<i32>} : memref<128xf32, #tpu.memory_space<vmem>>, vector<16xf32>,
      } else {
      }
      %add3A_1042 = arith.constant 8 : i32
      %add3A_1043 = arith.addi %add3A_826, %add3A_1042 : i32
      %lt3A_1044 = arith.constant 128 : i32
      %lt3A_1045 = arith.cmpi slt, %add3A_1043, %lt3A_1044 : i32
      %convert_element_type3A_1046 = arith.extui %lt3A_1045 : i1 to i32
      %cond3A_1047 = arith.constant 0 : i32
      %cond3A_1048 = arith.cmpi ne, %convert_element_type3A_1046, %cond3A_1047 : i32
      scf.if %cond3A_1048 {
        %add3A_1953 = arith.constant 8 : i32
        %add3A_1954 = arith.addi %add3A_826, %add3A_1953 : i32
        %mul3A_1955 = arith.constant 200 : i32
        %mul3A_1956 = arith.muli %add3A_1954, %mul3A_1955 : i32
        %multiple_of3A_1957 = tpu.assume_multiple %mul3A_1956, 8 : i32
        %dma_start3A_1958 = arith.constant 3 : i32
        %dma_start3A_1959 = arith.constant 0 : i32
        %dma_start3A_1960 = tpu.memref_slice %arg10[%dma_start3A_1958, %dma_start3A_1959] : memref<8x208xf32, #tpu.memory_space<vmem>> -> memref<1x104xf32, #tpu.memory_space<vmem>>
        %dma_start3A_1961 = tpu.memref_squeeze %dma_start3A_1960 : memref<1x104xf32, #tpu.memory_space<vmem>> -> memref<104xf32, #tpu.memory_space<vmem>>
        %dma_start3A_1962 = tpu.memref_slice %arg7[%multiple_of3A_1957] : memref<25600xi32, #tpu.memory_space<vmem>> -> memref<104xi32, #tpu.memory_space<vmem>>
        %dma_start3A_1963 = arith.constant 0 : i32
        %dma_start3A_1964 = tpu.memref_slice %arg4[%dma_start3A_1963] : memref<1000000xf32, #tpu.memory_space<hbm>> -> memref<1000000xf32, #tpu.memory_space<hbm>>
        tpu.enqueue_indirect_dma source(%dma_start3A_1964 : memref<1000000xf32, #tpu.memory_space<hbm>>) target(%dma_start3A_1961 : memref<104xf32, #tpu.memory_space<vmem>>) offsets(%dma_start3A_1962 : memref<104xi32, #tpu.memory_space<vmem>>) semaphore(%arg15 : memref<!tpu.dma_semaphore, #tpu.memory_space<semaphore_mem>>)
        %add3A_1965 = arith.constant 104 : i32
        %add3A_1966 = arith.addi %multiple_of3A_1957, %add3A_1965 : i32
        %dma_start3A_1967 = arith.constant 3 : i32
        %dma_start3A_1968 = arith.constant 104 : i32
        %dma_start3A_1969 = tpu.memref_slice %arg10[%dma_start3A_1967, %dma_start3A_1968] : memref<8x208xf32, #tpu.memory_space<vmem>> -> memref<1x96xf32, #tpu.memory_space<vmem>>
        %dma_start3A_1970 = tpu.memref_squeeze %dma_start3A_1969 : memref<1x96xf32, #tpu.memory_space<vmem>> -> memref<96xf32, #tpu.memory_space<vmem>>
        %dma_start3A_1971 = tpu.memref_slice %arg7[%add3A_1966] : memref<25600xi32, #tpu.memory_space<vmem>> -> memref<96xi32, #tpu.memory_space<vmem>>
        %dma_start3A_1972 = arith.constant 0 : i32
        %dma_start3A_1973 = tpu.memref_slice %arg4[%dma_start3A_1972] : memref<1000000xf32, #tpu.memory_space<hbm>> -> memref<1000000xf32, #tpu.memory_space<hbm>>
        tpu.enqueue_indirect_dma source(%dma_start3A_1973 : memref<1000000xf32, #tpu.memory_space<hbm>>) target(%dma_start3A_1970 : memref<96xf32, #tpu.memory_space<vmem>>) offsets(%dma_start3A_1971 : memref<96xi32, #tpu.memory_space<vmem>>) semaphore(%arg15 : memref<!tpu.dma_semaphore, #tpu.memory_space<semaphore_mem>>)
      } else {
      }
      %mul3A_1049 = arith.constant 8 : i32
      %mul3A_1050 = arith.muli %scan3A_156, %mul3A_1049 : i32
      %add3A_1051 = arith.constant 4 : i32
      %add3A_1052 = arith.addi %mul3A_1050, %add3A_1051 : i32
      %dma_wait3A_1053 = arith.constant 4 : i32
      %dma_wait3A_1054 = arith.constant 0 : i32
      %dma_wait3A_1055 = tpu.memref_slice %arg10[%dma_wait3A_1053, %dma_wait3A_1054] : memref<8x208xf32, #tpu.memory_space<vmem>> -> memref<1x200xf32, #tpu.memory_space<vmem>>
      %dma_wait3A_1056 = tpu.memref_squeeze %dma_wait3A_1055 : memref<1x200xf32, #tpu.memory_space<vmem>> -> memref<200xf32, #tpu.memory_space<vmem>>
      %dma_wait3A_1057 = arith.constant 0 : i32
      %dma_wait3A_1058 = tpu.memref_slice %arg4[%dma_wait3A_1057] : memref<1000000xf32, #tpu.memory_space<hbm>> -> memref<200xf32, #tpu.memory_space<hbm>>
      %dma_wait3A_1059 = arith.constant 0 : i32
      %dma_wait3A_1060 = tpu.memref_slice %arg10[%dma_wait3A_1053, %dma_wait3A_1059] : memref<8x208xf32, #tpu.memory_space<vmem>> -> memref<1x200xf32, #tpu.memory_space<vmem>>
      %dma_wait3A_1061 = tpu.memref_squeeze %dma_wait3A_1060 : memref<1x200xf32, #tpu.memory_space<vmem>> -> memref<200xf32, #tpu.memory_space<vmem>>
      %dma_wait3A_1062 = arith.constant 0 : i32
      %dma_wait3A_1063 = tpu.memref_slice %arg4[%dma_wait3A_1062] : memref<1000000xf32, #tpu.memory_space<hbm>> -> memref<200xf32, #tpu.memory_space<hbm>>
      tpu.wait_dma2 semaphore(%arg16 : memref<!tpu.dma_semaphore, #tpu.memory_space<semaphore_mem>>) src(%dma_wait3A_1063 : memref<200xf32, #tpu.memory_space<hbm>>) dst(%dma_wait3A_1061 : memref<200xf32, #tpu.memory_space<vmem>>)
      %jit3A_1064 = arith.constant 16 : i32
      %eq3A_1065 = arith.constant 0 : i32
      %eq3A_1066 = arith.cmpi eq, %jit3A_1064, %eq3A_1065 : i32
      %jit3A_1067 = arith.constant 1 : i32
      %select_n3A_1068 = arith.select %eq3A_1066, %jit3A_1067, %jit3A_1064 : i32
      %rem3A_1069 = arith.remsi %add3A_1052, %select_n3A_1068 : i32
      %ne3A_1070 = arith.constant 0 : i32
      %ne3A_1071 = arith.cmpi ne, %rem3A_1069, %ne3A_1070 : i32
      %lt3A_1072 = arith.constant 0 : i32
      %lt3A_1073 = arith.cmpi slt, %rem3A_1069, %lt3A_1072 : i32
      %lt3A_1074 = arith.constant 0 : i32
      %lt3A_1075 = arith.cmpi slt, %select_n3A_1068, %lt3A_1074 : i32
      %ne3A_1076 = arith.xori %lt3A_1073, %lt3A_1075 : i1
      %and3A_1077 = arith.andi %ne3A_1076, %ne3A_1071 : i1
      %add3A_1078 = arith.addi %rem3A_1069, %select_n3A_1068 : i32
      %select_n3A_1079 = arith.select %and3A_1077, %add3A_1078, %rem3A_1069 : i32
      %sub3A_1080 = arith.subi %add3A_1052, %select_n3A_1079 : i32
      %multiple_of3A_1081 = tpu.assume_multiple %sub3A_1080, 16 : i32
      %get3A_1082 = arith.index_cast %multiple_of3A_1081 : i32 to index
      %get3A_1083 = tpu.vector_load %arg8[%get3A_1082] {strides = array<i32>} : memref<128xi32, #tpu.memory_space<vmem>>, vector<16xi32>,
      %get3A_1084 = vector.shape_cast %get3A_1083 : vector<16xi32> to vector<16xi32>
      %broadcast_in_dim3A_1085 = vector.broadcast %select_n3A_1079 : i32 to vector<16xi32>
      %broadcast_in_dim3A_1086 = vector.shape_cast %broadcast_in_dim3A_1085 : vector<16xi32> to vector<16x1xi32>
      %gather3A_1087 = vector.shape_cast %broadcast_in_dim3A_1086 : vector<16x1xi32> to vector<16xi32>
      %gather3A_1088 = tpu.dynamic_gather %get3A_1084[%gather3A_1087] in [0] : vector<16xi32>, vector<16xi32> -> vector<16xi32>
      %get3A_1089 = arith.constant 4 : i32
      %get3A_1090 = arith.index_cast %get3A_1089 : i32 to index
      %get3A_1091 = arith.constant 0 : index
      %get3A_1092 = tpu.vector_load %arg10[%get3A_1090, %get3A_1091] {strides = array<i32>} : memref<8x208xf32, #tpu.memory_space<vmem>>, vector<1x16xf32>,
      %get3A_1093 = vector.shape_cast %get3A_1092 : vector<1x16xf32> to vector<16xf32>
      %add3A_1094 = arith.constant 0 : i32
      %add3A_1095 = vector.broadcast %add3A_1094 : i32 to vector<16xi32>
      %add3A_1096 = arith.addi %iota3A, %add3A_1095 : vector<16xi32>
      %lt3A_1097 = arith.cmpi slt, %add3A_1096, %gather3A_1088 : vector<16xi32>
      %select_n3A_1098 = arith.select %lt3A_1097, %get3A_1093, %broadcast_in_dim3A_7 : vector<16xi1>, vector<16xf32>
      %add3A_1099 = arith.addf %broadcast_in_dim3A_7, %select_n3A_1098 : vector<16xf32>
      %get3A_1100 = arith.constant 4 : i32
      %get3A_1101 = arith.index_cast %get3A_1100 : i32 to index
      %get3A_1102 = arith.constant 16 : index
      %get3A_1103 = tpu.vector_load %arg10[%get3A_1101, %get3A_1102] {strides = array<i32>} : memref<8x208xf32, #tpu.memory_space<vmem>>, vector<1x16xf32>,
      %get3A_1104 = vector.shape_cast %get3A_1103 : vector<1x16xf32> to vector<16xf32>
      %add3A_1105 = arith.constant 16 : i32
      %add3A_1106 = vector.broadcast %add3A_1105 : i32 to vector<16xi32>
      %add3A_1107 = arith.addi %iota3A, %add3A_1106 : vector<16xi32>
      %lt3A_1108 = arith.cmpi slt, %add3A_1107, %gather3A_1088 : vector<16xi32>
      %select_n3A_1109 = arith.select %lt3A_1108, %get3A_1104, %broadcast_in_dim3A_7 : vector<16xi1>, vector<16xf32>
      %add3A_1110 = arith.addf %add3A_1099, %select_n3A_1109 : vector<16xf32>
      %get3A_1111 = arith.constant 4 : i32
      %get3A_1112 = arith.index_cast %get3A_1111 : i32 to index
      %get3A_1113 = arith.constant 32 : index
      %get3A_1114 = tpu.vector_load %arg10[%get3A_1112, %get3A_1113] {strides = array<i32>} : memref<8x208xf32, #tpu.memory_space<vmem>>, vector<1x16xf32>,
      %get3A_1115 = vector.shape_cast %get3A_1114 : vector<1x16xf32> to vector<16xf32>
      %add3A_1116 = arith.constant 32 : i32
      %add3A_1117 = vector.broadcast %add3A_1116 : i32 to vector<16xi32>
      %add3A_1118 = arith.addi %iota3A, %add3A_1117 : vector<16xi32>
      %lt3A_1119 = arith.cmpi slt, %add3A_1118, %gather3A_1088 : vector<16xi32>
      %select_n3A_1120 = arith.select %lt3A_1119, %get3A_1115, %broadcast_in_dim3A_7 : vector<16xi1>, vector<16xf32>
      %add3A_1121 = arith.addf %add3A_1110, %select_n3A_1120 : vector<16xf32>
      %get3A_1122 = arith.constant 4 : i32
      %get3A_1123 = arith.index_cast %get3A_1122 : i32 to index
      %get3A_1124 = arith.constant 48 : index
      %get3A_1125 = tpu.vector_load %arg10[%get3A_1123, %get3A_1124] {strides = array<i32>} : memref<8x208xf32, #tpu.memory_space<vmem>>, vector<1x16xf32>,
      %get3A_1126 = vector.shape_cast %get3A_1125 : vector<1x16xf32> to vector<16xf32>
      %add3A_1127 = arith.constant 48 : i32
      %add3A_1128 = vector.broadcast %add3A_1127 : i32 to vector<16xi32>
      %add3A_1129 = arith.addi %iota3A, %add3A_1128 : vector<16xi32>
      %lt3A_1130 = arith.cmpi slt, %add3A_1129, %gather3A_1088 : vector<16xi32>
      %select_n3A_1131 = arith.select %lt3A_1130, %get3A_1126, %broadcast_in_dim3A_7 : vector<16xi1>, vector<16xf32>
      %add3A_1132 = arith.addf %add3A_1121, %select_n3A_1131 : vector<16xf32>
      %get3A_1133 = arith.constant 4 : i32
      %get3A_1134 = arith.index_cast %get3A_1133 : i32 to index
      %get3A_1135 = arith.constant 64 : index
      %get3A_1136 = tpu.vector_load %arg10[%get3A_1134, %get3A_1135] {strides = array<i32>} : memref<8x208xf32, #tpu.memory_space<vmem>>, vector<1x16xf32>,
      %get3A_1137 = vector.shape_cast %get3A_1136 : vector<1x16xf32> to vector<16xf32>
      %add3A_1138 = arith.constant 64 : i32
      %add3A_1139 = vector.broadcast %add3A_1138 : i32 to vector<16xi32>
      %add3A_1140 = arith.addi %iota3A, %add3A_1139 : vector<16xi32>
      %lt3A_1141 = arith.cmpi slt, %add3A_1140, %gather3A_1088 : vector<16xi32>
      %select_n3A_1142 = arith.select %lt3A_1141, %get3A_1137, %broadcast_in_dim3A_7 : vector<16xi1>, vector<16xf32>
      %add3A_1143 = arith.addf %add3A_1132, %select_n3A_1142 : vector<16xf32>
      %get3A_1144 = arith.constant 4 : i32
      %get3A_1145 = arith.index_cast %get3A_1144 : i32 to index
      %get3A_1146 = arith.constant 80 : index
      %get3A_1147 = tpu.vector_load %arg10[%get3A_1145, %get3A_1146] {strides = array<i32>} : memref<8x208xf32, #tpu.memory_space<vmem>>, vector<1x16xf32>,
      %get3A_1148 = vector.shape_cast %get3A_1147 : vector<1x16xf32> to vector<16xf32>
      %add3A_1149 = arith.constant 80 : i32
      %add3A_1150 = vector.broadcast %add3A_1149 : i32 to vector<16xi32>
      %add3A_1151 = arith.addi %iota3A, %add3A_1150 : vector<16xi32>
      %lt3A_1152 = arith.cmpi slt, %add3A_1151, %gather3A_1088 : vector<16xi32>
      %select_n3A_1153 = arith.select %lt3A_1152, %get3A_1148, %broadcast_in_dim3A_7 : vector<16xi1>, vector<16xf32>
      %add3A_1154 = arith.addf %add3A_1143, %select_n3A_1153 : vector<16xf32>
      %get3A_1155 = arith.constant 4 : i32
      %get3A_1156 = arith.index_cast %get3A_1155 : i32 to index
      %get3A_1157 = arith.constant 96 : index
      %get3A_1158 = tpu.vector_load %arg10[%get3A_1156, %get3A_1157] {strides = array<i32>} : memref<8x208xf32, #tpu.memory_space<vmem>>, vector<1x16xf32>,
      %get3A_1159 = vector.shape_cast %get3A_1158 : vector<1x16xf32> to vector<16xf32>
      %add3A_1160 = arith.constant 96 : i32
      %add3A_1161 = vector.broadcast %add3A_1160 : i32 to vector<16xi32>
      %add3A_1162 = arith.addi %iota3A, %add3A_1161 : vector<16xi32>
      %lt3A_1163 = arith.cmpi slt, %add3A_1162, %gather3A_1088 : vector<16xi32>
      %select_n3A_1164 = arith.select %lt3A_1163, %get3A_1159, %broadcast_in_dim3A_7 : vector<16xi1>, vector<16xf32>
      %add3A_1165 = arith.addf %add3A_1154, %select_n3A_1164 : vector<16xf32>
      %get3A_1166 = arith.constant 4 : i32
      %get3A_1167 = arith.index_cast %get3A_1166 : i32 to index
      %get3A_1168 = arith.constant 112 : index
      %get3A_1169 = tpu.vector_load %arg10[%get3A_1167, %get3A_1168] {strides = array<i32>} : memref<8x208xf32, #tpu.memory_space<vmem>>, vector<1x16xf32>,
      %get3A_1170 = vector.shape_cast %get3A_1169 : vector<1x16xf32> to vector<16xf32>
      %add3A_1171 = arith.constant 112 : i32
      %add3A_1172 = vector.broadcast %add3A_1171 : i32 to vector<16xi32>
      %add3A_1173 = arith.addi %iota3A, %add3A_1172 : vector<16xi32>
      %lt3A_1174 = arith.cmpi slt, %add3A_1173, %gather3A_1088 : vector<16xi32>
      %select_n3A_1175 = arith.select %lt3A_1174, %get3A_1170, %broadcast_in_dim3A_7 : vector<16xi1>, vector<16xf32>
      %add3A_1176 = arith.addf %add3A_1165, %select_n3A_1175 : vector<16xf32>
      %get3A_1177 = arith.constant 4 : i32
      %get3A_1178 = arith.index_cast %get3A_1177 : i32 to index
      %get3A_1179 = arith.constant 128 : index
      %get3A_1180 = tpu.vector_load %arg10[%get3A_1178, %get3A_1179] {strides = array<i32>} : memref<8x208xf32, #tpu.memory_space<vmem>>, vector<1x16xf32>,
      %get3A_1181 = vector.shape_cast %get3A_1180 : vector<1x16xf32> to vector<16xf32>
      %add3A_1182 = arith.constant 128 : i32
      %add3A_1183 = vector.broadcast %add3A_1182 : i32 to vector<16xi32>
      %add3A_1184 = arith.addi %iota3A, %add3A_1183 : vector<16xi32>
      %lt3A_1185 = arith.cmpi slt, %add3A_1184, %gather3A_1088 : vector<16xi32>
      %select_n3A_1186 = arith.select %lt3A_1185, %get3A_1181, %broadcast_in_dim3A_7 : vector<16xi1>, vector<16xf32>
      %add3A_1187 = arith.addf %add3A_1176, %select_n3A_1186 : vector<16xf32>
      %get3A_1188 = arith.constant 4 : i32
      %get3A_1189 = arith.index_cast %get3A_1188 : i32 to index
      %get3A_1190 = arith.constant 144 : index
      %get3A_1191 = tpu.vector_load %arg10[%get3A_1189, %get3A_1190] {strides = array<i32>} : memref<8x208xf32, #tpu.memory_space<vmem>>, vector<1x16xf32>,
      %get3A_1192 = vector.shape_cast %get3A_1191 : vector<1x16xf32> to vector<16xf32>
      %add3A_1193 = arith.constant 144 : i32
      %add3A_1194 = vector.broadcast %add3A_1193 : i32 to vector<16xi32>
      %add3A_1195 = arith.addi %iota3A, %add3A_1194 : vector<16xi32>
      %lt3A_1196 = arith.cmpi slt, %add3A_1195, %gather3A_1088 : vector<16xi32>
      %select_n3A_1197 = arith.select %lt3A_1196, %get3A_1192, %broadcast_in_dim3A_7 : vector<16xi1>, vector<16xf32>
      %add3A_1198 = arith.addf %add3A_1187, %select_n3A_1197 : vector<16xf32>
      %get3A_1199 = arith.constant 4 : i32
      %get3A_1200 = arith.index_cast %get3A_1199 : i32 to index
      %get3A_1201 = arith.constant 160 : index
      %get3A_1202 = tpu.vector_load %arg10[%get3A_1200, %get3A_1201] {strides = array<i32>} : memref<8x208xf32, #tpu.memory_space<vmem>>, vector<1x16xf32>,
      %get3A_1203 = vector.shape_cast %get3A_1202 : vector<1x16xf32> to vector<16xf32>
      %add3A_1204 = arith.constant 160 : i32
      %add3A_1205 = vector.broadcast %add3A_1204 : i32 to vector<16xi32>
      %add3A_1206 = arith.addi %iota3A, %add3A_1205 : vector<16xi32>
      %lt3A_1207 = arith.cmpi slt, %add3A_1206, %gather3A_1088 : vector<16xi32>
      %select_n3A_1208 = arith.select %lt3A_1207, %get3A_1203, %broadcast_in_dim3A_7 : vector<16xi1>, vector<16xf32>
      %add3A_1209 = arith.addf %add3A_1198, %select_n3A_1208 : vector<16xf32>
      %get3A_1210 = arith.constant 4 : i32
      %get3A_1211 = arith.index_cast %get3A_1210 : i32 to index
      %get3A_1212 = arith.constant 176 : index
      %get3A_1213 = tpu.vector_load %arg10[%get3A_1211, %get3A_1212] {strides = array<i32>} : memref<8x208xf32, #tpu.memory_space<vmem>>, vector<1x16xf32>,
      %get3A_1214 = vector.shape_cast %get3A_1213 : vector<1x16xf32> to vector<16xf32>
      %add3A_1215 = arith.constant 176 : i32
      %add3A_1216 = vector.broadcast %add3A_1215 : i32 to vector<16xi32>
      %add3A_1217 = arith.addi %iota3A, %add3A_1216 : vector<16xi32>
      %lt3A_1218 = arith.cmpi slt, %add3A_1217, %gather3A_1088 : vector<16xi32>
      %select_n3A_1219 = arith.select %lt3A_1218, %get3A_1214, %broadcast_in_dim3A_7 : vector<16xi1>, vector<16xf32>
      %add3A_1220 = arith.addf %add3A_1209, %select_n3A_1219 : vector<16xf32>
      %get3A_1221 = arith.constant 4 : i32
      %get3A_1222 = arith.index_cast %get3A_1221 : i32 to index
      %get3A_1223 = arith.constant 192 : index
      %get3A_1224 = tpu.vector_load %arg10[%get3A_1222, %get3A_1223] {strides = array<i32>} : memref<8x208xf32, #tpu.memory_space<vmem>>, vector<1x16xf32>,
      %get3A_1225 = vector.shape_cast %get3A_1224 : vector<1x16xf32> to vector<16xf32>
      %add3A_1226 = arith.constant 192 : i32
      %add3A_1227 = vector.broadcast %add3A_1226 : i32 to vector<16xi32>
      %add3A_1228 = arith.addi %iota3A, %add3A_1227 : vector<16xi32>
      %lt3A_1229 = arith.cmpi slt, %add3A_1228, %gather3A_1088 : vector<16xi32>
      %select_n3A_1230 = arith.select %lt3A_1229, %get3A_1225, %broadcast_in_dim3A_7 : vector<16xi1>, vector<16xf32>
      %add3A_1231 = arith.addf %add3A_1220, %select_n3A_1230 : vector<16xf32>
      %xor3A_1232 = arith.constant 8 : i32
      %xor3A_1233 = vector.broadcast %xor3A_1232 : i32 to vector<16xi32>
      %xor3A_1234 = arith.xori %iota3A, %xor3A_1233 : vector<16xi32>
      %broadcast_in_dim3A_1235 = vector.shape_cast %xor3A_1234 : vector<16xi32> to vector<16x1xi32>
      %gather3A_1236 = vector.shape_cast %broadcast_in_dim3A_1235 : vector<16x1xi32> to vector<16xi32>
      %gather3A_1237 = tpu.dynamic_gather %add3A_1231[%gather3A_1236] in [0] : vector<16xf32>, vector<16xi32> -> vector<16xf32>
      %add3A_1238 = arith.addf %add3A_1231, %gather3A_1237 : vector<16xf32>
      %xor3A_1239 = arith.constant 4 : i32
      %xor3A_1240 = vector.broadcast %xor3A_1239 : i32 to vector<16xi32>
      %xor3A_1241 = arith.xori %iota3A, %xor3A_1240 : vector<16xi32>
      %broadcast_in_dim3A_1242 = vector.shape_cast %xor3A_1241 : vector<16xi32> to vector<16x1xi32>
      %gather3A_1243 = vector.shape_cast %broadcast_in_dim3A_1242 : vector<16x1xi32> to vector<16xi32>
      %gather3A_1244 = tpu.dynamic_gather %add3A_1238[%gather3A_1243] in [0] : vector<16xf32>, vector<16xi32> -> vector<16xf32>
      %add3A_1245 = arith.addf %add3A_1238, %gather3A_1244 : vector<16xf32>
      %xor3A_1246 = arith.constant 2 : i32
      %xor3A_1247 = vector.broadcast %xor3A_1246 : i32 to vector<16xi32>
      %xor3A_1248 = arith.xori %iota3A, %xor3A_1247 : vector<16xi32>
      %broadcast_in_dim3A_1249 = vector.shape_cast %xor3A_1248 : vector<16xi32> to vector<16x1xi32>
      %gather3A_1250 = vector.shape_cast %broadcast_in_dim3A_1249 : vector<16x1xi32> to vector<16xi32>
      %gather3A_1251 = tpu.dynamic_gather %add3A_1245[%gather3A_1250] in [0] : vector<16xf32>, vector<16xi32> -> vector<16xf32>
      %add3A_1252 = arith.addf %add3A_1245, %gather3A_1251 : vector<16xf32>
      %xor3A_1253 = arith.constant 1 : i32
      %xor3A_1254 = vector.broadcast %xor3A_1253 : i32 to vector<16xi32>
      %xor3A_1255 = arith.xori %iota3A, %xor3A_1254 : vector<16xi32>
      %broadcast_in_dim3A_1256 = vector.shape_cast %xor3A_1255 : vector<16xi32> to vector<16x1xi32>
      %gather3A_1257 = vector.shape_cast %broadcast_in_dim3A_1256 : vector<16x1xi32> to vector<16xi32>
      %gather3A_1258 = tpu.dynamic_gather %add3A_1252[%gather3A_1257] in [0] : vector<16xf32>, vector<16xi32> -> vector<16xf32>
      %add3A_1259 = arith.addf %add3A_1252, %gather3A_1258 : vector<16xf32>
      %eq3A_1260 = vector.broadcast %select_n3A_1079 : i32 to vector<16xi32>
      %eq3A_1261 = arith.cmpi eq, %iota3A, %eq3A_1260 : vector<16xi32>
      %select_n3A_1262 = arith.select %eq3A_1261, %add3A_1259, %select_n3A_1036 : vector<16xi1>, vector<16xf32>
      %eq3A_1263 = arith.constant 15 : i32
      %eq3A_1264 = arith.cmpi eq, %select_n3A_1079, %eq3A_1263 : i32
      %convert_element_type3A_1265 = arith.extui %eq3A_1264 : i1 to i32
      %cond3A_1266 = arith.constant 0 : i32
      %cond3A_1267 = arith.cmpi ne, %convert_element_type3A_1265, %cond3A_1266 : i32
      scf.if %cond3A_1267 {
        %get3A_1953 = arith.index_cast %multiple_of3A_1081 : i32 to index
        %get3A_1954 = tpu.vector_load %arg8[%get3A_1953] {strides = array<i32>} : memref<128xi32, #tpu.memory_space<vmem>>, vector<16xi32>,
        %get3A_1955 = vector.shape_cast %get3A_1954 : vector<16xi32> to vector<16xi32>
        %convert_element_type3A_1956 = arith.sitofp %get3A_1955 : vector<16xi32> to vector<16xf32>
        %div3A = arith.divf %select_n3A_1262, %convert_element_type3A_1956 : vector<16xf32>
        %add3A_1957 = arith.addf %div3A, %get3A_6 : vector<16xf32>
        %swap3A = arith.index_cast %multiple_of3A_1081 : i32 to index
        %swap3A_1958 = tpu.vector_load %arg11[%swap3A] {strides = array<i32>} : memref<128xf32, #tpu.memory_space<vmem>>, vector<16xf32>,
        %swap3A_1959 = vector.shape_cast %swap3A_1958 : vector<16xf32> to vector<16xf32>
        %swap3A_1960 = vector.shape_cast %add3A_1957 : vector<16xf32> to vector<16xf32>
        tpu.vector_store %arg11[%swap3A], %swap3A_1960 {strides = array<i32>} : memref<128xf32, #tpu.memory_space<vmem>>, vector<16xf32>,
      } else {
      }
      %add3A_1268 = arith.constant 8 : i32
      %add3A_1269 = arith.addi %add3A_1052, %add3A_1268 : i32
      %lt3A_1270 = arith.constant 128 : i32
      %lt3A_1271 = arith.cmpi slt, %add3A_1269, %lt3A_1270 : i32
      %convert_element_type3A_1272 = arith.extui %lt3A_1271 : i1 to i32
      %cond3A_1273 = arith.constant 0 : i32
      %cond3A_1274 = arith.cmpi ne, %convert_element_type3A_1272, %cond3A_1273 : i32
      scf.if %cond3A_1274 {
        %add3A_1953 = arith.constant 8 : i32
        %add3A_1954 = arith.addi %add3A_1052, %add3A_1953 : i32
        %mul3A_1955 = arith.constant 200 : i32
        %mul3A_1956 = arith.muli %add3A_1954, %mul3A_1955 : i32
        %multiple_of3A_1957 = tpu.assume_multiple %mul3A_1956, 8 : i32
        %dma_start3A_1958 = arith.constant 4 : i32
        %dma_start3A_1959 = arith.constant 0 : i32
        %dma_start3A_1960 = tpu.memref_slice %arg10[%dma_start3A_1958, %dma_start3A_1959] : memref<8x208xf32, #tpu.memory_space<vmem>> -> memref<1x104xf32, #tpu.memory_space<vmem>>
        %dma_start3A_1961 = tpu.memref_squeeze %dma_start3A_1960 : memref<1x104xf32, #tpu.memory_space<vmem>> -> memref<104xf32, #tpu.memory_space<vmem>>
        %dma_start3A_1962 = tpu.memref_slice %arg7[%multiple_of3A_1957] : memref<25600xi32, #tpu.memory_space<vmem>> -> memref<104xi32, #tpu.memory_space<vmem>>
        %dma_start3A_1963 = arith.constant 0 : i32
        %dma_start3A_1964 = tpu.memref_slice %arg4[%dma_start3A_1963] : memref<1000000xf32, #tpu.memory_space<hbm>> -> memref<1000000xf32, #tpu.memory_space<hbm>>
        tpu.enqueue_indirect_dma source(%dma_start3A_1964 : memref<1000000xf32, #tpu.memory_space<hbm>>) target(%dma_start3A_1961 : memref<104xf32, #tpu.memory_space<vmem>>) offsets(%dma_start3A_1962 : memref<104xi32, #tpu.memory_space<vmem>>) semaphore(%arg16 : memref<!tpu.dma_semaphore, #tpu.memory_space<semaphore_mem>>)
        %add3A_1965 = arith.constant 104 : i32
        %add3A_1966 = arith.addi %multiple_of3A_1957, %add3A_1965 : i32
        %dma_start3A_1967 = arith.constant 4 : i32
        %dma_start3A_1968 = arith.constant 104 : i32
        %dma_start3A_1969 = tpu.memref_slice %arg10[%dma_start3A_1967, %dma_start3A_1968] : memref<8x208xf32, #tpu.memory_space<vmem>> -> memref<1x96xf32, #tpu.memory_space<vmem>>
        %dma_start3A_1970 = tpu.memref_squeeze %dma_start3A_1969 : memref<1x96xf32, #tpu.memory_space<vmem>> -> memref<96xf32, #tpu.memory_space<vmem>>
        %dma_start3A_1971 = tpu.memref_slice %arg7[%add3A_1966] : memref<25600xi32, #tpu.memory_space<vmem>> -> memref<96xi32, #tpu.memory_space<vmem>>
        %dma_start3A_1972 = arith.constant 0 : i32
        %dma_start3A_1973 = tpu.memref_slice %arg4[%dma_start3A_1972] : memref<1000000xf32, #tpu.memory_space<hbm>> -> memref<1000000xf32, #tpu.memory_space<hbm>>
        tpu.enqueue_indirect_dma source(%dma_start3A_1973 : memref<1000000xf32, #tpu.memory_space<hbm>>) target(%dma_start3A_1970 : memref<96xf32, #tpu.memory_space<vmem>>) offsets(%dma_start3A_1971 : memref<96xi32, #tpu.memory_space<vmem>>) semaphore(%arg16 : memref<!tpu.dma_semaphore, #tpu.memory_space<semaphore_mem>>)
      } else {
      }
      %mul3A_1275 = arith.constant 8 : i32
      %mul3A_1276 = arith.muli %scan3A_156, %mul3A_1275 : i32
      %add3A_1277 = arith.constant 5 : i32
      %add3A_1278 = arith.addi %mul3A_1276, %add3A_1277 : i32
      %dma_wait3A_1279 = arith.constant 5 : i32
      %dma_wait3A_1280 = arith.constant 0 : i32
      %dma_wait3A_1281 = tpu.memref_slice %arg10[%dma_wait3A_1279, %dma_wait3A_1280] : memref<8x208xf32, #tpu.memory_space<vmem>> -> memref<1x200xf32, #tpu.memory_space<vmem>>
      %dma_wait3A_1282 = tpu.memref_squeeze %dma_wait3A_1281 : memref<1x200xf32, #tpu.memory_space<vmem>> -> memref<200xf32, #tpu.memory_space<vmem>>
      %dma_wait3A_1283 = arith.constant 0 : i32
      %dma_wait3A_1284 = tpu.memref_slice %arg4[%dma_wait3A_1283] : memref<1000000xf32, #tpu.memory_space<hbm>> -> memref<200xf32, #tpu.memory_space<hbm>>
      %dma_wait3A_1285 = arith.constant 0 : i32
      %dma_wait3A_1286 = tpu.memref_slice %arg10[%dma_wait3A_1279, %dma_wait3A_1285] : memref<8x208xf32, #tpu.memory_space<vmem>> -> memref<1x200xf32, #tpu.memory_space<vmem>>
      %dma_wait3A_1287 = tpu.memref_squeeze %dma_wait3A_1286 : memref<1x200xf32, #tpu.memory_space<vmem>> -> memref<200xf32, #tpu.memory_space<vmem>>
      %dma_wait3A_1288 = arith.constant 0 : i32
      %dma_wait3A_1289 = tpu.memref_slice %arg4[%dma_wait3A_1288] : memref<1000000xf32, #tpu.memory_space<hbm>> -> memref<200xf32, #tpu.memory_space<hbm>>
      tpu.wait_dma2 semaphore(%arg17 : memref<!tpu.dma_semaphore, #tpu.memory_space<semaphore_mem>>) src(%dma_wait3A_1289 : memref<200xf32, #tpu.memory_space<hbm>>) dst(%dma_wait3A_1287 : memref<200xf32, #tpu.memory_space<vmem>>)
      %jit3A_1290 = arith.constant 16 : i32
      %eq3A_1291 = arith.constant 0 : i32
      %eq3A_1292 = arith.cmpi eq, %jit3A_1290, %eq3A_1291 : i32
      %jit3A_1293 = arith.constant 1 : i32
      %select_n3A_1294 = arith.select %eq3A_1292, %jit3A_1293, %jit3A_1290 : i32
      %rem3A_1295 = arith.remsi %add3A_1278, %select_n3A_1294 : i32
      %ne3A_1296 = arith.constant 0 : i32
      %ne3A_1297 = arith.cmpi ne, %rem3A_1295, %ne3A_1296 : i32
      %lt3A_1298 = arith.constant 0 : i32
      %lt3A_1299 = arith.cmpi slt, %rem3A_1295, %lt3A_1298 : i32
      %lt3A_1300 = arith.constant 0 : i32
      %lt3A_1301 = arith.cmpi slt, %select_n3A_1294, %lt3A_1300 : i32
      %ne3A_1302 = arith.xori %lt3A_1299, %lt3A_1301 : i1
      %and3A_1303 = arith.andi %ne3A_1302, %ne3A_1297 : i1
      %add3A_1304 = arith.addi %rem3A_1295, %select_n3A_1294 : i32
      %select_n3A_1305 = arith.select %and3A_1303, %add3A_1304, %rem3A_1295 : i32
      %sub3A_1306 = arith.subi %add3A_1278, %select_n3A_1305 : i32
      %multiple_of3A_1307 = tpu.assume_multiple %sub3A_1306, 16 : i32
      %get3A_1308 = arith.index_cast %multiple_of3A_1307 : i32 to index
      %get3A_1309 = tpu.vector_load %arg8[%get3A_1308] {strides = array<i32>} : memref<128xi32, #tpu.memory_space<vmem>>, vector<16xi32>,
      %get3A_1310 = vector.shape_cast %get3A_1309 : vector<16xi32> to vector<16xi32>
      %broadcast_in_dim3A_1311 = vector.broadcast %select_n3A_1305 : i32 to vector<16xi32>
      %broadcast_in_dim3A_1312 = vector.shape_cast %broadcast_in_dim3A_1311 : vector<16xi32> to vector<16x1xi32>
      %gather3A_1313 = vector.shape_cast %broadcast_in_dim3A_1312 : vector<16x1xi32> to vector<16xi32>
      %gather3A_1314 = tpu.dynamic_gather %get3A_1310[%gather3A_1313] in [0] : vector<16xi32>, vector<16xi32> -> vector<16xi32>
      %get3A_1315 = arith.constant 5 : i32
      %get3A_1316 = arith.index_cast %get3A_1315 : i32 to index
      %get3A_1317 = arith.constant 0 : index
      %get3A_1318 = tpu.vector_load %arg10[%get3A_1316, %get3A_1317] {strides = array<i32>} : memref<8x208xf32, #tpu.memory_space<vmem>>, vector<1x16xf32>,
      %get3A_1319 = vector.shape_cast %get3A_1318 : vector<1x16xf32> to vector<16xf32>
      %add3A_1320 = arith.constant 0 : i32
      %add3A_1321 = vector.broadcast %add3A_1320 : i32 to vector<16xi32>
      %add3A_1322 = arith.addi %iota3A, %add3A_1321 : vector<16xi32>
      %lt3A_1323 = arith.cmpi slt, %add3A_1322, %gather3A_1314 : vector<16xi32>
      %select_n3A_1324 = arith.select %lt3A_1323, %get3A_1319, %broadcast_in_dim3A_7 : vector<16xi1>, vector<16xf32>
      %add3A_1325 = arith.addf %broadcast_in_dim3A_7, %select_n3A_1324 : vector<16xf32>
      %get3A_1326 = arith.constant 5 : i32
      %get3A_1327 = arith.index_cast %get3A_1326 : i32 to index
      %get3A_1328 = arith.constant 16 : index
      %get3A_1329 = tpu.vector_load %arg10[%get3A_1327, %get3A_1328] {strides = array<i32>} : memref<8x208xf32, #tpu.memory_space<vmem>>, vector<1x16xf32>,
      %get3A_1330 = vector.shape_cast %get3A_1329 : vector<1x16xf32> to vector<16xf32>
      %add3A_1331 = arith.constant 16 : i32
      %add3A_1332 = vector.broadcast %add3A_1331 : i32 to vector<16xi32>
      %add3A_1333 = arith.addi %iota3A, %add3A_1332 : vector<16xi32>
      %lt3A_1334 = arith.cmpi slt, %add3A_1333, %gather3A_1314 : vector<16xi32>
      %select_n3A_1335 = arith.select %lt3A_1334, %get3A_1330, %broadcast_in_dim3A_7 : vector<16xi1>, vector<16xf32>
      %add3A_1336 = arith.addf %add3A_1325, %select_n3A_1335 : vector<16xf32>
      %get3A_1337 = arith.constant 5 : i32
      %get3A_1338 = arith.index_cast %get3A_1337 : i32 to index
      %get3A_1339 = arith.constant 32 : index
      %get3A_1340 = tpu.vector_load %arg10[%get3A_1338, %get3A_1339] {strides = array<i32>} : memref<8x208xf32, #tpu.memory_space<vmem>>, vector<1x16xf32>,
      %get3A_1341 = vector.shape_cast %get3A_1340 : vector<1x16xf32> to vector<16xf32>
      %add3A_1342 = arith.constant 32 : i32
      %add3A_1343 = vector.broadcast %add3A_1342 : i32 to vector<16xi32>
      %add3A_1344 = arith.addi %iota3A, %add3A_1343 : vector<16xi32>
      %lt3A_1345 = arith.cmpi slt, %add3A_1344, %gather3A_1314 : vector<16xi32>
      %select_n3A_1346 = arith.select %lt3A_1345, %get3A_1341, %broadcast_in_dim3A_7 : vector<16xi1>, vector<16xf32>
      %add3A_1347 = arith.addf %add3A_1336, %select_n3A_1346 : vector<16xf32>
      %get3A_1348 = arith.constant 5 : i32
      %get3A_1349 = arith.index_cast %get3A_1348 : i32 to index
      %get3A_1350 = arith.constant 48 : index
      %get3A_1351 = tpu.vector_load %arg10[%get3A_1349, %get3A_1350] {strides = array<i32>} : memref<8x208xf32, #tpu.memory_space<vmem>>, vector<1x16xf32>,
      %get3A_1352 = vector.shape_cast %get3A_1351 : vector<1x16xf32> to vector<16xf32>
      %add3A_1353 = arith.constant 48 : i32
      %add3A_1354 = vector.broadcast %add3A_1353 : i32 to vector<16xi32>
      %add3A_1355 = arith.addi %iota3A, %add3A_1354 : vector<16xi32>
      %lt3A_1356 = arith.cmpi slt, %add3A_1355, %gather3A_1314 : vector<16xi32>
      %select_n3A_1357 = arith.select %lt3A_1356, %get3A_1352, %broadcast_in_dim3A_7 : vector<16xi1>, vector<16xf32>
      %add3A_1358 = arith.addf %add3A_1347, %select_n3A_1357 : vector<16xf32>
      %get3A_1359 = arith.constant 5 : i32
      %get3A_1360 = arith.index_cast %get3A_1359 : i32 to index
      %get3A_1361 = arith.constant 64 : index
      %get3A_1362 = tpu.vector_load %arg10[%get3A_1360, %get3A_1361] {strides = array<i32>} : memref<8x208xf32, #tpu.memory_space<vmem>>, vector<1x16xf32>,
      %get3A_1363 = vector.shape_cast %get3A_1362 : vector<1x16xf32> to vector<16xf32>
      %add3A_1364 = arith.constant 64 : i32
      %add3A_1365 = vector.broadcast %add3A_1364 : i32 to vector<16xi32>
      %add3A_1366 = arith.addi %iota3A, %add3A_1365 : vector<16xi32>
      %lt3A_1367 = arith.cmpi slt, %add3A_1366, %gather3A_1314 : vector<16xi32>
      %select_n3A_1368 = arith.select %lt3A_1367, %get3A_1363, %broadcast_in_dim3A_7 : vector<16xi1>, vector<16xf32>
      %add3A_1369 = arith.addf %add3A_1358, %select_n3A_1368 : vector<16xf32>
      %get3A_1370 = arith.constant 5 : i32
      %get3A_1371 = arith.index_cast %get3A_1370 : i32 to index
      %get3A_1372 = arith.constant 80 : index
      %get3A_1373 = tpu.vector_load %arg10[%get3A_1371, %get3A_1372] {strides = array<i32>} : memref<8x208xf32, #tpu.memory_space<vmem>>, vector<1x16xf32>,
      %get3A_1374 = vector.shape_cast %get3A_1373 : vector<1x16xf32> to vector<16xf32>
      %add3A_1375 = arith.constant 80 : i32
      %add3A_1376 = vector.broadcast %add3A_1375 : i32 to vector<16xi32>
      %add3A_1377 = arith.addi %iota3A, %add3A_1376 : vector<16xi32>
      %lt3A_1378 = arith.cmpi slt, %add3A_1377, %gather3A_1314 : vector<16xi32>
      %select_n3A_1379 = arith.select %lt3A_1378, %get3A_1374, %broadcast_in_dim3A_7 : vector<16xi1>, vector<16xf32>
      %add3A_1380 = arith.addf %add3A_1369, %select_n3A_1379 : vector<16xf32>
      %get3A_1381 = arith.constant 5 : i32
      %get3A_1382 = arith.index_cast %get3A_1381 : i32 to index
      %get3A_1383 = arith.constant 96 : index
      %get3A_1384 = tpu.vector_load %arg10[%get3A_1382, %get3A_1383] {strides = array<i32>} : memref<8x208xf32, #tpu.memory_space<vmem>>, vector<1x16xf32>,
      %get3A_1385 = vector.shape_cast %get3A_1384 : vector<1x16xf32> to vector<16xf32>
      %add3A_1386 = arith.constant 96 : i32
      %add3A_1387 = vector.broadcast %add3A_1386 : i32 to vector<16xi32>
      %add3A_1388 = arith.addi %iota3A, %add3A_1387 : vector<16xi32>
      %lt3A_1389 = arith.cmpi slt, %add3A_1388, %gather3A_1314 : vector<16xi32>
      %select_n3A_1390 = arith.select %lt3A_1389, %get3A_1385, %broadcast_in_dim3A_7 : vector<16xi1>, vector<16xf32>
      %add3A_1391 = arith.addf %add3A_1380, %select_n3A_1390 : vector<16xf32>
      %get3A_1392 = arith.constant 5 : i32
      %get3A_1393 = arith.index_cast %get3A_1392 : i32 to index
      %get3A_1394 = arith.constant 112 : index
      %get3A_1395 = tpu.vector_load %arg10[%get3A_1393, %get3A_1394] {strides = array<i32>} : memref<8x208xf32, #tpu.memory_space<vmem>>, vector<1x16xf32>,
      %get3A_1396 = vector.shape_cast %get3A_1395 : vector<1x16xf32> to vector<16xf32>
      %add3A_1397 = arith.constant 112 : i32
      %add3A_1398 = vector.broadcast %add3A_1397 : i32 to vector<16xi32>
      %add3A_1399 = arith.addi %iota3A, %add3A_1398 : vector<16xi32>
      %lt3A_1400 = arith.cmpi slt, %add3A_1399, %gather3A_1314 : vector<16xi32>
      %select_n3A_1401 = arith.select %lt3A_1400, %get3A_1396, %broadcast_in_dim3A_7 : vector<16xi1>, vector<16xf32>
      %add3A_1402 = arith.addf %add3A_1391, %select_n3A_1401 : vector<16xf32>
      %get3A_1403 = arith.constant 5 : i32
      %get3A_1404 = arith.index_cast %get3A_1403 : i32 to index
      %get3A_1405 = arith.constant 128 : index
      %get3A_1406 = tpu.vector_load %arg10[%get3A_1404, %get3A_1405] {strides = array<i32>} : memref<8x208xf32, #tpu.memory_space<vmem>>, vector<1x16xf32>,
      %get3A_1407 = vector.shape_cast %get3A_1406 : vector<1x16xf32> to vector<16xf32>
      %add3A_1408 = arith.constant 128 : i32
      %add3A_1409 = vector.broadcast %add3A_1408 : i32 to vector<16xi32>
      %add3A_1410 = arith.addi %iota3A, %add3A_1409 : vector<16xi32>
      %lt3A_1411 = arith.cmpi slt, %add3A_1410, %gather3A_1314 : vector<16xi32>
      %select_n3A_1412 = arith.select %lt3A_1411, %get3A_1407, %broadcast_in_dim3A_7 : vector<16xi1>, vector<16xf32>
      %add3A_1413 = arith.addf %add3A_1402, %select_n3A_1412 : vector<16xf32>
      %get3A_1414 = arith.constant 5 : i32
      %get3A_1415 = arith.index_cast %get3A_1414 : i32 to index
      %get3A_1416 = arith.constant 144 : index
      %get3A_1417 = tpu.vector_load %arg10[%get3A_1415, %get3A_1416] {strides = array<i32>} : memref<8x208xf32, #tpu.memory_space<vmem>>, vector<1x16xf32>,
      %get3A_1418 = vector.shape_cast %get3A_1417 : vector<1x16xf32> to vector<16xf32>
      %add3A_1419 = arith.constant 144 : i32
      %add3A_1420 = vector.broadcast %add3A_1419 : i32 to vector<16xi32>
      %add3A_1421 = arith.addi %iota3A, %add3A_1420 : vector<16xi32>
      %lt3A_1422 = arith.cmpi slt, %add3A_1421, %gather3A_1314 : vector<16xi32>
      %select_n3A_1423 = arith.select %lt3A_1422, %get3A_1418, %broadcast_in_dim3A_7 : vector<16xi1>, vector<16xf32>
      %add3A_1424 = arith.addf %add3A_1413, %select_n3A_1423 : vector<16xf32>
      %get3A_1425 = arith.constant 5 : i32
      %get3A_1426 = arith.index_cast %get3A_1425 : i32 to index
      %get3A_1427 = arith.constant 160 : index
      %get3A_1428 = tpu.vector_load %arg10[%get3A_1426, %get3A_1427] {strides = array<i32>} : memref<8x208xf32, #tpu.memory_space<vmem>>, vector<1x16xf32>,
      %get3A_1429 = vector.shape_cast %get3A_1428 : vector<1x16xf32> to vector<16xf32>
      %add3A_1430 = arith.constant 160 : i32
      %add3A_1431 = vector.broadcast %add3A_1430 : i32 to vector<16xi32>
      %add3A_1432 = arith.addi %iota3A, %add3A_1431 : vector<16xi32>
      %lt3A_1433 = arith.cmpi slt, %add3A_1432, %gather3A_1314 : vector<16xi32>
      %select_n3A_1434 = arith.select %lt3A_1433, %get3A_1429, %broadcast_in_dim3A_7 : vector<16xi1>, vector<16xf32>
      %add3A_1435 = arith.addf %add3A_1424, %select_n3A_1434 : vector<16xf32>
      %get3A_1436 = arith.constant 5 : i32
      %get3A_1437 = arith.index_cast %get3A_1436 : i32 to index
      %get3A_1438 = arith.constant 176 : index
      %get3A_1439 = tpu.vector_load %arg10[%get3A_1437, %get3A_1438] {strides = array<i32>} : memref<8x208xf32, #tpu.memory_space<vmem>>, vector<1x16xf32>,
      %get3A_1440 = vector.shape_cast %get3A_1439 : vector<1x16xf32> to vector<16xf32>
      %add3A_1441 = arith.constant 176 : i32
      %add3A_1442 = vector.broadcast %add3A_1441 : i32 to vector<16xi32>
      %add3A_1443 = arith.addi %iota3A, %add3A_1442 : vector<16xi32>
      %lt3A_1444 = arith.cmpi slt, %add3A_1443, %gather3A_1314 : vector<16xi32>
      %select_n3A_1445 = arith.select %lt3A_1444, %get3A_1440, %broadcast_in_dim3A_7 : vector<16xi1>, vector<16xf32>
      %add3A_1446 = arith.addf %add3A_1435, %select_n3A_1445 : vector<16xf32>
      %get3A_1447 = arith.constant 5 : i32
      %get3A_1448 = arith.index_cast %get3A_1447 : i32 to index
      %get3A_1449 = arith.constant 192 : index
      %get3A_1450 = tpu.vector_load %arg10[%get3A_1448, %get3A_1449] {strides = array<i32>} : memref<8x208xf32, #tpu.memory_space<vmem>>, vector<1x16xf32>,
      %get3A_1451 = vector.shape_cast %get3A_1450 : vector<1x16xf32> to vector<16xf32>
      %add3A_1452 = arith.constant 192 : i32
      %add3A_1453 = vector.broadcast %add3A_1452 : i32 to vector<16xi32>
      %add3A_1454 = arith.addi %iota3A, %add3A_1453 : vector<16xi32>
      %lt3A_1455 = arith.cmpi slt, %add3A_1454, %gather3A_1314 : vector<16xi32>
      %select_n3A_1456 = arith.select %lt3A_1455, %get3A_1451, %broadcast_in_dim3A_7 : vector<16xi1>, vector<16xf32>
      %add3A_1457 = arith.addf %add3A_1446, %select_n3A_1456 : vector<16xf32>
      %xor3A_1458 = arith.constant 8 : i32
      %xor3A_1459 = vector.broadcast %xor3A_1458 : i32 to vector<16xi32>
      %xor3A_1460 = arith.xori %iota3A, %xor3A_1459 : vector<16xi32>
      %broadcast_in_dim3A_1461 = vector.shape_cast %xor3A_1460 : vector<16xi32> to vector<16x1xi32>
      %gather3A_1462 = vector.shape_cast %broadcast_in_dim3A_1461 : vector<16x1xi32> to vector<16xi32>
      %gather3A_1463 = tpu.dynamic_gather %add3A_1457[%gather3A_1462] in [0] : vector<16xf32>, vector<16xi32> -> vector<16xf32>
      %add3A_1464 = arith.addf %add3A_1457, %gather3A_1463 : vector<16xf32>
      %xor3A_1465 = arith.constant 4 : i32
      %xor3A_1466 = vector.broadcast %xor3A_1465 : i32 to vector<16xi32>
      %xor3A_1467 = arith.xori %iota3A, %xor3A_1466 : vector<16xi32>
      %broadcast_in_dim3A_1468 = vector.shape_cast %xor3A_1467 : vector<16xi32> to vector<16x1xi32>
      %gather3A_1469 = vector.shape_cast %broadcast_in_dim3A_1468 : vector<16x1xi32> to vector<16xi32>
      %gather3A_1470 = tpu.dynamic_gather %add3A_1464[%gather3A_1469] in [0] : vector<16xf32>, vector<16xi32> -> vector<16xf32>
      %add3A_1471 = arith.addf %add3A_1464, %gather3A_1470 : vector<16xf32>
      %xor3A_1472 = arith.constant 2 : i32
      %xor3A_1473 = vector.broadcast %xor3A_1472 : i32 to vector<16xi32>
      %xor3A_1474 = arith.xori %iota3A, %xor3A_1473 : vector<16xi32>
      %broadcast_in_dim3A_1475 = vector.shape_cast %xor3A_1474 : vector<16xi32> to vector<16x1xi32>
      %gather3A_1476 = vector.shape_cast %broadcast_in_dim3A_1475 : vector<16x1xi32> to vector<16xi32>
      %gather3A_1477 = tpu.dynamic_gather %add3A_1471[%gather3A_1476] in [0] : vector<16xf32>, vector<16xi32> -> vector<16xf32>
      %add3A_1478 = arith.addf %add3A_1471, %gather3A_1477 : vector<16xf32>
      %xor3A_1479 = arith.constant 1 : i32
      %xor3A_1480 = vector.broadcast %xor3A_1479 : i32 to vector<16xi32>
      %xor3A_1481 = arith.xori %iota3A, %xor3A_1480 : vector<16xi32>
      %broadcast_in_dim3A_1482 = vector.shape_cast %xor3A_1481 : vector<16xi32> to vector<16x1xi32>
      %gather3A_1483 = vector.shape_cast %broadcast_in_dim3A_1482 : vector<16x1xi32> to vector<16xi32>
      %gather3A_1484 = tpu.dynamic_gather %add3A_1478[%gather3A_1483] in [0] : vector<16xf32>, vector<16xi32> -> vector<16xf32>
      %add3A_1485 = arith.addf %add3A_1478, %gather3A_1484 : vector<16xf32>
      %eq3A_1486 = vector.broadcast %select_n3A_1305 : i32 to vector<16xi32>
      %eq3A_1487 = arith.cmpi eq, %iota3A, %eq3A_1486 : vector<16xi32>
      %select_n3A_1488 = arith.select %eq3A_1487, %add3A_1485, %select_n3A_1262 : vector<16xi1>, vector<16xf32>
      %eq3A_1489 = arith.constant 15 : i32
      %eq3A_1490 = arith.cmpi eq, %select_n3A_1305, %eq3A_1489 : i32
      %convert_element_type3A_1491 = arith.extui %eq3A_1490 : i1 to i32
      %cond3A_1492 = arith.constant 0 : i32
      %cond3A_1493 = arith.cmpi ne, %convert_element_type3A_1491, %cond3A_1492 : i32
      scf.if %cond3A_1493 {
        %get3A_1953 = arith.index_cast %multiple_of3A_1307 : i32 to index
        %get3A_1954 = tpu.vector_load %arg8[%get3A_1953] {strides = array<i32>} : memref<128xi32, #tpu.memory_space<vmem>>, vector<16xi32>,
        %get3A_1955 = vector.shape_cast %get3A_1954 : vector<16xi32> to vector<16xi32>
        %convert_element_type3A_1956 = arith.sitofp %get3A_1955 : vector<16xi32> to vector<16xf32>
        %div3A = arith.divf %select_n3A_1488, %convert_element_type3A_1956 : vector<16xf32>
        %add3A_1957 = arith.addf %div3A, %get3A_6 : vector<16xf32>
        %swap3A = arith.index_cast %multiple_of3A_1307 : i32 to index
        %swap3A_1958 = tpu.vector_load %arg11[%swap3A] {strides = array<i32>} : memref<128xf32, #tpu.memory_space<vmem>>, vector<16xf32>,
        %swap3A_1959 = vector.shape_cast %swap3A_1958 : vector<16xf32> to vector<16xf32>
        %swap3A_1960 = vector.shape_cast %add3A_1957 : vector<16xf32> to vector<16xf32>
        tpu.vector_store %arg11[%swap3A], %swap3A_1960 {strides = array<i32>} : memref<128xf32, #tpu.memory_space<vmem>>, vector<16xf32>,
      } else {
      }
      %add3A_1494 = arith.constant 8 : i32
      %add3A_1495 = arith.addi %add3A_1278, %add3A_1494 : i32
      %lt3A_1496 = arith.constant 128 : i32
      %lt3A_1497 = arith.cmpi slt, %add3A_1495, %lt3A_1496 : i32
      %convert_element_type3A_1498 = arith.extui %lt3A_1497 : i1 to i32
      %cond3A_1499 = arith.constant 0 : i32
      %cond3A_1500 = arith.cmpi ne, %convert_element_type3A_1498, %cond3A_1499 : i32
      scf.if %cond3A_1500 {
        %add3A_1953 = arith.constant 8 : i32
        %add3A_1954 = arith.addi %add3A_1278, %add3A_1953 : i32
        %mul3A_1955 = arith.constant 200 : i32
        %mul3A_1956 = arith.muli %add3A_1954, %mul3A_1955 : i32
        %multiple_of3A_1957 = tpu.assume_multiple %mul3A_1956, 8 : i32
        %dma_start3A_1958 = arith.constant 5 : i32
        %dma_start3A_1959 = arith.constant 0 : i32
        %dma_start3A_1960 = tpu.memref_slice %arg10[%dma_start3A_1958, %dma_start3A_1959] : memref<8x208xf32, #tpu.memory_space<vmem>> -> memref<1x104xf32, #tpu.memory_space<vmem>>
        %dma_start3A_1961 = tpu.memref_squeeze %dma_start3A_1960 : memref<1x104xf32, #tpu.memory_space<vmem>> -> memref<104xf32, #tpu.memory_space<vmem>>
        %dma_start3A_1962 = tpu.memref_slice %arg7[%multiple_of3A_1957] : memref<25600xi32, #tpu.memory_space<vmem>> -> memref<104xi32, #tpu.memory_space<vmem>>
        %dma_start3A_1963 = arith.constant 0 : i32
        %dma_start3A_1964 = tpu.memref_slice %arg4[%dma_start3A_1963] : memref<1000000xf32, #tpu.memory_space<hbm>> -> memref<1000000xf32, #tpu.memory_space<hbm>>
        tpu.enqueue_indirect_dma source(%dma_start3A_1964 : memref<1000000xf32, #tpu.memory_space<hbm>>) target(%dma_start3A_1961 : memref<104xf32, #tpu.memory_space<vmem>>) offsets(%dma_start3A_1962 : memref<104xi32, #tpu.memory_space<vmem>>) semaphore(%arg17 : memref<!tpu.dma_semaphore, #tpu.memory_space<semaphore_mem>>)
        %add3A_1965 = arith.constant 104 : i32
        %add3A_1966 = arith.addi %multiple_of3A_1957, %add3A_1965 : i32
        %dma_start3A_1967 = arith.constant 5 : i32
        %dma_start3A_1968 = arith.constant 104 : i32
        %dma_start3A_1969 = tpu.memref_slice %arg10[%dma_start3A_1967, %dma_start3A_1968] : memref<8x208xf32, #tpu.memory_space<vmem>> -> memref<1x96xf32, #tpu.memory_space<vmem>>
        %dma_start3A_1970 = tpu.memref_squeeze %dma_start3A_1969 : memref<1x96xf32, #tpu.memory_space<vmem>> -> memref<96xf32, #tpu.memory_space<vmem>>
        %dma_start3A_1971 = tpu.memref_slice %arg7[%add3A_1966] : memref<25600xi32, #tpu.memory_space<vmem>> -> memref<96xi32, #tpu.memory_space<vmem>>
        %dma_start3A_1972 = arith.constant 0 : i32
        %dma_start3A_1973 = tpu.memref_slice %arg4[%dma_start3A_1972] : memref<1000000xf32, #tpu.memory_space<hbm>> -> memref<1000000xf32, #tpu.memory_space<hbm>>
        tpu.enqueue_indirect_dma source(%dma_start3A_1973 : memref<1000000xf32, #tpu.memory_space<hbm>>) target(%dma_start3A_1970 : memref<96xf32, #tpu.memory_space<vmem>>) offsets(%dma_start3A_1971 : memref<96xi32, #tpu.memory_space<vmem>>) semaphore(%arg17 : memref<!tpu.dma_semaphore, #tpu.memory_space<semaphore_mem>>)
      } else {
      }
      %mul3A_1501 = arith.constant 8 : i32
      %mul3A_1502 = arith.muli %scan3A_156, %mul3A_1501 : i32
      %add3A_1503 = arith.constant 6 : i32
      %add3A_1504 = arith.addi %mul3A_1502, %add3A_1503 : i32
      %dma_wait3A_1505 = arith.constant 6 : i32
      %dma_wait3A_1506 = arith.constant 0 : i32
      %dma_wait3A_1507 = tpu.memref_slice %arg10[%dma_wait3A_1505, %dma_wait3A_1506] : memref<8x208xf32, #tpu.memory_space<vmem>> -> memref<1x200xf32, #tpu.memory_space<vmem>>
      %dma_wait3A_1508 = tpu.memref_squeeze %dma_wait3A_1507 : memref<1x200xf32, #tpu.memory_space<vmem>> -> memref<200xf32, #tpu.memory_space<vmem>>
      %dma_wait3A_1509 = arith.constant 0 : i32
      %dma_wait3A_1510 = tpu.memref_slice %arg4[%dma_wait3A_1509] : memref<1000000xf32, #tpu.memory_space<hbm>> -> memref<200xf32, #tpu.memory_space<hbm>>
      %dma_wait3A_1511 = arith.constant 0 : i32
      %dma_wait3A_1512 = tpu.memref_slice %arg10[%dma_wait3A_1505, %dma_wait3A_1511] : memref<8x208xf32, #tpu.memory_space<vmem>> -> memref<1x200xf32, #tpu.memory_space<vmem>>
      %dma_wait3A_1513 = tpu.memref_squeeze %dma_wait3A_1512 : memref<1x200xf32, #tpu.memory_space<vmem>> -> memref<200xf32, #tpu.memory_space<vmem>>
      %dma_wait3A_1514 = arith.constant 0 : i32
      %dma_wait3A_1515 = tpu.memref_slice %arg4[%dma_wait3A_1514] : memref<1000000xf32, #tpu.memory_space<hbm>> -> memref<200xf32, #tpu.memory_space<hbm>>
      tpu.wait_dma2 semaphore(%arg18 : memref<!tpu.dma_semaphore, #tpu.memory_space<semaphore_mem>>) src(%dma_wait3A_1515 : memref<200xf32, #tpu.memory_space<hbm>>) dst(%dma_wait3A_1513 : memref<200xf32, #tpu.memory_space<vmem>>)
      %jit3A_1516 = arith.constant 16 : i32
      %eq3A_1517 = arith.constant 0 : i32
      %eq3A_1518 = arith.cmpi eq, %jit3A_1516, %eq3A_1517 : i32
      %jit3A_1519 = arith.constant 1 : i32
      %select_n3A_1520 = arith.select %eq3A_1518, %jit3A_1519, %jit3A_1516 : i32
      %rem3A_1521 = arith.remsi %add3A_1504, %select_n3A_1520 : i32
      %ne3A_1522 = arith.constant 0 : i32
      %ne3A_1523 = arith.cmpi ne, %rem3A_1521, %ne3A_1522 : i32
      %lt3A_1524 = arith.constant 0 : i32
      %lt3A_1525 = arith.cmpi slt, %rem3A_1521, %lt3A_1524 : i32
      %lt3A_1526 = arith.constant 0 : i32
      %lt3A_1527 = arith.cmpi slt, %select_n3A_1520, %lt3A_1526 : i32
      %ne3A_1528 = arith.xori %lt3A_1525, %lt3A_1527 : i1
      %and3A_1529 = arith.andi %ne3A_1528, %ne3A_1523 : i1
      %add3A_1530 = arith.addi %rem3A_1521, %select_n3A_1520 : i32
      %select_n3A_1531 = arith.select %and3A_1529, %add3A_1530, %rem3A_1521 : i32
      %sub3A_1532 = arith.subi %add3A_1504, %select_n3A_1531 : i32
      %multiple_of3A_1533 = tpu.assume_multiple %sub3A_1532, 16 : i32
      %get3A_1534 = arith.index_cast %multiple_of3A_1533 : i32 to index
      %get3A_1535 = tpu.vector_load %arg8[%get3A_1534] {strides = array<i32>} : memref<128xi32, #tpu.memory_space<vmem>>, vector<16xi32>,
      %get3A_1536 = vector.shape_cast %get3A_1535 : vector<16xi32> to vector<16xi32>
      %broadcast_in_dim3A_1537 = vector.broadcast %select_n3A_1531 : i32 to vector<16xi32>
      %broadcast_in_dim3A_1538 = vector.shape_cast %broadcast_in_dim3A_1537 : vector<16xi32> to vector<16x1xi32>
      %gather3A_1539 = vector.shape_cast %broadcast_in_dim3A_1538 : vector<16x1xi32> to vector<16xi32>
      %gather3A_1540 = tpu.dynamic_gather %get3A_1536[%gather3A_1539] in [0] : vector<16xi32>, vector<16xi32> -> vector<16xi32>
      %get3A_1541 = arith.constant 6 : i32
      %get3A_1542 = arith.index_cast %get3A_1541 : i32 to index
      %get3A_1543 = arith.constant 0 : index
      %get3A_1544 = tpu.vector_load %arg10[%get3A_1542, %get3A_1543] {strides = array<i32>} : memref<8x208xf32, #tpu.memory_space<vmem>>, vector<1x16xf32>,
      %get3A_1545 = vector.shape_cast %get3A_1544 : vector<1x16xf32> to vector<16xf32>
      %add3A_1546 = arith.constant 0 : i32
      %add3A_1547 = vector.broadcast %add3A_1546 : i32 to vector<16xi32>
      %add3A_1548 = arith.addi %iota3A, %add3A_1547 : vector<16xi32>
      %lt3A_1549 = arith.cmpi slt, %add3A_1548, %gather3A_1540 : vector<16xi32>
      %select_n3A_1550 = arith.select %lt3A_1549, %get3A_1545, %broadcast_in_dim3A_7 : vector<16xi1>, vector<16xf32>
      %add3A_1551 = arith.addf %broadcast_in_dim3A_7, %select_n3A_1550 : vector<16xf32>
      %get3A_1552 = arith.constant 6 : i32
      %get3A_1553 = arith.index_cast %get3A_1552 : i32 to index
      %get3A_1554 = arith.constant 16 : index
      %get3A_1555 = tpu.vector_load %arg10[%get3A_1553, %get3A_1554] {strides = array<i32>} : memref<8x208xf32, #tpu.memory_space<vmem>>, vector<1x16xf32>,
      %get3A_1556 = vector.shape_cast %get3A_1555 : vector<1x16xf32> to vector<16xf32>
      %add3A_1557 = arith.constant 16 : i32
      %add3A_1558 = vector.broadcast %add3A_1557 : i32 to vector<16xi32>
      %add3A_1559 = arith.addi %iota3A, %add3A_1558 : vector<16xi32>
      %lt3A_1560 = arith.cmpi slt, %add3A_1559, %gather3A_1540 : vector<16xi32>
      %select_n3A_1561 = arith.select %lt3A_1560, %get3A_1556, %broadcast_in_dim3A_7 : vector<16xi1>, vector<16xf32>
      %add3A_1562 = arith.addf %add3A_1551, %select_n3A_1561 : vector<16xf32>
      %get3A_1563 = arith.constant 6 : i32
      %get3A_1564 = arith.index_cast %get3A_1563 : i32 to index
      %get3A_1565 = arith.constant 32 : index
      %get3A_1566 = tpu.vector_load %arg10[%get3A_1564, %get3A_1565] {strides = array<i32>} : memref<8x208xf32, #tpu.memory_space<vmem>>, vector<1x16xf32>,
      %get3A_1567 = vector.shape_cast %get3A_1566 : vector<1x16xf32> to vector<16xf32>
      %add3A_1568 = arith.constant 32 : i32
      %add3A_1569 = vector.broadcast %add3A_1568 : i32 to vector<16xi32>
      %add3A_1570 = arith.addi %iota3A, %add3A_1569 : vector<16xi32>
      %lt3A_1571 = arith.cmpi slt, %add3A_1570, %gather3A_1540 : vector<16xi32>
      %select_n3A_1572 = arith.select %lt3A_1571, %get3A_1567, %broadcast_in_dim3A_7 : vector<16xi1>, vector<16xf32>
      %add3A_1573 = arith.addf %add3A_1562, %select_n3A_1572 : vector<16xf32>
      %get3A_1574 = arith.constant 6 : i32
      %get3A_1575 = arith.index_cast %get3A_1574 : i32 to index
      %get3A_1576 = arith.constant 48 : index
      %get3A_1577 = tpu.vector_load %arg10[%get3A_1575, %get3A_1576] {strides = array<i32>} : memref<8x208xf32, #tpu.memory_space<vmem>>, vector<1x16xf32>,
      %get3A_1578 = vector.shape_cast %get3A_1577 : vector<1x16xf32> to vector<16xf32>
      %add3A_1579 = arith.constant 48 : i32
      %add3A_1580 = vector.broadcast %add3A_1579 : i32 to vector<16xi32>
      %add3A_1581 = arith.addi %iota3A, %add3A_1580 : vector<16xi32>
      %lt3A_1582 = arith.cmpi slt, %add3A_1581, %gather3A_1540 : vector<16xi32>
      %select_n3A_1583 = arith.select %lt3A_1582, %get3A_1578, %broadcast_in_dim3A_7 : vector<16xi1>, vector<16xf32>
      %add3A_1584 = arith.addf %add3A_1573, %select_n3A_1583 : vector<16xf32>
      %get3A_1585 = arith.constant 6 : i32
      %get3A_1586 = arith.index_cast %get3A_1585 : i32 to index
      %get3A_1587 = arith.constant 64 : index
      %get3A_1588 = tpu.vector_load %arg10[%get3A_1586, %get3A_1587] {strides = array<i32>} : memref<8x208xf32, #tpu.memory_space<vmem>>, vector<1x16xf32>,
      %get3A_1589 = vector.shape_cast %get3A_1588 : vector<1x16xf32> to vector<16xf32>
      %add3A_1590 = arith.constant 64 : i32
      %add3A_1591 = vector.broadcast %add3A_1590 : i32 to vector<16xi32>
      %add3A_1592 = arith.addi %iota3A, %add3A_1591 : vector<16xi32>
      %lt3A_1593 = arith.cmpi slt, %add3A_1592, %gather3A_1540 : vector<16xi32>
      %select_n3A_1594 = arith.select %lt3A_1593, %get3A_1589, %broadcast_in_dim3A_7 : vector<16xi1>, vector<16xf32>
      %add3A_1595 = arith.addf %add3A_1584, %select_n3A_1594 : vector<16xf32>
      %get3A_1596 = arith.constant 6 : i32
      %get3A_1597 = arith.index_cast %get3A_1596 : i32 to index
      %get3A_1598 = arith.constant 80 : index
      %get3A_1599 = tpu.vector_load %arg10[%get3A_1597, %get3A_1598] {strides = array<i32>} : memref<8x208xf32, #tpu.memory_space<vmem>>, vector<1x16xf32>,
      %get3A_1600 = vector.shape_cast %get3A_1599 : vector<1x16xf32> to vector<16xf32>
      %add3A_1601 = arith.constant 80 : i32
      %add3A_1602 = vector.broadcast %add3A_1601 : i32 to vector<16xi32>
      %add3A_1603 = arith.addi %iota3A, %add3A_1602 : vector<16xi32>
      %lt3A_1604 = arith.cmpi slt, %add3A_1603, %gather3A_1540 : vector<16xi32>
      %select_n3A_1605 = arith.select %lt3A_1604, %get3A_1600, %broadcast_in_dim3A_7 : vector<16xi1>, vector<16xf32>
      %add3A_1606 = arith.addf %add3A_1595, %select_n3A_1605 : vector<16xf32>
      %get3A_1607 = arith.constant 6 : i32
      %get3A_1608 = arith.index_cast %get3A_1607 : i32 to index
      %get3A_1609 = arith.constant 96 : index
      %get3A_1610 = tpu.vector_load %arg10[%get3A_1608, %get3A_1609] {strides = array<i32>} : memref<8x208xf32, #tpu.memory_space<vmem>>, vector<1x16xf32>,
      %get3A_1611 = vector.shape_cast %get3A_1610 : vector<1x16xf32> to vector<16xf32>
      %add3A_1612 = arith.constant 96 : i32
      %add3A_1613 = vector.broadcast %add3A_1612 : i32 to vector<16xi32>
      %add3A_1614 = arith.addi %iota3A, %add3A_1613 : vector<16xi32>
      %lt3A_1615 = arith.cmpi slt, %add3A_1614, %gather3A_1540 : vector<16xi32>
      %select_n3A_1616 = arith.select %lt3A_1615, %get3A_1611, %broadcast_in_dim3A_7 : vector<16xi1>, vector<16xf32>
      %add3A_1617 = arith.addf %add3A_1606, %select_n3A_1616 : vector<16xf32>
      %get3A_1618 = arith.constant 6 : i32
      %get3A_1619 = arith.index_cast %get3A_1618 : i32 to index
      %get3A_1620 = arith.constant 112 : index
      %get3A_1621 = tpu.vector_load %arg10[%get3A_1619, %get3A_1620] {strides = array<i32>} : memref<8x208xf32, #tpu.memory_space<vmem>>, vector<1x16xf32>,
      %get3A_1622 = vector.shape_cast %get3A_1621 : vector<1x16xf32> to vector<16xf32>
      %add3A_1623 = arith.constant 112 : i32
      %add3A_1624 = vector.broadcast %add3A_1623 : i32 to vector<16xi32>
      %add3A_1625 = arith.addi %iota3A, %add3A_1624 : vector<16xi32>
      %lt3A_1626 = arith.cmpi slt, %add3A_1625, %gather3A_1540 : vector<16xi32>
      %select_n3A_1627 = arith.select %lt3A_1626, %get3A_1622, %broadcast_in_dim3A_7 : vector<16xi1>, vector<16xf32>
      %add3A_1628 = arith.addf %add3A_1617, %select_n3A_1627 : vector<16xf32>
      %get3A_1629 = arith.constant 6 : i32
      %get3A_1630 = arith.index_cast %get3A_1629 : i32 to index
      %get3A_1631 = arith.constant 128 : index
      %get3A_1632 = tpu.vector_load %arg10[%get3A_1630, %get3A_1631] {strides = array<i32>} : memref<8x208xf32, #tpu.memory_space<vmem>>, vector<1x16xf32>,
      %get3A_1633 = vector.shape_cast %get3A_1632 : vector<1x16xf32> to vector<16xf32>
      %add3A_1634 = arith.constant 128 : i32
      %add3A_1635 = vector.broadcast %add3A_1634 : i32 to vector<16xi32>
      %add3A_1636 = arith.addi %iota3A, %add3A_1635 : vector<16xi32>
      %lt3A_1637 = arith.cmpi slt, %add3A_1636, %gather3A_1540 : vector<16xi32>
      %select_n3A_1638 = arith.select %lt3A_1637, %get3A_1633, %broadcast_in_dim3A_7 : vector<16xi1>, vector<16xf32>
      %add3A_1639 = arith.addf %add3A_1628, %select_n3A_1638 : vector<16xf32>
      %get3A_1640 = arith.constant 6 : i32
      %get3A_1641 = arith.index_cast %get3A_1640 : i32 to index
      %get3A_1642 = arith.constant 144 : index
      %get3A_1643 = tpu.vector_load %arg10[%get3A_1641, %get3A_1642] {strides = array<i32>} : memref<8x208xf32, #tpu.memory_space<vmem>>, vector<1x16xf32>,
      %get3A_1644 = vector.shape_cast %get3A_1643 : vector<1x16xf32> to vector<16xf32>
      %add3A_1645 = arith.constant 144 : i32
      %add3A_1646 = vector.broadcast %add3A_1645 : i32 to vector<16xi32>
      %add3A_1647 = arith.addi %iota3A, %add3A_1646 : vector<16xi32>
      %lt3A_1648 = arith.cmpi slt, %add3A_1647, %gather3A_1540 : vector<16xi32>
      %select_n3A_1649 = arith.select %lt3A_1648, %get3A_1644, %broadcast_in_dim3A_7 : vector<16xi1>, vector<16xf32>
      %add3A_1650 = arith.addf %add3A_1639, %select_n3A_1649 : vector<16xf32>
      %get3A_1651 = arith.constant 6 : i32
      %get3A_1652 = arith.index_cast %get3A_1651 : i32 to index
      %get3A_1653 = arith.constant 160 : index
      %get3A_1654 = tpu.vector_load %arg10[%get3A_1652, %get3A_1653] {strides = array<i32>} : memref<8x208xf32, #tpu.memory_space<vmem>>, vector<1x16xf32>,
      %get3A_1655 = vector.shape_cast %get3A_1654 : vector<1x16xf32> to vector<16xf32>
      %add3A_1656 = arith.constant 160 : i32
      %add3A_1657 = vector.broadcast %add3A_1656 : i32 to vector<16xi32>
      %add3A_1658 = arith.addi %iota3A, %add3A_1657 : vector<16xi32>
      %lt3A_1659 = arith.cmpi slt, %add3A_1658, %gather3A_1540 : vector<16xi32>
      %select_n3A_1660 = arith.select %lt3A_1659, %get3A_1655, %broadcast_in_dim3A_7 : vector<16xi1>, vector<16xf32>
      %add3A_1661 = arith.addf %add3A_1650, %select_n3A_1660 : vector<16xf32>
      %get3A_1662 = arith.constant 6 : i32
      %get3A_1663 = arith.index_cast %get3A_1662 : i32 to index
      %get3A_1664 = arith.constant 176 : index
      %get3A_1665 = tpu.vector_load %arg10[%get3A_1663, %get3A_1664] {strides = array<i32>} : memref<8x208xf32, #tpu.memory_space<vmem>>, vector<1x16xf32>,
      %get3A_1666 = vector.shape_cast %get3A_1665 : vector<1x16xf32> to vector<16xf32>
      %add3A_1667 = arith.constant 176 : i32
      %add3A_1668 = vector.broadcast %add3A_1667 : i32 to vector<16xi32>
      %add3A_1669 = arith.addi %iota3A, %add3A_1668 : vector<16xi32>
      %lt3A_1670 = arith.cmpi slt, %add3A_1669, %gather3A_1540 : vector<16xi32>
      %select_n3A_1671 = arith.select %lt3A_1670, %get3A_1666, %broadcast_in_dim3A_7 : vector<16xi1>, vector<16xf32>
      %add3A_1672 = arith.addf %add3A_1661, %select_n3A_1671 : vector<16xf32>
      %get3A_1673 = arith.constant 6 : i32
      %get3A_1674 = arith.index_cast %get3A_1673 : i32 to index
      %get3A_1675 = arith.constant 192 : index
      %get3A_1676 = tpu.vector_load %arg10[%get3A_1674, %get3A_1675] {strides = array<i32>} : memref<8x208xf32, #tpu.memory_space<vmem>>, vector<1x16xf32>,
      %get3A_1677 = vector.shape_cast %get3A_1676 : vector<1x16xf32> to vector<16xf32>
      %add3A_1678 = arith.constant 192 : i32
      %add3A_1679 = vector.broadcast %add3A_1678 : i32 to vector<16xi32>
      %add3A_1680 = arith.addi %iota3A, %add3A_1679 : vector<16xi32>
      %lt3A_1681 = arith.cmpi slt, %add3A_1680, %gather3A_1540 : vector<16xi32>
      %select_n3A_1682 = arith.select %lt3A_1681, %get3A_1677, %broadcast_in_dim3A_7 : vector<16xi1>, vector<16xf32>
      %add3A_1683 = arith.addf %add3A_1672, %select_n3A_1682 : vector<16xf32>
      %xor3A_1684 = arith.constant 8 : i32
      %xor3A_1685 = vector.broadcast %xor3A_1684 : i32 to vector<16xi32>
      %xor3A_1686 = arith.xori %iota3A, %xor3A_1685 : vector<16xi32>
      %broadcast_in_dim3A_1687 = vector.shape_cast %xor3A_1686 : vector<16xi32> to vector<16x1xi32>
      %gather3A_1688 = vector.shape_cast %broadcast_in_dim3A_1687 : vector<16x1xi32> to vector<16xi32>
      %gather3A_1689 = tpu.dynamic_gather %add3A_1683[%gather3A_1688] in [0] : vector<16xf32>, vector<16xi32> -> vector<16xf32>
      %add3A_1690 = arith.addf %add3A_1683, %gather3A_1689 : vector<16xf32>
      %xor3A_1691 = arith.constant 4 : i32
      %xor3A_1692 = vector.broadcast %xor3A_1691 : i32 to vector<16xi32>
      %xor3A_1693 = arith.xori %iota3A, %xor3A_1692 : vector<16xi32>
      %broadcast_in_dim3A_1694 = vector.shape_cast %xor3A_1693 : vector<16xi32> to vector<16x1xi32>
      %gather3A_1695 = vector.shape_cast %broadcast_in_dim3A_1694 : vector<16x1xi32> to vector<16xi32>
      %gather3A_1696 = tpu.dynamic_gather %add3A_1690[%gather3A_1695] in [0] : vector<16xf32>, vector<16xi32> -> vector<16xf32>
      %add3A_1697 = arith.addf %add3A_1690, %gather3A_1696 : vector<16xf32>
      %xor3A_1698 = arith.constant 2 : i32
      %xor3A_1699 = vector.broadcast %xor3A_1698 : i32 to vector<16xi32>
      %xor3A_1700 = arith.xori %iota3A, %xor3A_1699 : vector<16xi32>
      %broadcast_in_dim3A_1701 = vector.shape_cast %xor3A_1700 : vector<16xi32> to vector<16x1xi32>
      %gather3A_1702 = vector.shape_cast %broadcast_in_dim3A_1701 : vector<16x1xi32> to vector<16xi32>
      %gather3A_1703 = tpu.dynamic_gather %add3A_1697[%gather3A_1702] in [0] : vector<16xf32>, vector<16xi32> -> vector<16xf32>
      %add3A_1704 = arith.addf %add3A_1697, %gather3A_1703 : vector<16xf32>
      %xor3A_1705 = arith.constant 1 : i32
      %xor3A_1706 = vector.broadcast %xor3A_1705 : i32 to vector<16xi32>
      %xor3A_1707 = arith.xori %iota3A, %xor3A_1706 : vector<16xi32>
      %broadcast_in_dim3A_1708 = vector.shape_cast %xor3A_1707 : vector<16xi32> to vector<16x1xi32>
      %gather3A_1709 = vector.shape_cast %broadcast_in_dim3A_1708 : vector<16x1xi32> to vector<16xi32>
      %gather3A_1710 = tpu.dynamic_gather %add3A_1704[%gather3A_1709] in [0] : vector<16xf32>, vector<16xi32> -> vector<16xf32>
      %add3A_1711 = arith.addf %add3A_1704, %gather3A_1710 : vector<16xf32>
      %eq3A_1712 = vector.broadcast %select_n3A_1531 : i32 to vector<16xi32>
      %eq3A_1713 = arith.cmpi eq, %iota3A, %eq3A_1712 : vector<16xi32>
      %select_n3A_1714 = arith.select %eq3A_1713, %add3A_1711, %select_n3A_1488 : vector<16xi1>, vector<16xf32>
      %eq3A_1715 = arith.constant 15 : i32
      %eq3A_1716 = arith.cmpi eq, %select_n3A_1531, %eq3A_1715 : i32
      %convert_element_type3A_1717 = arith.extui %eq3A_1716 : i1 to i32
      %cond3A_1718 = arith.constant 0 : i32
      %cond3A_1719 = arith.cmpi ne, %convert_element_type3A_1717, %cond3A_1718 : i32
      scf.if %cond3A_1719 {
        %get3A_1953 = arith.index_cast %multiple_of3A_1533 : i32 to index
        %get3A_1954 = tpu.vector_load %arg8[%get3A_1953] {strides = array<i32>} : memref<128xi32, #tpu.memory_space<vmem>>, vector<16xi32>,
        %get3A_1955 = vector.shape_cast %get3A_1954 : vector<16xi32> to vector<16xi32>
        %convert_element_type3A_1956 = arith.sitofp %get3A_1955 : vector<16xi32> to vector<16xf32>
        %div3A = arith.divf %select_n3A_1714, %convert_element_type3A_1956 : vector<16xf32>
        %add3A_1957 = arith.addf %div3A, %get3A_6 : vector<16xf32>
        %swap3A = arith.index_cast %multiple_of3A_1533 : i32 to index
        %swap3A_1958 = tpu.vector_load %arg11[%swap3A] {strides = array<i32>} : memref<128xf32, #tpu.memory_space<vmem>>, vector<16xf32>,
        %swap3A_1959 = vector.shape_cast %swap3A_1958 : vector<16xf32> to vector<16xf32>
        %swap3A_1960 = vector.shape_cast %add3A_1957 : vector<16xf32> to vector<16xf32>
        tpu.vector_store %arg11[%swap3A], %swap3A_1960 {strides = array<i32>} : memref<128xf32, #tpu.memory_space<vmem>>, vector<16xf32>,
      } else {
      }
      %add3A_1720 = arith.constant 8 : i32
      %add3A_1721 = arith.addi %add3A_1504, %add3A_1720 : i32
      %lt3A_1722 = arith.constant 128 : i32
      %lt3A_1723 = arith.cmpi slt, %add3A_1721, %lt3A_1722 : i32
      %convert_element_type3A_1724 = arith.extui %lt3A_1723 : i1 to i32
      %cond3A_1725 = arith.constant 0 : i32
      %cond3A_1726 = arith.cmpi ne, %convert_element_type3A_1724, %cond3A_1725 : i32
      scf.if %cond3A_1726 {
        %add3A_1953 = arith.constant 8 : i32
        %add3A_1954 = arith.addi %add3A_1504, %add3A_1953 : i32
        %mul3A_1955 = arith.constant 200 : i32
        %mul3A_1956 = arith.muli %add3A_1954, %mul3A_1955 : i32
        %multiple_of3A_1957 = tpu.assume_multiple %mul3A_1956, 8 : i32
        %dma_start3A_1958 = arith.constant 6 : i32
        %dma_start3A_1959 = arith.constant 0 : i32
        %dma_start3A_1960 = tpu.memref_slice %arg10[%dma_start3A_1958, %dma_start3A_1959] : memref<8x208xf32, #tpu.memory_space<vmem>> -> memref<1x104xf32, #tpu.memory_space<vmem>>
        %dma_start3A_1961 = tpu.memref_squeeze %dma_start3A_1960 : memref<1x104xf32, #tpu.memory_space<vmem>> -> memref<104xf32, #tpu.memory_space<vmem>>
        %dma_start3A_1962 = tpu.memref_slice %arg7[%multiple_of3A_1957] : memref<25600xi32, #tpu.memory_space<vmem>> -> memref<104xi32, #tpu.memory_space<vmem>>
        %dma_start3A_1963 = arith.constant 0 : i32
        %dma_start3A_1964 = tpu.memref_slice %arg4[%dma_start3A_1963] : memref<1000000xf32, #tpu.memory_space<hbm>> -> memref<1000000xf32, #tpu.memory_space<hbm>>
        tpu.enqueue_indirect_dma source(%dma_start3A_1964 : memref<1000000xf32, #tpu.memory_space<hbm>>) target(%dma_start3A_1961 : memref<104xf32, #tpu.memory_space<vmem>>) offsets(%dma_start3A_1962 : memref<104xi32, #tpu.memory_space<vmem>>) semaphore(%arg18 : memref<!tpu.dma_semaphore, #tpu.memory_space<semaphore_mem>>)
        %add3A_1965 = arith.constant 104 : i32
        %add3A_1966 = arith.addi %multiple_of3A_1957, %add3A_1965 : i32
        %dma_start3A_1967 = arith.constant 6 : i32
        %dma_start3A_1968 = arith.constant 104 : i32
        %dma_start3A_1969 = tpu.memref_slice %arg10[%dma_start3A_1967, %dma_start3A_1968] : memref<8x208xf32, #tpu.memory_space<vmem>> -> memref<1x96xf32, #tpu.memory_space<vmem>>
        %dma_start3A_1970 = tpu.memref_squeeze %dma_start3A_1969 : memref<1x96xf32, #tpu.memory_space<vmem>> -> memref<96xf32, #tpu.memory_space<vmem>>
        %dma_start3A_1971 = tpu.memref_slice %arg7[%add3A_1966] : memref<25600xi32, #tpu.memory_space<vmem>> -> memref<96xi32, #tpu.memory_space<vmem>>
        %dma_start3A_1972 = arith.constant 0 : i32
        %dma_start3A_1973 = tpu.memref_slice %arg4[%dma_start3A_1972] : memref<1000000xf32, #tpu.memory_space<hbm>> -> memref<1000000xf32, #tpu.memory_space<hbm>>
        tpu.enqueue_indirect_dma source(%dma_start3A_1973 : memref<1000000xf32, #tpu.memory_space<hbm>>) target(%dma_start3A_1970 : memref<96xf32, #tpu.memory_space<vmem>>) offsets(%dma_start3A_1971 : memref<96xi32, #tpu.memory_space<vmem>>) semaphore(%arg18 : memref<!tpu.dma_semaphore, #tpu.memory_space<semaphore_mem>>)
      } else {
      }
      %mul3A_1727 = arith.constant 8 : i32
      %mul3A_1728 = arith.muli %scan3A_156, %mul3A_1727 : i32
      %add3A_1729 = arith.constant 7 : i32
      %add3A_1730 = arith.addi %mul3A_1728, %add3A_1729 : i32
      %dma_wait3A_1731 = arith.constant 7 : i32
      %dma_wait3A_1732 = arith.constant 0 : i32
      %dma_wait3A_1733 = tpu.memref_slice %arg10[%dma_wait3A_1731, %dma_wait3A_1732] : memref<8x208xf32, #tpu.memory_space<vmem>> -> memref<1x200xf32, #tpu.memory_space<vmem>>
      %dma_wait3A_1734 = tpu.memref_squeeze %dma_wait3A_1733 : memref<1x200xf32, #tpu.memory_space<vmem>> -> memref<200xf32, #tpu.memory_space<vmem>>
      %dma_wait3A_1735 = arith.constant 0 : i32
      %dma_wait3A_1736 = tpu.memref_slice %arg4[%dma_wait3A_1735] : memref<1000000xf32, #tpu.memory_space<hbm>> -> memref<200xf32, #tpu.memory_space<hbm>>
      %dma_wait3A_1737 = arith.constant 0 : i32
      %dma_wait3A_1738 = tpu.memref_slice %arg10[%dma_wait3A_1731, %dma_wait3A_1737] : memref<8x208xf32, #tpu.memory_space<vmem>> -> memref<1x200xf32, #tpu.memory_space<vmem>>
      %dma_wait3A_1739 = tpu.memref_squeeze %dma_wait3A_1738 : memref<1x200xf32, #tpu.memory_space<vmem>> -> memref<200xf32, #tpu.memory_space<vmem>>
      %dma_wait3A_1740 = arith.constant 0 : i32
      %dma_wait3A_1741 = tpu.memref_slice %arg4[%dma_wait3A_1740] : memref<1000000xf32, #tpu.memory_space<hbm>> -> memref<200xf32, #tpu.memory_space<hbm>>
      tpu.wait_dma2 semaphore(%arg19 : memref<!tpu.dma_semaphore, #tpu.memory_space<semaphore_mem>>) src(%dma_wait3A_1741 : memref<200xf32, #tpu.memory_space<hbm>>) dst(%dma_wait3A_1739 : memref<200xf32, #tpu.memory_space<vmem>>)
      %jit3A_1742 = arith.constant 16 : i32
      %eq3A_1743 = arith.constant 0 : i32
      %eq3A_1744 = arith.cmpi eq, %jit3A_1742, %eq3A_1743 : i32
      %jit3A_1745 = arith.constant 1 : i32
      %select_n3A_1746 = arith.select %eq3A_1744, %jit3A_1745, %jit3A_1742 : i32
      %rem3A_1747 = arith.remsi %add3A_1730, %select_n3A_1746 : i32
      %ne3A_1748 = arith.constant 0 : i32
      %ne3A_1749 = arith.cmpi ne, %rem3A_1747, %ne3A_1748 : i32
      %lt3A_1750 = arith.constant 0 : i32
      %lt3A_1751 = arith.cmpi slt, %rem3A_1747, %lt3A_1750 : i32
      %lt3A_1752 = arith.constant 0 : i32
      %lt3A_1753 = arith.cmpi slt, %select_n3A_1746, %lt3A_1752 : i32
      %ne3A_1754 = arith.xori %lt3A_1751, %lt3A_1753 : i1
      %and3A_1755 = arith.andi %ne3A_1754, %ne3A_1749 : i1
      %add3A_1756 = arith.addi %rem3A_1747, %select_n3A_1746 : i32
      %select_n3A_1757 = arith.select %and3A_1755, %add3A_1756, %rem3A_1747 : i32
      %sub3A_1758 = arith.subi %add3A_1730, %select_n3A_1757 : i32
      %multiple_of3A_1759 = tpu.assume_multiple %sub3A_1758, 16 : i32
      %get3A_1760 = arith.index_cast %multiple_of3A_1759 : i32 to index
      %get3A_1761 = tpu.vector_load %arg8[%get3A_1760] {strides = array<i32>} : memref<128xi32, #tpu.memory_space<vmem>>, vector<16xi32>,
      %get3A_1762 = vector.shape_cast %get3A_1761 : vector<16xi32> to vector<16xi32>
      %broadcast_in_dim3A_1763 = vector.broadcast %select_n3A_1757 : i32 to vector<16xi32>
      %broadcast_in_dim3A_1764 = vector.shape_cast %broadcast_in_dim3A_1763 : vector<16xi32> to vector<16x1xi32>
      %gather3A_1765 = vector.shape_cast %broadcast_in_dim3A_1764 : vector<16x1xi32> to vector<16xi32>
      %gather3A_1766 = tpu.dynamic_gather %get3A_1762[%gather3A_1765] in [0] : vector<16xi32>, vector<16xi32> -> vector<16xi32>
      %get3A_1767 = arith.constant 7 : i32
      %get3A_1768 = arith.index_cast %get3A_1767 : i32 to index
      %get3A_1769 = arith.constant 0 : index
      %get3A_1770 = tpu.vector_load %arg10[%get3A_1768, %get3A_1769] {strides = array<i32>} : memref<8x208xf32, #tpu.memory_space<vmem>>, vector<1x16xf32>,
      %get3A_1771 = vector.shape_cast %get3A_1770 : vector<1x16xf32> to vector<16xf32>
      %add3A_1772 = arith.constant 0 : i32
      %add3A_1773 = vector.broadcast %add3A_1772 : i32 to vector<16xi32>
      %add3A_1774 = arith.addi %iota3A, %add3A_1773 : vector<16xi32>
      %lt3A_1775 = arith.cmpi slt, %add3A_1774, %gather3A_1766 : vector<16xi32>
      %select_n3A_1776 = arith.select %lt3A_1775, %get3A_1771, %broadcast_in_dim3A_7 : vector<16xi1>, vector<16xf32>
      %add3A_1777 = arith.addf %broadcast_in_dim3A_7, %select_n3A_1776 : vector<16xf32>
      %get3A_1778 = arith.constant 7 : i32
      %get3A_1779 = arith.index_cast %get3A_1778 : i32 to index
      %get3A_1780 = arith.constant 16 : index
      %get3A_1781 = tpu.vector_load %arg10[%get3A_1779, %get3A_1780] {strides = array<i32>} : memref<8x208xf32, #tpu.memory_space<vmem>>, vector<1x16xf32>,
      %get3A_1782 = vector.shape_cast %get3A_1781 : vector<1x16xf32> to vector<16xf32>
      %add3A_1783 = arith.constant 16 : i32
      %add3A_1784 = vector.broadcast %add3A_1783 : i32 to vector<16xi32>
      %add3A_1785 = arith.addi %iota3A, %add3A_1784 : vector<16xi32>
      %lt3A_1786 = arith.cmpi slt, %add3A_1785, %gather3A_1766 : vector<16xi32>
      %select_n3A_1787 = arith.select %lt3A_1786, %get3A_1782, %broadcast_in_dim3A_7 : vector<16xi1>, vector<16xf32>
      %add3A_1788 = arith.addf %add3A_1777, %select_n3A_1787 : vector<16xf32>
      %get3A_1789 = arith.constant 7 : i32
      %get3A_1790 = arith.index_cast %get3A_1789 : i32 to index
      %get3A_1791 = arith.constant 32 : index
      %get3A_1792 = tpu.vector_load %arg10[%get3A_1790, %get3A_1791] {strides = array<i32>} : memref<8x208xf32, #tpu.memory_space<vmem>>, vector<1x16xf32>,
      %get3A_1793 = vector.shape_cast %get3A_1792 : vector<1x16xf32> to vector<16xf32>
      %add3A_1794 = arith.constant 32 : i32
      %add3A_1795 = vector.broadcast %add3A_1794 : i32 to vector<16xi32>
      %add3A_1796 = arith.addi %iota3A, %add3A_1795 : vector<16xi32>
      %lt3A_1797 = arith.cmpi slt, %add3A_1796, %gather3A_1766 : vector<16xi32>
      %select_n3A_1798 = arith.select %lt3A_1797, %get3A_1793, %broadcast_in_dim3A_7 : vector<16xi1>, vector<16xf32>
      %add3A_1799 = arith.addf %add3A_1788, %select_n3A_1798 : vector<16xf32>
      %get3A_1800 = arith.constant 7 : i32
      %get3A_1801 = arith.index_cast %get3A_1800 : i32 to index
      %get3A_1802 = arith.constant 48 : index
      %get3A_1803 = tpu.vector_load %arg10[%get3A_1801, %get3A_1802] {strides = array<i32>} : memref<8x208xf32, #tpu.memory_space<vmem>>, vector<1x16xf32>,
      %get3A_1804 = vector.shape_cast %get3A_1803 : vector<1x16xf32> to vector<16xf32>
      %add3A_1805 = arith.constant 48 : i32
      %add3A_1806 = vector.broadcast %add3A_1805 : i32 to vector<16xi32>
      %add3A_1807 = arith.addi %iota3A, %add3A_1806 : vector<16xi32>
      %lt3A_1808 = arith.cmpi slt, %add3A_1807, %gather3A_1766 : vector<16xi32>
      %select_n3A_1809 = arith.select %lt3A_1808, %get3A_1804, %broadcast_in_dim3A_7 : vector<16xi1>, vector<16xf32>
      %add3A_1810 = arith.addf %add3A_1799, %select_n3A_1809 : vector<16xf32>
      %get3A_1811 = arith.constant 7 : i32
      %get3A_1812 = arith.index_cast %get3A_1811 : i32 to index
      %get3A_1813 = arith.constant 64 : index
      %get3A_1814 = tpu.vector_load %arg10[%get3A_1812, %get3A_1813] {strides = array<i32>} : memref<8x208xf32, #tpu.memory_space<vmem>>, vector<1x16xf32>,
      %get3A_1815 = vector.shape_cast %get3A_1814 : vector<1x16xf32> to vector<16xf32>
      %add3A_1816 = arith.constant 64 : i32
      %add3A_1817 = vector.broadcast %add3A_1816 : i32 to vector<16xi32>
      %add3A_1818 = arith.addi %iota3A, %add3A_1817 : vector<16xi32>
      %lt3A_1819 = arith.cmpi slt, %add3A_1818, %gather3A_1766 : vector<16xi32>
      %select_n3A_1820 = arith.select %lt3A_1819, %get3A_1815, %broadcast_in_dim3A_7 : vector<16xi1>, vector<16xf32>
      %add3A_1821 = arith.addf %add3A_1810, %select_n3A_1820 : vector<16xf32>
      %get3A_1822 = arith.constant 7 : i32
      %get3A_1823 = arith.index_cast %get3A_1822 : i32 to index
      %get3A_1824 = arith.constant 80 : index
      %get3A_1825 = tpu.vector_load %arg10[%get3A_1823, %get3A_1824] {strides = array<i32>} : memref<8x208xf32, #tpu.memory_space<vmem>>, vector<1x16xf32>,
      %get3A_1826 = vector.shape_cast %get3A_1825 : vector<1x16xf32> to vector<16xf32>
      %add3A_1827 = arith.constant 80 : i32
      %add3A_1828 = vector.broadcast %add3A_1827 : i32 to vector<16xi32>
      %add3A_1829 = arith.addi %iota3A, %add3A_1828 : vector<16xi32>
      %lt3A_1830 = arith.cmpi slt, %add3A_1829, %gather3A_1766 : vector<16xi32>
      %select_n3A_1831 = arith.select %lt3A_1830, %get3A_1826, %broadcast_in_dim3A_7 : vector<16xi1>, vector<16xf32>
      %add3A_1832 = arith.addf %add3A_1821, %select_n3A_1831 : vector<16xf32>
      %get3A_1833 = arith.constant 7 : i32
      %get3A_1834 = arith.index_cast %get3A_1833 : i32 to index
      %get3A_1835 = arith.constant 96 : index
      %get3A_1836 = tpu.vector_load %arg10[%get3A_1834, %get3A_1835] {strides = array<i32>} : memref<8x208xf32, #tpu.memory_space<vmem>>, vector<1x16xf32>,
      %get3A_1837 = vector.shape_cast %get3A_1836 : vector<1x16xf32> to vector<16xf32>
      %add3A_1838 = arith.constant 96 : i32
      %add3A_1839 = vector.broadcast %add3A_1838 : i32 to vector<16xi32>
      %add3A_1840 = arith.addi %iota3A, %add3A_1839 : vector<16xi32>
      %lt3A_1841 = arith.cmpi slt, %add3A_1840, %gather3A_1766 : vector<16xi32>
      %select_n3A_1842 = arith.select %lt3A_1841, %get3A_1837, %broadcast_in_dim3A_7 : vector<16xi1>, vector<16xf32>
      %add3A_1843 = arith.addf %add3A_1832, %select_n3A_1842 : vector<16xf32>
      %get3A_1844 = arith.constant 7 : i32
      %get3A_1845 = arith.index_cast %get3A_1844 : i32 to index
      %get3A_1846 = arith.constant 112 : index
      %get3A_1847 = tpu.vector_load %arg10[%get3A_1845, %get3A_1846] {strides = array<i32>} : memref<8x208xf32, #tpu.memory_space<vmem>>, vector<1x16xf32>,
      %get3A_1848 = vector.shape_cast %get3A_1847 : vector<1x16xf32> to vector<16xf32>
      %add3A_1849 = arith.constant 112 : i32
      %add3A_1850 = vector.broadcast %add3A_1849 : i32 to vector<16xi32>
      %add3A_1851 = arith.addi %iota3A, %add3A_1850 : vector<16xi32>
      %lt3A_1852 = arith.cmpi slt, %add3A_1851, %gather3A_1766 : vector<16xi32>
      %select_n3A_1853 = arith.select %lt3A_1852, %get3A_1848, %broadcast_in_dim3A_7 : vector<16xi1>, vector<16xf32>
      %add3A_1854 = arith.addf %add3A_1843, %select_n3A_1853 : vector<16xf32>
      %get3A_1855 = arith.constant 7 : i32
      %get3A_1856 = arith.index_cast %get3A_1855 : i32 to index
      %get3A_1857 = arith.constant 128 : index
      %get3A_1858 = tpu.vector_load %arg10[%get3A_1856, %get3A_1857] {strides = array<i32>} : memref<8x208xf32, #tpu.memory_space<vmem>>, vector<1x16xf32>,
      %get3A_1859 = vector.shape_cast %get3A_1858 : vector<1x16xf32> to vector<16xf32>
      %add3A_1860 = arith.constant 128 : i32
      %add3A_1861 = vector.broadcast %add3A_1860 : i32 to vector<16xi32>
      %add3A_1862 = arith.addi %iota3A, %add3A_1861 : vector<16xi32>
      %lt3A_1863 = arith.cmpi slt, %add3A_1862, %gather3A_1766 : vector<16xi32>
      %select_n3A_1864 = arith.select %lt3A_1863, %get3A_1859, %broadcast_in_dim3A_7 : vector<16xi1>, vector<16xf32>
      %add3A_1865 = arith.addf %add3A_1854, %select_n3A_1864 : vector<16xf32>
      %get3A_1866 = arith.constant 7 : i32
      %get3A_1867 = arith.index_cast %get3A_1866 : i32 to index
      %get3A_1868 = arith.constant 144 : index
      %get3A_1869 = tpu.vector_load %arg10[%get3A_1867, %get3A_1868] {strides = array<i32>} : memref<8x208xf32, #tpu.memory_space<vmem>>, vector<1x16xf32>,
      %get3A_1870 = vector.shape_cast %get3A_1869 : vector<1x16xf32> to vector<16xf32>
      %add3A_1871 = arith.constant 144 : i32
      %add3A_1872 = vector.broadcast %add3A_1871 : i32 to vector<16xi32>
      %add3A_1873 = arith.addi %iota3A, %add3A_1872 : vector<16xi32>
      %lt3A_1874 = arith.cmpi slt, %add3A_1873, %gather3A_1766 : vector<16xi32>
      %select_n3A_1875 = arith.select %lt3A_1874, %get3A_1870, %broadcast_in_dim3A_7 : vector<16xi1>, vector<16xf32>
      %add3A_1876 = arith.addf %add3A_1865, %select_n3A_1875 : vector<16xf32>
      %get3A_1877 = arith.constant 7 : i32
      %get3A_1878 = arith.index_cast %get3A_1877 : i32 to index
      %get3A_1879 = arith.constant 160 : index
      %get3A_1880 = tpu.vector_load %arg10[%get3A_1878, %get3A_1879] {strides = array<i32>} : memref<8x208xf32, #tpu.memory_space<vmem>>, vector<1x16xf32>,
      %get3A_1881 = vector.shape_cast %get3A_1880 : vector<1x16xf32> to vector<16xf32>
      %add3A_1882 = arith.constant 160 : i32
      %add3A_1883 = vector.broadcast %add3A_1882 : i32 to vector<16xi32>
      %add3A_1884 = arith.addi %iota3A, %add3A_1883 : vector<16xi32>
      %lt3A_1885 = arith.cmpi slt, %add3A_1884, %gather3A_1766 : vector<16xi32>
      %select_n3A_1886 = arith.select %lt3A_1885, %get3A_1881, %broadcast_in_dim3A_7 : vector<16xi1>, vector<16xf32>
      %add3A_1887 = arith.addf %add3A_1876, %select_n3A_1886 : vector<16xf32>
      %get3A_1888 = arith.constant 7 : i32
      %get3A_1889 = arith.index_cast %get3A_1888 : i32 to index
      %get3A_1890 = arith.constant 176 : index
      %get3A_1891 = tpu.vector_load %arg10[%get3A_1889, %get3A_1890] {strides = array<i32>} : memref<8x208xf32, #tpu.memory_space<vmem>>, vector<1x16xf32>,
      %get3A_1892 = vector.shape_cast %get3A_1891 : vector<1x16xf32> to vector<16xf32>
      %add3A_1893 = arith.constant 176 : i32
      %add3A_1894 = vector.broadcast %add3A_1893 : i32 to vector<16xi32>
      %add3A_1895 = arith.addi %iota3A, %add3A_1894 : vector<16xi32>
      %lt3A_1896 = arith.cmpi slt, %add3A_1895, %gather3A_1766 : vector<16xi32>
      %select_n3A_1897 = arith.select %lt3A_1896, %get3A_1892, %broadcast_in_dim3A_7 : vector<16xi1>, vector<16xf32>
      %add3A_1898 = arith.addf %add3A_1887, %select_n3A_1897 : vector<16xf32>
      %get3A_1899 = arith.constant 7 : i32
      %get3A_1900 = arith.index_cast %get3A_1899 : i32 to index
      %get3A_1901 = arith.constant 192 : index
      %get3A_1902 = tpu.vector_load %arg10[%get3A_1900, %get3A_1901] {strides = array<i32>} : memref<8x208xf32, #tpu.memory_space<vmem>>, vector<1x16xf32>,
      %get3A_1903 = vector.shape_cast %get3A_1902 : vector<1x16xf32> to vector<16xf32>
      %add3A_1904 = arith.constant 192 : i32
      %add3A_1905 = vector.broadcast %add3A_1904 : i32 to vector<16xi32>
      %add3A_1906 = arith.addi %iota3A, %add3A_1905 : vector<16xi32>
      %lt3A_1907 = arith.cmpi slt, %add3A_1906, %gather3A_1766 : vector<16xi32>
      %select_n3A_1908 = arith.select %lt3A_1907, %get3A_1903, %broadcast_in_dim3A_7 : vector<16xi1>, vector<16xf32>
      %add3A_1909 = arith.addf %add3A_1898, %select_n3A_1908 : vector<16xf32>
      %xor3A_1910 = arith.constant 8 : i32
      %xor3A_1911 = vector.broadcast %xor3A_1910 : i32 to vector<16xi32>
      %xor3A_1912 = arith.xori %iota3A, %xor3A_1911 : vector<16xi32>
      %broadcast_in_dim3A_1913 = vector.shape_cast %xor3A_1912 : vector<16xi32> to vector<16x1xi32>
      %gather3A_1914 = vector.shape_cast %broadcast_in_dim3A_1913 : vector<16x1xi32> to vector<16xi32>
      %gather3A_1915 = tpu.dynamic_gather %add3A_1909[%gather3A_1914] in [0] : vector<16xf32>, vector<16xi32> -> vector<16xf32>
      %add3A_1916 = arith.addf %add3A_1909, %gather3A_1915 : vector<16xf32>
      %xor3A_1917 = arith.constant 4 : i32
      %xor3A_1918 = vector.broadcast %xor3A_1917 : i32 to vector<16xi32>
      %xor3A_1919 = arith.xori %iota3A, %xor3A_1918 : vector<16xi32>
      %broadcast_in_dim3A_1920 = vector.shape_cast %xor3A_1919 : vector<16xi32> to vector<16x1xi32>
      %gather3A_1921 = vector.shape_cast %broadcast_in_dim3A_1920 : vector<16x1xi32> to vector<16xi32>
      %gather3A_1922 = tpu.dynamic_gather %add3A_1916[%gather3A_1921] in [0] : vector<16xf32>, vector<16xi32> -> vector<16xf32>
      %add3A_1923 = arith.addf %add3A_1916, %gather3A_1922 : vector<16xf32>
      %xor3A_1924 = arith.constant 2 : i32
      %xor3A_1925 = vector.broadcast %xor3A_1924 : i32 to vector<16xi32>
      %xor3A_1926 = arith.xori %iota3A, %xor3A_1925 : vector<16xi32>
      %broadcast_in_dim3A_1927 = vector.shape_cast %xor3A_1926 : vector<16xi32> to vector<16x1xi32>
      %gather3A_1928 = vector.shape_cast %broadcast_in_dim3A_1927 : vector<16x1xi32> to vector<16xi32>
      %gather3A_1929 = tpu.dynamic_gather %add3A_1923[%gather3A_1928] in [0] : vector<16xf32>, vector<16xi32> -> vector<16xf32>
      %add3A_1930 = arith.addf %add3A_1923, %gather3A_1929 : vector<16xf32>
      %xor3A_1931 = arith.constant 1 : i32
      %xor3A_1932 = vector.broadcast %xor3A_1931 : i32 to vector<16xi32>
      %xor3A_1933 = arith.xori %iota3A, %xor3A_1932 : vector<16xi32>
      %broadcast_in_dim3A_1934 = vector.shape_cast %xor3A_1933 : vector<16xi32> to vector<16x1xi32>
      %gather3A_1935 = vector.shape_cast %broadcast_in_dim3A_1934 : vector<16x1xi32> to vector<16xi32>
      %gather3A_1936 = tpu.dynamic_gather %add3A_1930[%gather3A_1935] in [0] : vector<16xf32>, vector<16xi32> -> vector<16xf32>
      %add3A_1937 = arith.addf %add3A_1930, %gather3A_1936 : vector<16xf32>
      %eq3A_1938 = vector.broadcast %select_n3A_1757 : i32 to vector<16xi32>
      %eq3A_1939 = arith.cmpi eq, %iota3A, %eq3A_1938 : vector<16xi32>
      %select_n3A_1940 = arith.select %eq3A_1939, %add3A_1937, %select_n3A_1714 : vector<16xi1>, vector<16xf32>
      %eq3A_1941 = arith.constant 15 : i32
      %eq3A_1942 = arith.cmpi eq, %select_n3A_1757, %eq3A_1941 : i32
      %convert_element_type3A_1943 = arith.extui %eq3A_1942 : i1 to i32
      %cond3A_1944 = arith.constant 0 : i32
      %cond3A_1945 = arith.cmpi ne, %convert_element_type3A_1943, %cond3A_1944 : i32
      scf.if %cond3A_1945 {
        %get3A_1953 = arith.index_cast %multiple_of3A_1759 : i32 to index
        %get3A_1954 = tpu.vector_load %arg8[%get3A_1953] {strides = array<i32>} : memref<128xi32, #tpu.memory_space<vmem>>, vector<16xi32>,
        %get3A_1955 = vector.shape_cast %get3A_1954 : vector<16xi32> to vector<16xi32>
        %convert_element_type3A_1956 = arith.sitofp %get3A_1955 : vector<16xi32> to vector<16xf32>
        %div3A = arith.divf %select_n3A_1940, %convert_element_type3A_1956 : vector<16xf32>
        %add3A_1957 = arith.addf %div3A, %get3A_6 : vector<16xf32>
        %swap3A = arith.index_cast %multiple_of3A_1759 : i32 to index
        %swap3A_1958 = tpu.vector_load %arg11[%swap3A] {strides = array<i32>} : memref<128xf32, #tpu.memory_space<vmem>>, vector<16xf32>,
        %swap3A_1959 = vector.shape_cast %swap3A_1958 : vector<16xf32> to vector<16xf32>
        %swap3A_1960 = vector.shape_cast %add3A_1957 : vector<16xf32> to vector<16xf32>
        tpu.vector_store %arg11[%swap3A], %swap3A_1960 {strides = array<i32>} : memref<128xf32, #tpu.memory_space<vmem>>, vector<16xf32>,
      } else {
      }
      %add3A_1946 = arith.constant 8 : i32
      %add3A_1947 = arith.addi %add3A_1730, %add3A_1946 : i32
      %lt3A_1948 = arith.constant 128 : i32
      %lt3A_1949 = arith.cmpi slt, %add3A_1947, %lt3A_1948 : i32
      %convert_element_type3A_1950 = arith.extui %lt3A_1949 : i1 to i32
      %cond3A_1951 = arith.constant 0 : i32
      %cond3A_1952 = arith.cmpi ne, %convert_element_type3A_1950, %cond3A_1951 : i32
      scf.if %cond3A_1952 {
        %add3A_1953 = arith.constant 8 : i32
        %add3A_1954 = arith.addi %add3A_1730, %add3A_1953 : i32
        %mul3A_1955 = arith.constant 200 : i32
        %mul3A_1956 = arith.muli %add3A_1954, %mul3A_1955 : i32
        %multiple_of3A_1957 = tpu.assume_multiple %mul3A_1956, 8 : i32
        %dma_start3A_1958 = arith.constant 7 : i32
        %dma_start3A_1959 = arith.constant 0 : i32
        %dma_start3A_1960 = tpu.memref_slice %arg10[%dma_start3A_1958, %dma_start3A_1959] : memref<8x208xf32, #tpu.memory_space<vmem>> -> memref<1x104xf32, #tpu.memory_space<vmem>>
        %dma_start3A_1961 = tpu.memref_squeeze %dma_start3A_1960 : memref<1x104xf32, #tpu.memory_space<vmem>> -> memref<104xf32, #tpu.memory_space<vmem>>
        %dma_start3A_1962 = tpu.memref_slice %arg7[%multiple_of3A_1957] : memref<25600xi32, #tpu.memory_space<vmem>> -> memref<104xi32, #tpu.memory_space<vmem>>
        %dma_start3A_1963 = arith.constant 0 : i32
        %dma_start3A_1964 = tpu.memref_slice %arg4[%dma_start3A_1963] : memref<1000000xf32, #tpu.memory_space<hbm>> -> memref<1000000xf32, #tpu.memory_space<hbm>>
        tpu.enqueue_indirect_dma source(%dma_start3A_1964 : memref<1000000xf32, #tpu.memory_space<hbm>>) target(%dma_start3A_1961 : memref<104xf32, #tpu.memory_space<vmem>>) offsets(%dma_start3A_1962 : memref<104xi32, #tpu.memory_space<vmem>>) semaphore(%arg19 : memref<!tpu.dma_semaphore, #tpu.memory_space<semaphore_mem>>)
        %add3A_1965 = arith.constant 104 : i32
        %add3A_1966 = arith.addi %multiple_of3A_1957, %add3A_1965 : i32
        %dma_start3A_1967 = arith.constant 7 : i32
        %dma_start3A_1968 = arith.constant 104 : i32
        %dma_start3A_1969 = tpu.memref_slice %arg10[%dma_start3A_1967, %dma_start3A_1968] : memref<8x208xf32, #tpu.memory_space<vmem>> -> memref<1x96xf32, #tpu.memory_space<vmem>>
        %dma_start3A_1970 = tpu.memref_squeeze %dma_start3A_1969 : memref<1x96xf32, #tpu.memory_space<vmem>> -> memref<96xf32, #tpu.memory_space<vmem>>
        %dma_start3A_1971 = tpu.memref_slice %arg7[%add3A_1966] : memref<25600xi32, #tpu.memory_space<vmem>> -> memref<96xi32, #tpu.memory_space<vmem>>
        %dma_start3A_1972 = arith.constant 0 : i32
        %dma_start3A_1973 = tpu.memref_slice %arg4[%dma_start3A_1972] : memref<1000000xf32, #tpu.memory_space<hbm>> -> memref<1000000xf32, #tpu.memory_space<hbm>>
        tpu.enqueue_indirect_dma source(%dma_start3A_1973 : memref<1000000xf32, #tpu.memory_space<hbm>>) target(%dma_start3A_1970 : memref<96xf32, #tpu.memory_space<vmem>>) offsets(%dma_start3A_1971 : memref<96xi32, #tpu.memory_space<vmem>>) semaphore(%arg19 : memref<!tpu.dma_semaphore, #tpu.memory_space<semaphore_mem>>)
      } else {
      }
      scf.yield %select_n3A_1940 : vector<16xf32>
    }
    %scan3A_155 = arith.constant 16 : i32
    "tpu.region"() ({
      %run_scoped3A = tpu.sem_alloc : memref<!tpu.dma_semaphore, #tpu.memory_space<semaphore_mem>>
      %dma_start3A_156 = tpu.memref_slice %arg6[%multiple_of3A] : memref<4096xf32, #tpu.memory_space<hbm>> -> memref<128xf32, #tpu.memory_space<hbm>>
      %dma_start3A_157 = tpu.memref_slice %arg6[%multiple_of3A] : memref<4096xf32, #tpu.memory_space<hbm>> -> memref<128xf32, #tpu.memory_space<hbm>>
      tpu.enqueue_dma source(%arg11 : memref<128xf32, #tpu.memory_space<vmem>>) target(%dma_start3A_157 : memref<128xf32, #tpu.memory_space<hbm>>) target_semaphore(%run_scoped3A : memref<!tpu.dma_semaphore, #tpu.memory_space<semaphore_mem>>)
      %dma_wait3A = tpu.memref_slice %arg6[%multiple_of3A] : memref<4096xf32, #tpu.memory_space<hbm>> -> memref<128xf32, #tpu.memory_space<hbm>>
      %dma_wait3A_158 = tpu.memref_slice %arg6[%multiple_of3A] : memref<4096xf32, #tpu.memory_space<hbm>> -> memref<128xf32, #tpu.memory_space<hbm>>
      tpu.wait_dma2 semaphore(%run_scoped3A : memref<!tpu.dma_semaphore, #tpu.memory_space<semaphore_mem>>) src(%arg11 : memref<128xf32, #tpu.memory_space<vmem>>) dst(%dma_wait3A_158 : memref<128xf32, #tpu.memory_space<hbm>>)
      tpu.yield
    }) : () -> ()
    return
  }
}

module attributes {stable_mosaic.version = 14 : i64} {
  func.func @_tv_body(%arg0: i32, %arg1: memref<1x64xf32, #tpu.memory_space<vmem>>, %arg2: memref<8192x64xf32, #tpu.memory_space<vmem>>, %arg3: memref<1x8192xf32, #tpu.memory_space<vmem>>) attributes {dimension_semantics = [#tpu.dimension_semantics<arbitrary>], iteration_bounds = array<i64: 123>, scalar_prefetch = 0 : i64, scratch_operands = 0 : i64, tpu.core_type = #tpu.core_type<tc>, window_params = [{pipeline_mode = #tpu.pipeline_mode<synchronous>, transform_indices = @transform_0, window_bounds = array<i64: 1, 64>}, {transform_indices = @transform_1, window_bounds = array<i64: 8192, 64>}, {transform_indices = @transform_2, window_bounds = array<i64: 1, 8192>}]} {
    %get3A = arith.constant 0 : index
    %get3A_0 = arith.constant 0 : index
    %get3A_1 = vector.load %arg1[%get3A, %get3A_0] : memref<1x64xf32, #tpu.memory_space<vmem>>, vector<1x64xf32>
    %get3A_2 = arith.constant 0 : index
    %get3A_3 = arith.constant 0 : index
    %get3A_4 = vector.load %arg2[%get3A_2, %get3A_3] : memref<8192x64xf32, #tpu.memory_space<vmem>>, vector<8192x64xf32>
    %dot_general3A = arith.constant dense<0.000000e+00> : vector<1x8192xf32>
    %dot_general3A_5 = tpu.matmul %get3A_1, %get3A_4, %dot_general3A {dimension_numbers = #tpu.dot_dimension_numbers<[1], [1], [0], [0], [0, 0, 1, 0], [], []>, transpose_lhs_hint = false} : vector<1x64xf32>, vector<8192x64xf32>, vector<1x8192xf32> -> vector<1x8192xf32>
    %swap3A = arith.constant 0 : index
    %swap3A_6 = arith.constant 0 : index
    %swap3A_7 = vector.load %arg3[%swap3A, %swap3A_6] : memref<1x8192xf32, #tpu.memory_space<vmem>>, vector<1x8192xf32>
    tpu.vector_store %arg3[%swap3A, %swap3A_6], %dot_general3A_5 {strides = array<i32>} : memref<1x8192xf32, #tpu.memory_space<vmem>>, vector<1x8192xf32>,
    return
  }
  func.func @transform_0(%arg0: i32) -> (i32, i32) {
    %c0_i32 = arith.constant 0 : i32
    %c0_i32_0 = arith.constant 0 : i32
    %c0_i32_1 = arith.constant 0 : i32
    return %c0_i32, %c0_i32_0 : i32, i32
  }
  func.func @transform_1(%arg0: i32) -> (i32, i32) {
    %c0_i32 = arith.constant 0 : i32
    %c0_i32_0 = arith.constant 0 : i32
    return %arg0, %c0_i32 : i32, i32
  }
  func.func @transform_2(%arg0: i32) -> (i32, i32) {
    %c0_i32 = arith.constant 0 : i32
    %c0_i32_0 = arith.constant 0 : i32
    return %c0_i32, %arg0 : i32, i32
  }
}

</mosaic_0001>

<sc_bundles>
// kernel: kernel.4.cloned.1.call-start
scs
__scs_entry_jumppad:
0x0: {  	(pc) =	sbr.rel $0x88, $3  }
0x1: {  	(tag) =	ssettag $0x0;
	lr =	simm.s32 $0x1  }
0x2: {  	[smem:$0x3F9C] =	sst lr;
	_ =	strace $0xD0000000  }
0x3: {  	_ = 	snop  }
0x4: {  	_ = 	snop  }
0x5: {  	_ = 	snop  }
0x6: {  	_ = 	snop  }
0x7: {  	_ = 	snop  }
__scs_overlays_trampoline_lowered:
0x8: {  	[smem:$0x3FAB] =	sst s0  }
0x9: {  	[smem:$0x3FAC] =	sst s1  }
0xa: {  	[smem:$0x3FAD] =	sst s2  }
0xb: {  	[smem:$0x3FAE] =	sst s3  }
0xc: {  	[smem:$0x3FAF] =	sst s4  }
0xd: {  	[smem:$0x3FB0] =	sst s5  }
0xe: {  	[smem:$0x3FB1] =	sst s6  }
0xf: {  	[smem:$0x3FB2] =	sst s7  }
0x10: {  	[smem:$0x3FB3] =	sst s8  }
0x11: {  	[smem:$0x3FB4] =	sst s9;
	s0 =	simm.s32 @!p0 $0x0  }
0x12: {  	s1 =	sld [smem:$0x3F9A];
	s0 =	simm.s32 @p0 $0x1  }
0x13: {  	[smem:$0x3FB5] =	sst s0;
	s0 =	simm.s32 @!p1 $0x0  }
0x14: {  	s2 =	sld [smem:$0x3F99];
	s0 =	simm.s32 @p1 $0x1  }
0x15: {  	[smem:$0x3FB6] =	sst s0;
	s0 =	simm.s32 @!p2 $0x0  }
0x16: {  	s3 =	sld [smem:$0x3FDB];
	s0 =	simm.s32 @p2 $0x1  }
0x17: {  	s4 =	simm.s32 $0x1BF5;
	[smem:$0x3FB8] =	sst s0  }
0x18: {  	s0 =	sld [smem:$0x3F9B];
	_ =	swait.ge [sflag:s4], $0x0  }
0x19: {  	s7 =	sld [smem:$0x3F9C]  }
0x1a: {  	s8 =	sadd.s32 $0xFFFFE003, lr  }
0x1b: {  	s9 =	sadd.s32 $0xFFFFFEF7, lr;
	s5 =	simm.s32 $0xFFFFFFFF;
	p2 =	slt.u32 s8, $0xFFFFF086  }
0x1c: {  	p1 =	slt.u32 s9, $0xF7A;
	s5 =	simm.s32 @!p2 $0x0  }
0x1d: {  	s5 =	simm.s32 @p1 $0x1;
	p0 =	seq.s32 s7, s2  }
0x1e: {  	s7 =	smul.u32 @!p0 $0xF7A, s2;
	p2 =	seq.s32 @!p0 s5, $0x0  }
0x1f: {  	s9 =	smul.u32 $0xF7A, s1;
	s8 =	simm.s32 @!p0 $0x1BF5;
	p2 =	por !p2, p0  }
0x20: {  	[sflag:s8] =	ssyncset.s32 @!p0 $0xFFFFF086;
	s6 =	sadd.s32 @!p0 s3, s7;
	s7 =	simm.s32 @!p0 $0x108  }
0x21: {  	s3 =	sadd.s32 s3, s9;
	s6 =	sadd.s32 @!p0 $0x88, s6;
	s7 =	simm.s32 @p2 $0x1082  }
0x22: {  	[simem:s7], [sflag:s8] =	dma.local @!p0 [hbm:s6], $0xF7A  }
0x23: {  	s9 =	sor.u32 $0xD0000000, s2;
	s6 =	simm.s32 $0x108;
	_ =	swait.ge @!p0 [sflag:s8], $0x0  }
0x24: {  	s3 =	sadd.s32 $0x88, s3;
	s6 =	simm.s32 @!p1 $0x1082;
	[sflag:s4] =	ssyncset.s32 $0xFFFFF086  }
0x25: {  	[simem:s6], [sflag:s4] =	dma.local [hbm:s3], $0xF7A  }
0x26: {  	[smem:$0x3F9C] =	sst s1;
	(tag) =	ssettag s2;
	_ =	strace s9  }
0x27: {  	s1 =	sld [smem:$0x3FAC]  }
0x28: {  	s2 =	sld [smem:$0x3FAD]  }
0x29: {  	s4 =	sld [smem:$0x3FAF]  }
0x2a: {  	p0 =	seq.s32 s5, $0x0;
	s5 =	sld [smem:$0x3FB0]  }
0x2b: {  	s6 =	sld [smem:$0x3FB1]  }
0x2c: {  	s7 =	sld [smem:$0x3FB2]  }
0x2d: {  	s3 =	simm.s32 $0x108;
	s8 =	sld [smem:$0x3FB3]  }
0x2e: {  	s3 =	simm.s32 @!p0 $0x1082;
	s9 =	sld [smem:$0x3FB4]  }
0x2f: {  	lr =	sadd.s32 s0, s3;
	s0 =	sld [smem:$0x3FAB]  }
0x30: {  	s3 =	sld [smem:$0x3FAE]  }
0x31: {  	[smem:$0x3FB7] =	sst s10  }
0x32: {  	s10 =	sld [smem:$0x3FB5];
	_ =	sdelay $0x3  }
0x33: {  	p0 =	seq.s32 s10, $0x1;
	s10 =	sld [smem:$0x3FB7];
	_ =	sdelay $0x3  }
0x34: {  	[smem:$0x3FB7] =	sst s10  }
0x35: {  	s10 =	sld [smem:$0x3FB6];
	_ =	sdelay $0x3  }
0x36: {  	p1 =	seq.s32 s10, $0x1;
	s10 =	sld [smem:$0x3FB7];
	_ =	sdelay $0x3  }
0x37: {  	[smem:$0x3FB7] =	sst s10  }
0x38: {  	s10 =	sld [smem:$0x3FB8]  }
0x39: {  	_ = 	snop;
	(pc) =	sbr.ind lr, $3  }
0x3a: {  	_ = 	snop  }
0x3b: {  	_ = 	snop  }
0x3c: {  	p2 =	seq.s32 s10, $0x1;
	s10 =	sld [smem:$0x3FB7]  }
0x3d: {  	_ =	shalt  }
0x3e: {  	_ =	shalt  }
0x3f: {  	_ =	shalt  }
0x40: {  	_ =	shalt  }
0x41: {  	_ =	shalt  }
0x42: {  	_ =	shalt  }
0x43: {  	_ =	shalt  }
0x44: {  	_ =	shalt  }
0x45: {  	_ =	shalt  }
0x46: {  	_ =	shalt  }
0x47: {  	_ =	shalt  }
0x48: {  	_ =	shalt  }
0x49: {  	_ =	shalt  }
0x4a: {  	_ =	shalt  }
0x4b: {  	_ =	shalt  }
0x4c: {  	_ =	shalt  }
0x4d: {  	_ =	shalt  }
0x4e: {  	_ =	shalt  }
0x4f: {  	_ =	shalt  }
0x50: {  	_ =	shalt  }
0x51: {  	_ =	shalt  }
0x52: {  	_ =	shalt  }
0x53: {  	_ =	shalt  }
0x54: {  	_ =	shalt  }
0x55: {  	_ =	shalt  }
0x56: {  	_ =	shalt  }
0x57: {  	_ =	shalt  }
0x58: {  	_ =	shalt  }
0x59: {  	_ =	shalt  }
0x5a: {  	_ =	shalt  }
0x5b: {  	_ =	shalt  }
0x5c: {  	_ =	shalt  }
0x5d: {  	_ =	shalt  }
0x5e: {  	_ =	shalt  }
0x5f: {  	_ =	shalt  }
0x60: {  	_ =	shalt  }
0x61: {  	_ =	shalt  }
0x62: {  	_ =	shalt  }
0x63: {  	_ =	shalt  }
0x64: {  	_ =	shalt  }
0x65: {  	_ =	shalt  }
0x66: {  	_ =	shalt  }
0x67: {  	_ =	shalt  }
0x68: {  	_ =	shalt  }
0x69: {  	_ =	shalt  }
0x6a: {  	_ =	shalt  }
0x6b: {  	_ =	shalt  }
0x6c: {  	_ =	shalt  }
0x6d: {  	_ =	shalt  }
0x6e: {  	_ =	shalt  }
0x6f: {  	_ =	shalt  }
0x70: {  	_ =	shalt  }
0x71: {  	_ =	shalt  }
0x72: {  	_ =	shalt  }
0x73: {  	_ =	shalt  }
0x74: {  	_ =	shalt  }
0x75: {  	_ =	shalt  }
0x76: {  	_ =	shalt  }
0x77: {  	_ =	shalt  }
0x78: {  	_ =	shalt  }
0x79: {  	_ =	shalt  }
0x7a: {  	_ =	shalt  }
0x7b: {  	_ =	shalt  }
0x7c: {  	_ =	shalt  }
0x7d: {  	_ =	shalt  }
0x7e: {  	_ =	shalt  }
0x7f: {  	_ =	shalt  }
0x80: {  	_ =	shalt  }
0x81: {  	_ =	shalt  }
0x82: {  	_ =	shalt  }
0x83: {  	_ =	shalt  }
0x84: {  	_ =	shalt  }
0x85: {  	_ =	shalt  }
0x86: {  	_ =	shalt  }
0x87: {  	_ =	shalt  }
.Lfunc_end0:
.L_simem_size_0:
called_computation_lowered:
.L_overlay_start_0:
0x88: {  	s2 =	sld [smem:$0x3FD9]  }
0x89: {  	s3 =	sld [smem:$0x3FFE];
	_ =	sdelay $0x1  }
0x8a: {  	s1 =	srdreg.scid  }
0x8b: {  	s0 =	sand.u32 $0x1, s1  }
0x8c: {  	s17 =	sshll.u32 s0, $0xA;
	s2 =	sadd.s32 s3, s2  }
0x8d: {  	s2 =	sadd.s32 s2, s17  }
0x8e: {  	[smem:$0x3FC3] =	sst s2  }
0x8f: {  	_ = 	snop  }
0x90: {  	s2 =	sld [smem:$0x3FC8]  }
0x91: {  	s18 =	sld [smem:$0x3FD0];
	(tm) =	ssettm $0x1  }
0x92: {  	s4 =	sld [smem:$0x3FFB];
	_ =	sdelay $0x3  }
0x93: {  	_ =	strace s4  }
0x94: {  	s4 =	sld [smem:$0x3FFC];
	_ =	sdelay $0x3  }
0x95: {  	_ =	strace s4  }
0x96: {  	s4 =	sld [smem:$0x3FFD];
	_ =	sdelay $0x3  }
0x97: {  	_ =	strace s4  }
0x98: {  	_ =	strace $0x8FFFFFFF  }
0x99: {  	s19 =	sld [smem:$0x3FDB];
	_ =	sdelay $0x1  }
0x9a: {  	s5 =	simm.s32 $_scs_section_size  }
0x9b: {  	s6 =	simm.s32 $_size__tile_overlayer_lowered;
	s7 =	simm.s32 $_tile_overlayer_lowered  }
0x9c: {  	s22 =	simm.s32 $0x1BFF;
	s21 =	sshll.u32 s7, $0x1;
	s4 =	sadd.s32 s5, s19  }
0x9d: {  	s8 =	simm.s32 $0x0;
	s20 =	sshll.u32 s6, $0x1;
	s6 =	sadd.s32 s21, s4  }
0x9e: {  	[timem:s8], [sflag:s22] =	dma.local [hbm:s6], s20  }
0x9f: {  	_ =	swait.ge [sflag:s22], s20  }
0xa0: {  	s5 =	ssub.s32 $0x0, s20;
	[sflag:s22] =	ssyncset.done $0x0  }
0xa1: {  	[sflag:s22] =	ssyncadd.s32 s5;
	_ =	sdelay $0x1  }
0xa2: {  	s23 =	simm.s32 $0x1B8B  }
0xa3: {  	_ =	swait.ge [sflag:s23], $0x1  }
0xa4: {  	[sflag:s23] =	ssyncset.done $0x0  }
0xa5: {  	s25 =	simm.s32 $0x1B8E;
	s24 =	sld [smem:$0x3FFE];
	[sflag:s23] =	ssyncadd.s32 $0xFFFFFFFF  }
0xa6: {  	s26 =	simm.s32 $execute0_lowered;
	[smem:$0x3FD2] =	sst s25  }
0xa7: {  	s6 =	sshll.u32 s26, $0x1;
	_ =	strace $0x80000046;
	[dreg:$0x1] =	wrdreg $0xFFFFFFFF  }
0xa8: {  	s28 =	simm.s32 $_size_execute0_lowered;
	s4 =	sadd.s32 s4, s6;
	[dreg:$0x0] =	wrdreg $0x0  }
0xa9: {  	s6 =	sshll.u32 s28, $0x1;
	[dreg:$0x2] =	wrdreg s4  }
0xaa: {  	[dreg:$0x3] =	wrdreg s6  }
0xab: {  	[dreg:$0x4] =	wrdreg $0xC0  }
0xac: {  	_ =	task [dreg:s8], $0x5FFFF  }
0xad: {  	[dreg:$0x1] =	wrdreg $0xFFFFFFFF  }
0xae: {  	[dreg:$0x0] =	wrdreg $0x60  }
0xaf: {  	[dreg:$0x2] =	wrdreg s24  }
0xb0: {  	[dreg:$0x3] =	wrdreg s2  }
0xb1: {  	[dreg:$0x4] =	wrdreg s18  }
0xb2: {  	[dreg:$0x5] =	wrdreg $0x9  }
0xb3: {  	_ =	task.clear_ibuf [dreg:s8], $0x6FFFF;
	_ =	strace $0x90000046  }
0xb4: {  	s29 =	simm.s32 $0x9;
	_ =	strace $0x80000048  }
0xb5: {  	_ =	swait.ge [sflag:s29], $0x1  }
0xb6: {  	[sflag:s29] =	ssyncadd.s32 $0xFFFFFFFF  }
0xb7: {  	_ =	strace $0x90000048  }
0xb8: {  	_ =	sfence  }
0xb9: {  	s30 =	sld [smem:$0x0];
	_ =	sdelay $0x2  }
0xba: {  	s31 =	sshll.u32 s1, $0xD;
	s1 =	sshrl.u32 s1, $0x2  }
0xbb: {  	s3 =	sand.u32 $0x4000, s31;
	s1 =	sadd.s32 s1, s30  }
0xbc: {  	s0 =	sor.u32 s3, s0;
	s1 =	sshll.u32 s1, $0x11  }
0xbd: {  	s0 =	sor.u32 s1, s0  }
0xbe: {  	s0 =	sadd.s32 $0x8F2B, s0  }
0xbf: {  	[sflag:s0] =	ssyncadd.remote.s32 $0x1  }
0xc0: {  	_ =	sfence.sel $0xFFFF  }
0xc1: {  	[dreg:$0x0] =	wrdreg $0xFFFFFFFF;
	(pc) =	sbr.abs _section_cstart, $3  }
0xc2: {  	[dreg:$0x1] =	wrdreg $0xFFFFFFFF  }
0xc3: {  	_ =	task.clear_ibuf [dreg:s8], $0x2FFFF;
	_ =	strace $0x9FFFFFFF  }
0xc4: {  	(tm) =	ssettm $0x7FFFFFFF  }
0xc5: {  	_ =	shalt  }
tec
execute0_lowered:
.L_overlay_start_1:
0x0: {  	(tag) =	ssettag $0x1  }
0x1: {  	s1 =	rddreg [dreg:$0x0];
	s11 =	simm.s32 $0x68;
	v0 =	vlaneseq.u32;
	v7 =	vimm.s32 $0xFEDCBA98;
	v9 =	vimm.s32 $0x76543210  }
0x2: {  	s0 =	srdreg.scid;
	s6 =	rddreg [dreg:$0x1];
	v12 =	vimm.s32 $0xBA98FEDC;
	v13 =	vimm.s32 $0x32107654;
	v14 =	vimm.s32 $0xDCFE98BA  }
0x3: {  	s2 =	stileid.u32;
	s7 =	rddreg [dreg:$0x2];
	v15 =	vimm.s32 $0x54761032;
	v16 =	vimm.s32 $0x67452301;
	v1 =	vor.u32 $0x10, v0  }
0x4: {  	s24 =	simm.s32 $0x60;
	s19 =	simm.s32 $0x6A40;
	s21 =	simm.s32 $0x6AA8;
	v2 =	vor.u32 $0x20, v0;
	v3 =	vor.u32 $0x30, v0;
	v10 =	vunpack.c.l.s4.s8 v7  }
0x5: {  	s22 =	simm.s32 $0x1;
	s23 =	simm.s32 $0x2;
	s28 =	simm.s32 $0x5;
	v4 =	vor.u32 $0x40, v0;
	v5 =	vor.u32 $0x50, v0;
	v11 =	vunpack.c.l.s4.s8 v9  }
0x6: {  	s29 =	simm.s32 $0x6;
	s30 =	simm.s32 $0x7;
	s0 =	sand.u32 $0x1, s0;
	v6 =	vor.u32 $0x60, v0;
	v7 =	vor.u32 $0x70, v0;
	v10 =	vunpack.c.0.s8.s32 v10  }
0x7: {  	s31 =	simm.s32 $0x8;
	s2 =	sshll.u32 s2, $0x8;
	v8 =	vor.u32 $0x80, v0;
	v13 =	vunpack.c.l.s4.s8 v13;
	s3 =	sshll.u32 s0, $0x7;
	v11 =	vunpack.c.0.s8.s32 v11  }
0x8: {  	s4 =	sadd.s32 $0x1EE00, s1;
	v14 =	vunpack.c.l.s4.s8 v14;
	v15 =	vunpack.c.l.s4.s8 v15;
	s0 =	ssub.s32 $0x2, s0;
	s8 =	sor.u32 s3, s2;
	v10 =	vand.u32 $0xF, v10  }
0x9: {  	s2 =	simm.s32 $0x0;
	s25 =	sshrl.u32 s0, $0x1;
	s3 =	smul.u32 $0x19, s8;
	v10 =	vcombine.low v10, v11;
	v11 =	vunpack.c.l.s4.s8 v12;
	v12 =	vimm.s32 $0xEFCDAB89  }
.Ltmp0:
0xa: {  	v9 =	vor.u32 $0x90, v0;
	v16 =	vunpack.c.l.s4.s8 v16;
	[smem:$0x7FF] =	sst s2;
	s0 =	ssub.s32 s0, s25;
	v12 =	vunpack.c.l.s4.s8 v12;
	(pc) =	sbr.rel .LBB2_1-.Ltmp0, $4  }
0xb: {  	v13 =	vunpack.c.0.s8.s32 v13;
	v14 =	vunpack.c.0.s8.s32 v14;
	v15 =	vunpack.c.0.s8.s32 v15;
	s26 =	sshrl.u32 s8, $0x3;
	s8 =	simm.s32 $0x9;
	s25 =	simm.s32 $0x3  }
0xc: {  	v16 =	vunpack.c.0.s8.s32 v16;
	_ =	strace $0x80000047;
	s6 =	sadd.s32 s6, s26;
	s7 =	sadd.s32 s7, s26;
	v17 =	vunpack.c.0.s8.s32 v11;
	v18 =	vunpack.c.0.s8.s32 v12  }
0xd: {  	s15 =	smax.u32 s0, $0x1;
	s26 =	simm.s32 $0x4;
	v14 =	vcombine.low v15, v14;
	v15 =	vor.u32 $0xC0, v0;
	s5 =	sadd.s32 s3, s1;
	v11 =	vor.u32 $0xA0, v0  }
0xe: {  	s0 =	simm.s32 $0x0;
	s3 =	sadd.s32 $0x400, s1;
	s5 =	sadd.s32 $0xF42800, s5;
	v12 =	vcombine.low v13, v17;
	v13 =	vor.u32 $0xB0, v0;
	v16 =	vcombine.low v16, v18  }
.LBB2_4:
0xf: {  	s0 =	sadd.s32 $0x1, s0  }
0x10: {  	p0 =	sne.s32 s0, s15  }
.Ltmp1:
0x11: {  	s1 =	simm.s32 $0x6B10;
	(pc) =	sbr.rel @!p0 .LBB2_5-.Ltmp1, $4  }
0x12: {  	[hbm4b:s7+s2] =	stream.linear.scatter [tilespmem:s1], [sflag:$0x9], $0x80, $0x38;
	[tilespmem:$0x6B90] =	vst v63  }
0x13: {  	_ =	swait.ge [sflag:s8], $0x80  }
0x14: {  	[sflag:s8] =	ssyncset.done $0x0  }
0x15: {  	[sflag:s8] =	ssyncadd.s32 $0xFFFFFF80  }
.LBB2_1:
0x16: {  	[tilespmem:s2], [sflag:$0x9] =	stream.linear.gather [hbm4b:s5+s2], $0x6400, $0x38;
	[tilespmem:$0x6B90] =	vst v63  }
0x17: {  	_ =	swait.ge [sflag:s8], $0x6400  }
0x18: {  	[sflag:s8] =	ssyncset.done $0x0  }
0x19: {  	s1 =	simm.s32 $0x6400;
	[sflag:s8] =	ssyncadd.s32 $0xFFFF9C00  }
0x1a: {  	[tilespmem:s1], [sflag:$0x9] =	stream.linear.gather [hbm4b:s6+s2], $0x80, $0x38;
	[tilespmem:$0x6B90] =	vst v63  }
0x1b: {  	_ =	swait.ge [sflag:s8], $0x80  }
0x1c: {  	[sflag:s8] =	ssyncset.done $0x0  }
0x1d: {  	s16 =	simm.s32 $0x6480;
	[sflag:s8] =	ssyncadd.s32 $0xFFFFFF80  }
0x1e: {  	[tilespmem:s16], [sflag:$0x9] =	stream.linear.gather [hbm4b:s4+s2], $0x10, $0x38;
	[tilespmem:$0x6B90] =	vst v63  }
0x1f: {  	_ =	swait.ge [sflag:s8], $0x10  }
0x20: {  	[sflag:s8] =	ssyncset.done $0x0  }
0x21: {  	s17 =	simm.s32 $0x6490;
	[sflag:s8] =	ssyncadd.s32 $0xFFFFFFF0  }
0x22: {  	v17 =	vld [tilespmem:$0x6480];
	[tilespmem:s17], [sflag:$0x1] =	stream.indirect.gather [hbm4b:s3+s11], $0x1, s2, s11, $0xb8  }
0x23: {  	s18 =	simm.s32 $0x64F8  }
0x24: {  	[tilespmem:s18], [sflag:$0x1] =	stream.indirect.gather [hbm4b:s3+s24], $0x1, s11, s24, $0xb8;
	[tilespmem:$0x6B90] =	vst v63  }
0x25: {  	s20 =	simm.s32 $0xC8;
	s9 =	simm.s32 $0x6560  }
0x26: {  	[tilespmem:s9], [sflag:$0x2] =	stream.indirect.gather [hbm4b:s3+s11], $0x1, s20, s11, $0xb8;
	[tilespmem:$0x6B90] =	vst v63  }
0x27: {  	s10 =	simm.s32 $0x130;
	s12 =	simm.s32 $0x65C8  }
0x28: {  	[tilespmem:s12], [sflag:$0x2] =	stream.indirect.gather [hbm4b:s3+s24], $0x1, s10, s24, $0xb8;
	[tilespmem:$0x6B90] =	vst v63  }
0x29: {  	s13 =	simm.s32 $0x190;
	s14 =	simm.s32 $0x6630  }
0x2a: {  	[tilespmem:s14], [sflag:$0x3] =	stream.indirect.gather [hbm4b:s3+s11], $0x1, s13, s11, $0xb8;
	[tilespmem:$0x6B90] =	vst v63  }
0x2b: {  	s16 =	simm.s32 $0x1F8;
	s17 =	simm.s32 $0x6698  }
0x2c: {  	[tilespmem:s17], [sflag:$0x3] =	stream.indirect.gather [hbm4b:s3+s24], $0x1, s16, s24, $0xb8;
	[tilespmem:$0x6B90] =	vst v63  }
0x2d: {  	s18 =	simm.s32 $0x258;
	s20 =	simm.s32 $0x6700  }
0x2e: {  	[tilespmem:s20], [sflag:$0x4] =	stream.indirect.gather [hbm4b:s3+s11], $0x1, s18, s11, $0xb8;
	[tilespmem:$0x6B90] =	vst v63  }
0x2f: {  	s10 =	simm.s32 $0x2C0;
	s12 =	simm.s32 $0x6768  }
0x30: {  	[tilespmem:s12], [sflag:$0x4] =	stream.indirect.gather [hbm4b:s3+s24], $0x1, s10, s24, $0xb8;
	[tilespmem:$0x6B90] =	vst v63  }
0x31: {  	s13 =	simm.s32 $0x320;
	s14 =	simm.s32 $0x67D0  }
0x32: {  	[tilespmem:s14], [sflag:$0x5] =	stream.indirect.gather [hbm4b:s3+s11], $0x1, s13, s11, $0xb8;
	[tilespmem:$0x6B90] =	vst v63  }
0x33: {  	s16 =	simm.s32 $0x388;
	s17 =	simm.s32 $0x6838  }
0x34: {  	[tilespmem:s17], [sflag:$0x5] =	stream.indirect.gather [hbm4b:s3+s24], $0x1, s16, s24, $0xb8;
	[tilespmem:$0x6B90] =	vst v63  }
0x35: {  	s18 =	simm.s32 $0x3E8;
	s20 =	simm.s32 $0x68A0  }
0x36: {  	[tilespmem:s20], [sflag:$0x6] =	stream.indirect.gather [hbm4b:s3+s11], $0x1, s18, s11, $0xb8;
	[tilespmem:$0x6B90] =	vst v63  }
0x37: {  	s10 =	simm.s32 $0x450;
	s12 =	simm.s32 $0x6908  }
0x38: {  	[tilespmem:s12], [sflag:$0x6] =	stream.indirect.gather [hbm4b:s3+s24], $0x1, s10, s24, $0xb8;
	[tilespmem:$0x6B90] =	vst v63  }
0x39: {  	s13 =	simm.s32 $0x4B0;
	s14 =	simm.s32 $0x6970  }
0x3a: {  	[tilespmem:s14], [sflag:$0x7] =	stream.indirect.gather [hbm4b:s3+s11], $0x1, s13, s11, $0xb8;
	[tilespmem:$0x6B90] =	vst v63  }
0x3b: {  	s16 =	simm.s32 $0x518;
	s17 =	simm.s32 $0x69D8  }
0x3c: {  	[tilespmem:s17], [sflag:$0x7] =	stream.indirect.gather [hbm4b:s3+s24], $0x1, s16, s24, $0xb8;
	[tilespmem:$0x6B90] =	vst v63  }
0x3d: {  	s18 =	simm.s32 $0x578  }
0x3e: {  	[tilespmem:s19], [sflag:$0x8] =	stream.indirect.gather [hbm4b:s3+s11], $0x1, s18, s11, $0xb8;
	[tilespmem:$0x6B90] =	vst v63  }
0x3f: {  	s9 =	simm.s32 $0x0;
	s20 =	simm.s32 $0x5E0;
	s10 =	simm.s32 $0x0  }
0x40: {  	v20 =	vimm.f32 $0.0e+00;
	[tilespmem:s21], [sflag:$0x8] =	stream.indirect.gather [hbm4b:s3+s24], $0x1, s20, s24, $0xb8;
	[tilespmem:$0x6B90] =	vst v63  }
.LBB2_2:
0x41: {  	_ =	swait.ge [sflag:s22], $0xC8  }
0x42: {  	[sflag:s22] =	ssyncset.done $0x0  }
0x43: {  	s12 =	sand.u32 $0x70, s9;
	[sflag:s22] =	ssyncadd.s32 $0xFFFFFF38  }
0x44: {  	v19 =	vld [tilespmem:s12+$0x6400]  }
0x45: {  	v21 =	vld [tilespmem:$0x6490]  }
0x46: {  	v22 =	vld [tilespmem:$0x64A0]  }
0x47: {  	v24 =	vld [tilespmem:$0x64B0]  }
0x48: {  	v37 =	vld [tilespmem:$0x64C0]  }
0x49: {  	v40 =	vld [tilespmem:$0x64D0]  }
0x4a: {  	v42 =	vld [tilespmem:$0x64E0]  }
0x4b: {  	v43 =	vld [tilespmem:$0x64F0]  }
0x4c: {  	v44 =	vld [tilespmem:$0x6500]  }
0x4d: {  	v45 =	vld [tilespmem:$0x6510]  }
0x4e: {  	p0 =	seq.s32 s10, $0x17700;
	v46 =	vld [tilespmem:$0x6520]  }
0x4f: {  	s14 =	sshra.s32 @!p0 s10, $0x2;
	v48 =	vld [tilespmem:$0x6530]  }
0x50: {  	s17 =	simm.s32 @!p0 $0x68;
	s16 =	simm.s32 @!p0 $0x6490;
	s13 =	sadd.s32 @!p0 $0x640, s14;
	v36 =	vld [tilespmem:$0x6540]  }
0x51: {  	v31 =	vld [tilespmem:$0x6550];
	[tilespmem:s16], [sflag:$0x1] =	stream.indirect.gather @!p0 [hbm4b:s3+s17], $0x1, s13, s17, $0xb8  }
0x52: {  	s18 =	simm.s32 @!p0 $0x64F8;
	s13 =	sadd.s32 @!p0 $0x6A8, s14;
	s16 =	simm.s32 @!p0 $0x60  }
0x53: {  	[tilespmem:s18], [sflag:$0x1] =	stream.indirect.gather @!p0 [hbm4b:s3+s16], $0x1, s13, s16, $0xb8;
	[tilespmem:$0x6B90] =	vst v63  }
0x54: {  	_ =	swait.ge [sflag:s23], $0xC8  }
0x55: {  	[sflag:s23] =	ssyncset.done $0x0  }
0x56: {  	[sflag:s23] =	ssyncadd.s32 $0xFFFFFF38  }
0x57: {  	v47 =	vld [tilespmem:s12+$0x6400]  }
0x58: {  	v49 =	vld [tilespmem:$0x6560]  }
0x59: {  	v50 =	vld [tilespmem:$0x6570]  }
0x5a: {  	v51 =	vld [tilespmem:$0x6580]  }
0x5b: {  	v52 =	vld [tilespmem:$0x6590]  }
0x5c: {  	v53 =	vld [tilespmem:$0x65A0]  }
0x5d: {  	v54 =	vld [tilespmem:$0x65B0]  }
0x5e: {  	v55 =	vld [tilespmem:$0x65C0]  }
0x5f: {  	v56 =	vld [tilespmem:$0x65D0]  }
0x60: {  	v57 =	vld [tilespmem:$0x65E0]  }
0x61: {  	v58 =	vld [tilespmem:$0x65F0]  }
0x62: {  	v41 =	vld [tilespmem:$0x6600]  }
0x63: {  	s13 =	sadd.s32 @!p0 $0x708, s14;
	s18 =	simm.s32 @!p0 $0x6560;
	v39 =	vld [tilespmem:$0x6610]  }
0x64: {  	v18 =	vld [tilespmem:$0x6620];
	[tilespmem:s18], [sflag:$0x2] =	stream.indirect.gather @!p0 [hbm4b:s3+s17], $0x1, s13, s17, $0xb8  }
0x65: {  	s13 =	sadd.s32 @!p0 $0x770, s14;
	s18 =	simm.s32 @!p0 $0x65C8  }
0x66: {  	[tilespmem:s18], [sflag:$0x2] =	stream.indirect.gather @!p0 [hbm4b:s3+s16], $0x1, s13, s16, $0xb8;
	[tilespmem:$0x6B90] =	vst v63  }
0x67: {  	_ =	swait.ge [sflag:s25], $0xC8  }
0x68: {  	[sflag:s25] =	ssyncset.done $0x0  }
0x69: {  	[sflag:s25] =	ssyncadd.s32 $0xFFFFFF38  }
0x6a: {  	v38 =	vld [tilespmem:s12+$0x6400]  }
0x6b: {  	v35 =	vld [tilespmem:$0x6630]  }
0x6c: {  	v33 =	vld [tilespmem:$0x6640]  }
0x6d: {  	s13 =	sand.u32 $0x8, s9;
	v32 =	vld [tilespmem:$0x6650]  }
0x6e: {  	v25 =	vmov s13;
	v29 =	vld [tilespmem:$0x6660]  }
0x6f: {  	v59 =	vperm.xlane v19, v25;
	v19 =	vld [tilespmem:$0x6670]  }
0x70: {  	v21 =	vadd.f32 $0.0e+00, v21;
	v23 =	vld [tilespmem:$0x6680]  }
0x71: {  	vm0 =	vgt.s32 v59, v0;
	vm1 =	vgt.s32 v59, v1;
	v34 =	vld [tilespmem:$0x6690]  }
0x72: {  	v30 =	vld [tilespmem:$0x66A0];
	v21 =	vnsel vm0, $0x0, v21;
	v22 =	vnsel vm1, $0x0, v22  }
0x73: {  	vm15 =	vgt.s32 v59, v2;
	v28 =	vld [tilespmem:$0x66B0];
	v21 =	vadd.f32 v22, v21  }
0x74: {  	v27 =	vld [tilespmem:$0x66C0];
	v22 =	vnsel vm15, $0x0, v24  }
0x75: {  	vm4 =	vgt.s32 v59, v3;
	v26 =	vld [tilespmem:$0x66D0];
	v21 =	vadd.f32 v22, v21  }
0x76: {  	s1 =	simm.s32 @!p0 $0x6630;
	s20 =	sadd.s32 @!p0 $0x7D0, s14;
	s18 =	sor.u32 $0x1, s13;
	v24 =	vld [tilespmem:$0x66E0];
	v22 =	vnsel vm4, $0x0, v37  }
0x77: {  	vm5 =	vgt.s32 v59, v4;
	v37 =	vadd.f32 v22, v21;
	v22 =	vld [tilespmem:$0x66F0];
	[tilespmem:s1], [sflag:$0x3] =	stream.indirect.gather @!p0 [hbm4b:s3+s17], $0x1, s20, s17, $0xb8  }
0x78: {  	vm6 =	vgt.s32 v59, v5;
	v40 =	vnsel vm5, $0x0, v40;
	v21 =	vmov s18;
	s1 =	sadd.s32 @!p0 $0x838, s14;
	s18 =	simm.s32 @!p0 $0x6698  }
0x79: {  	vm9 =	vgt.s32 v59, v6;
	v60 =	vperm.xlane v47, v21;
	v37 =	vadd.f32 v40, v37;
	[tilespmem:s18], [sflag:$0x3] =	stream.indirect.gather @!p0 [hbm4b:s3+s16], $0x1, s1, s16, $0xb8;
	[tilespmem:$0x6B90] =	vst v63  }
0x7a: {  	vm11 =	vgt.s32 v59, v7;
	v63 =	vnsel vm6, $0x0, v42;
	v47 =	vadd.f32 $0.0e+00, v49;
	_ =	swait.ge [sflag:s26], $0xC8  }
0x7b: {  	vm7 =	vgt.s32 v60, v0;
	vm8 =	vgt.s32 v60, v1;
	v37 =	vadd.f32 v63, v37;
	[sflag:s26] =	ssyncset.done $0x0  }
0x7c: {  	v43 =	vnsel vm9, $0x0, v43;
	v49 =	vnsel vm7, $0x0, v47;
	v50 =	vnsel vm8, $0x0, v50;
	[sflag:s26] =	ssyncadd.s32 $0xFFFFFF38  }
0x7d: {  	vm10 =	vgt.s32 v60, v2;
	v40 =	vadd.f32 v50, v49;
	v37 =	vadd.f32 v43, v37;
	v61 =	vld [tilespmem:s12+$0x6400]  }
0x7e: {  	vm13 =	vgt.s32 v59, v8;
	v51 =	vnsel vm10, $0x0, v51;
	v47 =	vnsel vm11, $0x0, v44;
	v62 =	vld [tilespmem:$0x6700]  }
0x7f: {  	vm12 =	vgt.s32 v60, v3;
	v63 =	vld [tilespmem:$0x6710];
	v40 =	vadd.f32 v51, v40;
	v37 =	vadd.f32 v47, v37  }
0x80: {  	vm15 =	vgt.s32 v59, v9;
	v49 =	vnsel vm12, $0x0, v52;
	v50 =	vnsel vm13, $0x0, v45;
	v52 =	vld [tilespmem:$0x6720]  }
0x81: {  	vm14 =	vgt.s32 v60, v4;
	v43 =	vld [tilespmem:$0x6770];
	v40 =	vadd.f32 v49, v40;
	v37 =	vadd.f32 v50, v37  }
0x82: {  	vm5 =	vgt.s32 v59, v11;
	v45 =	vnsel vm14, $0x0, v53;
	v42 =	vld [tilespmem:$0x6780];
	v47 =	vnsel vm15, $0x0, v46  }
0x83: {  	vm4 =	vgt.s32 v60, v5;
	v46 =	vld [tilespmem:$0x6760];
	v40 =	vadd.f32 v45, v40;
	v37 =	vadd.f32 v47, v37  }
0x84: {  	vm6 =	vgt.s32 v60, v6;
	v53 =	vnsel vm5, $0x0, v48;
	v51 =	vnsel vm4, $0x0, v54;
	v49 =	vld [tilespmem:$0x6740]  }
0x85: {  	vm7 =	vgt.s32 v59, v13;
	v50 =	vld [tilespmem:$0x6730];
	v40 =	vadd.f32 v51, v40;
	v37 =	vadd.f32 v53, v37  }
0x86: {  	vm9 =	vgt.s32 v59, v15;
	v36 =	vnsel vm7, $0x0, v36;
	v54 =	vnsel vm6, $0x0, v55;
	v47 =	vld [tilespmem:$0x6750]  }
0x87: {  	vm8 =	vgt.s32 v60, v7;
	v55 =	vadd.f32 v54, v40;
	v40 =	vld [tilespmem:$0x6790];
	v36 =	vadd.f32 v36, v37  }
0x88: {  	v31 =	vnsel vm9, $0x0, v31;
	v56 =	vnsel vm8, $0x0, v56;
	v37 =	vld [tilespmem:$0x67A0]  }
0x89: {  	s1 =	sadd.s32 @!p0 $0x898, s14;
	s18 =	simm.s32 @!p0 $0x6700;
	vm10 =	vgt.s32 v60, v8;
	v44 =	vadd.f32 v56, v55;
	v59 =	vadd.f32 v31, v36;
	v36 =	vld [tilespmem:$0x67B0]  }
0x8a: {  	v54 =	vnsel vm10, $0x0, v57;
	v31 =	vld [tilespmem:$0x67C0];
	[tilespmem:s18], [sflag:$0x4] =	stream.indirect.gather @!p0 [hbm4b:s3+s17], $0x1, s1, s17, $0xb8  }
0x8b: {  	vm11 =	vgt.s32 v60, v9;
	s1 =	sadd.s32 @!p0 $0x900, s14;
	s18 =	simm.s32 @!p0 $0x6768;
	v44 =	vadd.f32 v54, v44;
	v55 =	vperm.xlane v59, v10  }
0x8c: {  	v56 =	vnsel vm11, $0x0, v58;
	[tilespmem:s18], [sflag:$0x4] =	stream.indirect.gather @!p0 [hbm4b:s3+s16], $0x1, s1, s16, $0xb8;
	[tilespmem:$0x6B90] =	vst v63  }
0x8d: {  	vm12 =	vgt.s32 v60, v11;
	v44 =	vadd.f32 v56, v44;
	_ =	swait.ge [sflag:s28], $0xC8;
	v45 =	vadd.f32 v59, v55  }
0x8e: {  	v41 =	vnsel vm12, $0x0, v41;
	[sflag:s28] =	ssyncset.done $0x0  }
0x8f: {  	vm13 =	vgt.s32 v60, v13;
	v41 =	vadd.f32 v41, v44;
	[sflag:s28] =	ssyncadd.s32 $0xFFFFFF38;
	v57 =	vperm.xlane v45, v12  }
0x90: {  	v39 =	vnsel vm13, $0x0, v39;
	v51 =	vld [tilespmem:$0x67D0]  }
0x91: {  	vm14 =	vgt.s32 v60, v15;
	v39 =	vadd.f32 v39, v41;
	v58 =	vadd.f32 v45, v57  }
0x92: {  	v18 =	vnsel vm14, $0x0, v18;
	s18 =	sor.u32 $0x2, s13  }
0x93: {  	v39 =	vadd.f32 v18, v39;
	v18 =	vmov s18;
	v44 =	vperm.xlane v58, v14  }
0x94: {  	vm0 =	veq.s32 v25, v0;
	v35 =	vadd.f32 $0.0e+00, v35;
	v54 =	vperm.xlane v38, v18  }
0x95: {  	v59 =	vperm.xlane v39, v10;
	v51 =	vadd.f32 $0.0e+00, v51;
	v55 =	vadd.f32 v58, v44  }
0x96: {  	v53 =	vld [tilespmem:s12+$0x6400];
	vm15 =	vgt.s32 v54, v0;
	vm4 =	vgt.s32 v54, v1;
	vm5 =	vgt.s32 v54, v2  }
0x97: {  	v48 =	vld [tilespmem:$0x67E0];
	vm6 =	vgt.s32 v54, v3;
	vm7 =	vgt.s32 v54, v4;
	vm8 =	vgt.s32 v54, v5  }
0x98: {  	v41 =	vld [tilespmem:$0x6810];
	vm9 =	vgt.s32 v54, v6;
	v35 =	vnsel vm15, $0x0, v35;
	v33 =	vnsel vm4, $0x0, v33  }
0x99: {  	v45 =	vld [tilespmem:$0x67F0];
	vm12 =	vgt.s32 v54, v7;
	vm14 =	vgt.s32 v54, v8;
	v33 =	vadd.f32 v33, v35  }
0x9a: {  	v38 =	vld [tilespmem:$0x6830];
	v56 =	vadd.f32 v39, v59;
	v32 =	vnsel vm5, $0x0, v32;
	v29 =	vnsel vm6, $0x0, v29  }
0x9b: {  	v44 =	vld [tilespmem:$0x6800];
	v34 =	vnsel vm9, $0x0, v34;
	v30 =	vnsel vm12, $0x0, v30;
	v32 =	vadd.f32 v32, v33  }
0x9c: {  	v39 =	vld [tilespmem:$0x6820];
	v28 =	vnsel vm14, $0x0, v28;
	vm4 =	vgt.s32 v54, v9;
	v60 =	vperm.xlane v56, v12  }
0x9d: {  	s20 =	sor.u32 $0x3, s13;
	vm6 =	vgt.s32 v54, v11;
	v57 =	vperm.xlane v55, v16;
	v35 =	vld [tilespmem:$0x6840];
	v25 =	vadd.f32 v29, v32  }
0x9e: {  	v33 =	vld [tilespmem:$0x6850];
	v56 =	vadd.f32 v56, v60;
	v60 =	vnsel vm7, $0x0, v19;
	v19 =	vmov s20  }
0x9f: {  	v55 =	vadd.f32 v55, v57;
	v32 =	vld [tilespmem:$0x6860];
	v59 =	vperm.xlane v61, v19;
	v58 =	vadd.f32 v60, v25  }
0xa0: {  	v29 =	vld [tilespmem:$0x6870];
	v61 =	vadd.f32 $0.0e+00, v62;
	v57 =	vperm.xlane v56, v14;
	v60 =	vnsel vm8, $0x0, v23  }
0xa1: {  	s1 =	sadd.s32 @!p0 $0x960, s14;
	s18 =	simm.s32 @!p0 $0x67D0;
	v25 =	vld [tilespmem:$0x6880];
	vm10 =	vgt.s32 v59, v0;
	vm11 =	vgt.s32 v59, v1;
	v58 =	vadd.f32 v60, v58  }
0xa2: {  	v23 =	vld [tilespmem:$0x6890];
	[tilespmem:s18], [sflag:$0x5] =	stream.indirect.gather @!p0 [hbm4b:s3+s17], $0x1, s1, s17, $0xb8;
	v56 =	vadd.f32 v56, v57;
	v62 =	vnsel vm10, $0x0, v61;
	v63 =	vnsel vm11, $0x0, v63  }
0xa3: {  	s1 =	sadd.s32 @!p0 $0x9C8, s14;
	s18 =	simm.s32 @!p0 $0x6838;
	vm13 =	vgt.s32 v59, v2;
	v57 =	vadd.f32 v63, v62;
	v34 =	vadd.f32 v34, v58  }
0xa4: {  	v27 =	vnsel vm4, $0x0, v27;
	v26 =	vnsel vm6, $0x0, v26;
	[tilespmem:s18], [sflag:$0x5] =	stream.indirect.gather @!p0 [hbm4b:s3+s16], $0x1, s1, s16, $0xb8;
	v60 =	vnsel vm13, $0x0, v52;
	[tilespmem:$0x6B90] =	vst v63  }
0xa5: {  	vm15 =	vgt.s32 v59, v3;
	_ =	swait.ge [sflag:s29], $0xC8;
	v30 =	vadd.f32 v30, v34;
	v34 =	vadd.f32 v60, v57  }
0xa6: {  	vm5 =	vgt.s32 v59, v4;
	vm7 =	vgt.s32 v59, v5;
	v61 =	vnsel vm15, $0x0, v50;
	[sflag:s29] =	ssyncset.done $0x0  }
0xa7: {  	vm8 =	vgt.s32 v54, v13;
	[sflag:s29] =	ssyncadd.s32 $0xFFFFFF38;
	v28 =	vadd.f32 v28, v30;
	v30 =	vadd.f32 v61, v34  }
0xa8: {  	vm9 =	vgt.s32 v59, v6;
	vm12 =	vgt.s32 v59, v8;
	v62 =	vnsel vm5, $0x0, v49;
	v50 =	vld [tilespmem:s12+$0x6400]  }
0xa9: {  	vm14 =	vgt.s32 v59, v9;
	v49 =	vld [tilespmem:$0x68B0];
	v27 =	vadd.f32 v27, v28;
	v28 =	vadd.f32 v62, v30  }
0xaa: {  	v24 =	vnsel vm8, $0x0, v24;
	vm11 =	vgt.s32 v59, v7;
	v63 =	vnsel vm7, $0x0, v47;
	v47 =	vld [tilespmem:$0x68D0]  }
0xab: {  	v52 =	vnsel vm9, $0x0, v46;
	v46 =	vld [tilespmem:$0x68F0];
	v26 =	vadd.f32 v26, v27;
	v27 =	vadd.f32 v63, v28  }
0xac: {  	vm10 =	vgt.s32 v54, v15;
	v58 =	vnsel vm11, $0x0, v43;
	v57 =	vperm.xlane v56, v16;
	v43 =	vld [tilespmem:$0x6910]  }
0xad: {  	v60 =	vsel vm0, v55, v20;
	v55 =	vld [tilespmem:$0x6930];
	v24 =	vadd.f32 v24, v26;
	v26 =	vadd.f32 v52, v27  }
0xae: {  	vm4 =	vgt.s32 v59, v13;
	v22 =	vnsel vm10, $0x0, v22;
	v34 =	vld [tilespmem:$0x68A0];
	v61 =	vadd.f32 v56, v57  }
0xaf: {  	v42 =	vnsel vm12, $0x0, v42;
	v56 =	vld [tilespmem:$0x6940];
	v22 =	vadd.f32 v22, v24;
	v20 =	vadd.f32 v58, v26  }
0xb0: {  	v40 =	vnsel vm14, $0x0, v40;
	vm15 =	vgt.s32 v59, v11;
	v36 =	vnsel vm4, $0x0, v36;
	v30 =	vld [tilespmem:$0x68C0]  }
0xb1: {  	vm13 =	veq.s32 v21, v0;
	s18 =	sor.u32 $0x4, s13;
	v28 =	vld [tilespmem:$0x68E0];
	v62 =	vperm.xlane v22, v10;
	v42 =	vadd.f32 v42, v20  }
0xb2: {  	v37 =	vnsel vm15, $0x0, v37;
	vm7 =	vgt.s32 v59, v15;
	v27 =	vld [tilespmem:$0x6900];
	v20 =	vmov s18  }
0xb3: {  	v52 =	vld [tilespmem:$0x6950];
	v22 =	vadd.f32 v22, v62;
	v40 =	vadd.f32 v40, v42;
	v42 =	vperm.xlane v53, v20  }
0xb4: {  	s1 =	sadd.s32 @!p0 $0xA28, s14;
	v31 =	vnsel vm7, $0x0, v31;
	v21 =	vsel vm13, v61, v60;
	v34 =	vadd.f32 $0.0e+00, v34;
	v24 =	vld [tilespmem:$0x6920];
	s18 =	simm.s32 @!p0 $0x68A0  }
0xb5: {  	v26 =	vld [tilespmem:$0x6960];
	[tilespmem:s18], [sflag:$0x6] =	stream.indirect.gather @!p0 [hbm4b:s3+s17], $0x1, s1, s17, $0xb8;
	v63 =	vperm.xlane v22, v12;
	vm5 =	vgt.s32 v42, v0;
	vm6 =	vgt.s32 v42, v1  }
0xb6: {  	s1 =	sadd.s32 @!p0 $0xA90, s14;
	s18 =	simm.s32 @!p0 $0x6908;
	v37 =	vadd.f32 v37, v40;
	vm8 =	vgt.s32 v42, v2;
	vm9 =	vgt.s32 v42, v3  }
0xb7: {  	[tilespmem:s18], [sflag:$0x6] =	stream.indirect.gather @!p0 [hbm4b:s3+s16], $0x1, s1, s16, $0xb8;
	vm12 =	vgt.s32 v42, v4;
	vm14 =	vgt.s32 v42, v5;
	vm4 =	vgt.s32 v42, v6;
	[tilespmem:$0x6B90] =	vst v63  }
0xb8: {  	s20 =	sor.u32 $0x5, s13;
	_ =	swait.ge [sflag:s30], $0xC8;
	v51 =	vnsel vm5, $0x0, v51;
	v53 =	vadd.f32 v22, v63;
	v22 =	vnsel vm6, $0x0, v48  }
0xb9: {  	[sflag:s30] =	ssyncset.done $0x0;
	v45 =	vnsel vm8, $0x0, v45;
	v57 =	vadd.f32 v22, v51;
	v22 =	vmov s20  }
0xba: {  	v44 =	vnsel vm9, $0x0, v44;
	v41 =	vnsel vm12, $0x0, v41;
	[sflag:s30] =	ssyncadd.s32 $0xFFFFFF38;
	v48 =	vperm.xlane v50, v22  }
0xbb: {  	v39 =	vnsel vm14, $0x0, v39;
	v38 =	vnsel vm4, $0x0, v38;
	vm8 =	vgt.s32 v42, v8;
	v58 =	vld [tilespmem:$0x6970]  }
0xbc: {  	v50 =	vld [tilespmem:$0x69F0];
	v40 =	vadd.f32 v45, v57;
	vm10 =	vgt.s32 v48, v0;
	vm11 =	vgt.s32 v48, v1  }
0xbd: {  	vm12 =	vgt.s32 v42, v11;
	v45 =	vld [tilespmem:s12+$0x6400];
	v34 =	vnsel vm10, $0x0, v34;
	v59 =	vnsel vm11, $0x0, v49  }
0xbe: {  	vm13 =	vgt.s32 v48, v2;
	v40 =	vadd.f32 v44, v40;
	v49 =	vld [tilespmem:$0x6980];
	v34 =	vadd.f32 v59, v34  }
0xbf: {  	v36 =	vadd.f32 v36, v37;
	vm15 =	vgt.s32 v48, v3;
	v44 =	vld [tilespmem:$0x6990];
	v30 =	vnsel vm13, $0x0, v30  }
0xc0: {  	v60 =	vnsel vm15, $0x0, v47;
	v47 =	vld [tilespmem:$0x69C0];
	v40 =	vadd.f32 v41, v40;
	v30 =	vadd.f32 v30, v34  }
0xc1: {  	vm6 =	vgt.s32 v42, v7;
	v33 =	vnsel vm8, $0x0, v33;
	v29 =	vnsel vm12, $0x0, v29;
	v41 =	vld [tilespmem:$0x69A0]  }
0xc2: {  	vm5 =	vgt.s32 v48, v4;
	v34 =	vld [tilespmem:$0x69B0];
	v39 =	vadd.f32 v39, v40;
	v30 =	vadd.f32 v60, v30  }
0xc3: {  	v35 =	vnsel vm6, $0x0, v35;
	vm6 =	vgt.s32 v42, v15;
	v28 =	vnsel vm5, $0x0, v28;
	v40 =	vld [tilespmem:$0x69D0]  }
0xc4: {  	vm7 =	vgt.s32 v48, v5;
	v38 =	vadd.f32 v38, v39;
	v39 =	vld [tilespmem:$0x69E0];
	v28 =	vadd.f32 v28, v30  }
0xc5: {  	v31 =	vadd.f32 v31, v36;
	vm9 =	vgt.s32 v48, v6;
	v61 =	vnsel vm7, $0x0, v46;
	v30 =	vld [tilespmem:$0x6A10]  }
0xc6: {  	vm14 =	vgt.s32 v48, v9;
	v35 =	vadd.f32 v35, v38;
	v38 =	vld [tilespmem:$0x6A00];
	v46 =	vadd.f32 v61, v28  }
0xc7: {  	s1 =	sadd.s32 @!p0 $0xAF0, s14;
	s18 =	simm.s32 @!p0 $0x6970;
	vm4 =	vgt.s32 v48, v11;
	v27 =	vnsel vm9, $0x0, v27;
	vm10 =	vgt.s32 v42, v9;
	v28 =	vld [tilespmem:$0x6A20]  }
0xc8: {  	vm11 =	vgt.s32 v48, v7;
	v33 =	vadd.f32 v33, v35;
	v62 =	vadd.f32 v27, v46;
	v27 =	vld [tilespmem:$0x6A30];
	[tilespmem:s18], [sflag:$0x7] =	stream.indirect.gather @!p0 [hbm4b:s3+s17], $0x1, s1, s17, $0xb8  }
0xc9: {  	vm13 =	vgt.s32 v48, v8;
	v32 =	vnsel vm10, $0x0, v32;
	v63 =	vnsel vm11, $0x0, v43;
	s1 =	sadd.s32 @!p0 $0xB58, s14;
	s14 =	simm.s32 @!p0 $0x69D8  }
0xca: {  	v51 =	vnsel vm14, $0x0, v55;
	v32 =	vadd.f32 v32, v33;
	v33 =	vadd.f32 v63, v62;
	[tilespmem:s14], [sflag:$0x7] =	stream.indirect.gather @!p0 [hbm4b:s3+s16], $0x1, s1, s16, $0xb8;
	[tilespmem:$0x6B90] =	vst v63  }
0xcb: {  	vm15 =	vgt.s32 v42, v13;
	v55 =	vnsel vm4, $0x0, v56;
	v24 =	vnsel vm13, $0x0, v24;
	_ =	swait.ge [sflag:s31], $0xC8  }
0xcc: {  	vm5 =	vgt.s32 v48, v13;
	v29 =	vadd.f32 v29, v32;
	v24 =	vadd.f32 v24, v33;
	[sflag:s31] =	ssyncset.done $0x0  }
0xcd: {  	s20 =	sor.u32 $0x7, s13;
	v42 =	vnsel vm6, $0x0, v23;
	vm7 =	vgt.s32 v48, v15;
	v54 =	vnsel vm15, $0x0, v25;
	[sflag:s31] =	ssyncadd.s32 $0xFFFFFF38  }
0xce: {  	v23 =	vmov s20;
	v29 =	vadd.f32 v54, v29;
	v24 =	vadd.f32 v51, v24;
	v25 =	vld [tilespmem:s12+$0x6400]  }
0xcf: {  	v43 =	vperm.xlane v53, v14;
	v57 =	vnsel vm5, $0x0, v52;
	v46 =	vperm.xlane v31, v10;
	s18 =	sor.u32 $0x6, s13;
	v56 =	vld [tilespmem:$0x6A40]  }
0xd0: {  	v29 =	vadd.f32 v42, v29;
	v33 =	vadd.f32 v55, v24;
	v24 =	vmov s18  }
0xd1: {  	v37 =	vadd.f32 $0.0e+00, v58;
	v26 =	vnsel vm7, $0x0, v26;
	v36 =	vperm.xlane v45, v24  }
0xd2: {  	v31 =	vadd.f32 v31, v46;
	v32 =	vadd.f32 v53, v43;
	v43 =	vperm.xlane v29, v10  }
0xd3: {  	v58 =	vld [tilespmem:$0x6A50];
	v33 =	vadd.f32 v57, v33;
	vm8 =	vgt.s32 v36, v0;
	v45 =	vperm.xlane v25, v23  }
0xd4: {  	vm9 =	vgt.s32 v36, v1;
	v35 =	vadd.f32 $0.0e+00, v56;
	vm12 =	vgt.s32 v36, v2  }
0xd5: {  	v59 =	vld [tilespmem:$0x6A60];
	vm14 =	vgt.s32 v36, v3;
	v37 =	vnsel vm8, $0x0, v37;
	v60 =	vnsel vm9, $0x0, v49  }
0xd6: {  	vm4 =	vgt.s32 v36, v4;
	v26 =	vadd.f32 v26, v33;
	v37 =	vadd.f32 v60, v37  }
0xd7: {  	v62 =	vld [tilespmem:$0x6A70];
	v48 =	vnsel vm12, $0x0, v44;
	vm10 =	vgt.s32 v45, v0;
	vm11 =	vgt.s32 v45, v1  }
0xd8: {  	v61 =	vnsel vm10, $0x0, v35;
	v63 =	vnsel vm11, $0x0, v58;
	v37 =	vadd.f32 v48, v37  }
0xd9: {  	v49 =	vld [tilespmem:$0x6A80];
	v41 =	vnsel vm14, $0x0, v41;
	vm13 =	vgt.s32 v45, v2;
	v33 =	vadd.f32 v63, v61  }
0xda: {  	vm6 =	vgt.s32 v36, v5;
	v51 =	vnsel vm13, $0x0, v59;
	v37 =	vadd.f32 v41, v37  }
0xdb: {  	v52 =	vld [tilespmem:$0x6A90];
	v34 =	vnsel vm4, $0x0, v34;
	vm15 =	vgt.s32 v45, v3;
	v33 =	vadd.f32 v51, v33  }
0xdc: {  	v29 =	vadd.f32 v29, v43;
	v35 =	vnsel vm15, $0x0, v62;
	v34 =	vadd.f32 v34, v37  }
0xdd: {  	v53 =	vld [tilespmem:$0x6AA0];
	v55 =	vnsel vm6, $0x0, v47;
	vm5 =	vgt.s32 v45, v4;
	v33 =	vadd.f32 v35, v33  }
0xde: {  	vm8 =	vgt.s32 v36, v6;
	v54 =	vnsel vm5, $0x0, v49;
	v34 =	vadd.f32 v55, v34  }
0xdf: {  	v56 =	vld [tilespmem:$0x6AB0];
	vm7 =	vgt.s32 v45, v5;
	v40 =	vnsel vm8, $0x0, v40;
	v33 =	vadd.f32 v54, v33  }
0xe0: {  	v57 =	vnsel vm7, $0x0, v52;
	vm10 =	vgt.s32 v36, v7;
	v34 =	vadd.f32 v40, v34  }
0xe1: {  	vm9 =	vgt.s32 v45, v6;
	v58 =	vld [tilespmem:$0x6AC0];
	v39 =	vnsel vm10, $0x0, v39;
	v33 =	vadd.f32 v57, v33  }
0xe2: {  	vm12 =	vgt.s32 v36, v8;
	v35 =	vnsel vm9, $0x0, v53;
	v34 =	vadd.f32 v39, v34  }
0xe3: {  	v60 =	vnsel vm12, $0x0, v50;
	vm11 =	vgt.s32 v45, v7;
	v59 =	vld [tilespmem:$0x6AD0];
	v33 =	vadd.f32 v35, v33  }
0xe4: {  	vm14 =	vgt.s32 v36, v9;
	v37 =	vnsel vm11, $0x0, v56;
	v34 =	vadd.f32 v60, v34  }
0xe5: {  	v38 =	vnsel vm14, $0x0, v38;
	vm13 =	vgt.s32 v45, v8;
	v61 =	vld [tilespmem:$0x6AE0];
	v33 =	vadd.f32 v37, v33  }
0xe6: {  	vm4 =	vgt.s32 v36, v11;
	v62 =	vnsel vm13, $0x0, v58;
	v34 =	vadd.f32 v38, v34  }
0xe7: {  	v30 =	vnsel vm4, $0x0, v30;
	vm15 =	vgt.s32 v45, v9;
	v63 =	vld [tilespmem:$0x6AF0];
	v33 =	vadd.f32 v62, v33  }
0xe8: {  	vm6 =	vgt.s32 v36, v13;
	v35 =	vnsel vm15, $0x0, v59;
	v30 =	vadd.f32 v30, v34  }
0xe9: {  	v28 =	vnsel vm6, $0x0, v28;
	vm5 =	vgt.s32 v45, v11;
	v40 =	vld [tilespmem:$0x6B00];
	v33 =	vadd.f32 v35, v33  }
0xea: {  	vm8 =	vgt.s32 v36, v15;
	v41 =	vnsel vm5, $0x0, v61;
	v28 =	vadd.f32 v28, v30  }
0xeb: {  	p1 =	seq.s32 s13, $0x0;
	vm7 =	vgt.s32 v45, v13;
	v27 =	vnsel vm8, $0x0, v27;
	v33 =	vadd.f32 v41, v33  }
0xec: {  	v25 =	vcvt.s32.f32 @!p1 v25;
	v42 =	vnsel vm7, $0x0, v63;
	v27 =	vadd.f32 v27, v28  }
0xed: {  	v46 =	vperm.xlane v26, v10;
	vm9 =	vgt.s32 v45, v15;
	v30 =	vadd.f32 v42, v33  }
0xee: {  	v47 =	vperm.xlane v32, v16;
	v44 =	vnsel vm9, $0x0, v40;
	v48 =	vperm.xlane v27, v10  }
0xef: {  	v26 =	vadd.f32 v26, v46;
	v45 =	vperm.xlane v31, v12;
	v28 =	vadd.f32 v44, v30  }
0xf0: {  	v50 =	vperm.xlane v29, v12;
	(erf) = vrcp.f32 @!p1 v25;
	v27 =	vadd.f32 v27, v48  }
0xf1: {  	v52 =	vperm.xlane v26, v12;
	v31 =	vadd.f32 v31, v45;
	v49 =	vperm.xlane v28, v10  }
0xf2: {  	vm10 =	veq.s32 v18, v0;
	v18 =	vadd.f32 v29, v50;
	v53 =	vperm.xlane v27, v12  }
0xf3: {  	v26 =	vadd.f32 v26, v52;
	v51 =	vperm.xlane v31, v14;
	v28 =	vadd.f32 v28, v49  }
0xf4: {  	vm12 =	veq.s32 v20, v0;
	v55 =	vperm.xlane v18, v14;
	v27 =	vadd.f32 v27, v53  }
0xf5: {  	v57 =	vperm.xlane v26, v14;
	v31 =	vadd.f32 v31, v51;
	v54 =	vperm.xlane v28, v12  }
0xf6: {  	vm11 =	veq.s32 v19, v0;
	v18 =	vadd.f32 v18, v55;
	v58 =	vperm.xlane v27, v14  }
0xf7: {  	v26 =	vadd.f32 v26, v57;
	v56 =	vperm.xlane v31, v16;
	v28 =	vadd.f32 v28, v54  }
0xf8: {  	v60 =	vperm.xlane v18, v16;
	v30 =	vadd.f32 v32, v47;
	v25 =	vadd.f32 v27, v58  }
0xf9: {  	v61 =	vperm.xlane v26, v16;
	v29 =	vadd.f32 v31, v56;
	v59 =	vperm.xlane v28, v14  }
0xfa: {  	v18 =	vadd.f32 v18, v60;
	v21 =	vsel vm10, v30, v21;
	v62 =	vperm.xlane v25, v16  }
0xfb: {  	v20 =	vadd.f32 v26, v61;
	v21 =	vsel vm11, v29, v21;
	v19 =	vadd.f32 v28, v59  }
0xfc: {  	vm13 =	veq.s32 v22, v0;
	v18 =	vsel vm12, v18, v21;
	v21 =	vadd.f32 v25, v62  }
0xfd: {  	vm14 =	veq.s32 v24, v0;
	v18 =	vsel vm13, v20, v18;
	v63 =	vperm.xlane v19, v16  }
0xfe: {  	v18 =	vsel vm14, v21, v18  }
0xff: {  	v19 =	vadd.f32 v19, v63  }
0x100: {  	vm15 =	veq.s32 v23, v0  }
0x101: {  	v20 =	vsel vm15, v19, v18;
	v18 =	vpop @!p1 (erf)  }
.Ltmp2:
0x102: {  	v18 =	vmul.f32 @!p1 v20, v18;
	(pc) =	sbr.rel @p0 .LBB2_4-.Ltmp2, $3  }
0x103: {  	_ = 	snop  }
0x104: {  	v18 =	vadd.f32 @!p1 v18, v17;
	_ =	sdelay $0x1  }
0x105: {  	[tilespmem:s12+$0x6B10] =	vst @!p1 v18  }
.Ltmp3:
0x106: {  	s1 =	sshra.s32 s10, $0x2;
	(pc) =	sbr.rel .LBB2_2-.Ltmp3, $4  }
0x107: {  	s12 =	sadd.s32 $0xBB8, s1  }
0x108: {  	[tilespmem:s19], [sflag:$0x8] =	stream.indirect.gather [hbm4b:s3+s11], $0x1, s12, s11, $0xb8;
	[tilespmem:$0x6B90] =	vst v63  }
0x109: {  	s10 =	sadd.s32 $0x1900, s10;
	s9 =	sadd.s32 $0x8, s9;
	s1 =	sadd.s32 $0xC20, s1  }
0x10a: {  	[tilespmem:s21], [sflag:$0x8] =	stream.indirect.gather [hbm4b:s3+s24], $0x1, s1, s24, $0xb8;
	[tilespmem:$0x6B90] =	vst v63  }
.LBB2_5:
0x10b: {  	_ =	sfence.sel $0x180000  }
0x10c: {  	[bflag:$0x0] =	sbarrier.arrive $0xFFFF  }
0x10d: {  	_ =	strace $0x90000047  }
0x10e: {  	s0 =	stileid.u32;
	[bflag:$0x2] =	sbarrier.arrive $0xFFFF  }
0x10f: {  	p0 =	sne.s32 s0, $0x0;
	s0 =	rddreg [dreg:$0x3]  }
0x110: {  	s0 =	sadd.s32 @!p0 $0x100000, s0  }
0x111: {  	[sflag:s0] =	ssyncadd.tile.s32 @!p0 $0x1;
	_ =	shalt  }
.Lfunc_end2:
_tile_overlayer_lowered:
.L_overlay_start_2:
0x112: {  	(tag) =	ssettag $0x2  }
0x113: {  	s0 =	rddreg [dreg:$0x0];
	s2 =	stileid.u32  }
0x114: {  	s1 =	rddreg [dreg:$0x1];
	p0 =	sne.s32 s2, $0x0  }
0x115: {  	s3 =	rddreg [dreg:$0x2];
	[bflag:$0x3] =	sbarrier.arrive $0xFFFF;
	s2 =	simm.s32 @!p0 $0x1C09  }
0x116: {  	[timem:s3], [sflag:s2] =	dma.local @!p0 [hbm:s0], s1  }
0x117: {  	s0 =	simm.s32 @!p0 $0x9  }
0x118: {  	_ =	swait.ge @!p0 [sflag:s0], s1  }
0x119: {  	s1 =	ssub.s32 @!p0 $0x0, s1;
	[sflag:s0] =	ssyncset.done @!p0 $0x0  }
0x11a: {  	[sflag:s0] =	ssyncadd.s32 @!p0 s1  }
0x11b: {  	[bflag:$0x3] =	sbarrier.arrive $0xFFFF  }
0x11c: {  	_ =	shalt  }

</sc_bundles>
